<compile_context>
chip_gen: v7x
topology: tpu7x:2x2x1
jax: 0.10.2.dev20260603
libtpu: 0.0.44.dev20260713+nightly
codegen_flags: <defaults>
</compile_context>

<pallas_src>
import functools

import jax
import jax.numpy as jnp
from jax import lax
from jax.experimental import pallas as pl
from jax.experimental.pallas import tpu as pltpu
from jax.experimental.pallas import tpu_sc as plsc

_NC = 2
_NS = 16
_NW = _NC * _NS
_L = 16
_BP = 17


@functools.lru_cache(maxsize=None)
def _make_gather(V, D, B, H):
    b_per_w = B // _NW
    bchunk = _L
    n_chunks = b_per_w // bchunk
    chunk = bchunk * H
    mesh = plsc.VectorSubcoreMesh(core_axis_name="c", subcore_axis_name="s")

    @functools.partial(
        pl.kernel,
        mesh=mesh,
        out_type=jax.ShapeDtypeStruct((H, D, B), jnp.float32),
        scratch_types=[
            pltpu.VMEM((chunk,), jnp.int32),
            pltpu.VMEM((chunk,), jnp.int32),
            pltpu.VMEM((chunk, D), jnp.float32),
            pltpu.VMEM((chunk, D), jnp.float32),
            pltpu.VMEM((H, D, _BP), jnp.float32),
            pltpu.VMEM((H, D, _BP), jnp.float32),
            pltpu.SemaphoreType.DMA,
            pltpu.SemaphoreType.DMA,
            pltpu.SemaphoreType.DMA,
            pltpu.SemaphoreType.DMA,
            pltpu.SemaphoreType.DMA,
            pltpu.SemaphoreType.DMA,
        ],
        compiler_params=pltpu.CompilerParams(
            use_tc_tiling_on_sc=False, needs_layout_passes=False),
    )
    def k(table_hbm, idx_hbm, out_hbm, i0, i1, g0, g1, t0, t1,
          isem0, isem1, gsem0, gsem1, wsem0, wsem1):
        wid = lax.axis_index("s") * _NC + lax.axis_index("c")
        b_base = wid * b_per_w
        r_base = b_base * H

        ibufs = (i0, i1)
        gbufs = (g0, g1)
        tbufs = (t0, t1)
        isems = (isem0, isem1)
        gsems = (gsem0, gsem1)
        wsems = (wsem0, wsem1)

        def fire_idx(c, p):
            pltpu.async_copy(
                idx_hbm.at[pl.ds(r_base + c * chunk, chunk)],
                ibufs[p], isems[p])

        def wait_idx(p):
            pltpu.make_async_copy(
                idx_hbm.at[pl.ds(0, chunk)], ibufs[p], isems[p]).wait()

        def fire_gather(p):
            pltpu.async_copy(table_hbm.at[ibufs[p]], gbufs[p], gsems[p])

        def wait_gather(p):
            pltpu.make_async_copy(
                table_hbm.at[pl.ds(0, chunk)], gbufs[p], gsems[p]).wait()

        def drain_write(p):
            pltpu.make_async_copy(
                table_hbm.at[pl.ds(0, chunk)], gbufs[p], wsems[p]).wait()

        def transpose(p):
            gb = gbufs[p]
            tb = tbufs[p]
            dvecs = [
                (jnp.full((_L,), d0, jnp.int32) + lax.iota(jnp.int32, _L))
                for d0 in range(0, D, _L)
            ]
            zeros = jnp.zeros((_L,), jnp.int32)

            @plsc.parallel_loop(0, H, unroll=2)
            def hbody(h):
                hvec = zeros + h
                for b in range(bchunk):
                    for f, d0 in enumerate(range(0, D, _L)):
                        vals = gb[b * H + h, pl.ds(d0, _L)]
                        plsc.store_scatter(
                            tb, [hvec, dvecs[f], zeros + b], vals)

        def fire_write(c, p):
            pltpu.async_copy(
                tbufs[p].at[:, :, pl.ds(0, bchunk)],
                out_hbm.at[:, :, pl.ds(b_base + c * bchunk, bchunk)],
                wsems[p])

        fire_idx(0, 0)
        fire_idx(1, 1)
        wait_idx(0)
        fire_gather(0)
        wait_idx(1)
        fire_gather(1)
        n_pairs = n_chunks // 2

        def pair(j, _):
            c0 = 2 * j
            c1 = c0 + 1

            wait_gather(0)

            @pl.when(j + 1 < n_pairs)
            def _():
                fire_idx(c0 + 2, 0)

            @pl.when(j >= 1)
            def _():
                drain_write(0)
            transpose(0)

            @pl.when(j + 1 < n_pairs)
            def _():
                wait_idx(0)
                fire_gather(0)
            fire_write(c0, 0)

            wait_gather(1)

            @pl.when(j + 1 < n_pairs)
            def _():
                fire_idx(c1 + 2, 1)

            @pl.when(j >= 1)
            def _():
                drain_write(1)
            transpose(1)

            @pl.when(j + 1 < n_pairs)
            def _():
                wait_idx(1)
                fire_gather(1)
            fire_write(c1, 1)
            return 0

        lax.fori_loop(0, n_pairs, pair, 0)
        drain_write(0)
        drain_write(1)

    return k


def kernel(table, inputs):
    B, H = inputs.shape
    V, D = table.shape
    idx = inputs.reshape(B * H).astype(jnp.int32)
    out_t = _make_gather(V, D, B, H)(table, idx)
    return out_t.transpose(2, 0, 1)

# --- scband reference (transcript-rebuilt; emitter-appended) ---
"""Pipeline reference for scband-const-mul-11458972745995 (READ-ONLY COPY).

The authoritative reference and input builder live on the scoring server;
editing this copy changes nothing except your own understanding.
"""

import jax, jax.numpy as jnp
import numpy as np

VOCAB = 1000000
EMBED_DIM = 32
BATCH = 16384
HIST = 50

def setup_inputs(seed: int = 0) -> dict:
    key = jax.random.key(seed)
    k_table, k_idx = jax.random.split(key)
    table = jax.random.normal(k_table, (VOCAB, EMBED_DIM), dtype=jnp.float32)
    inputs = jax.random.randint(k_idx, (BATCH, HIST), 0, VOCAB, dtype=jnp.int64)
    return {"table": table, "inputs": inputs}

def reference(table, inputs):
    # tf.nn.embedding_lookup(const, inputs) -> gather rows along axis 0
    return jnp.take(table, inputs, axis=0)

if __name__ == "__main__":
    import jax
    _d = setup_inputs()
    print(jax.jit(kernel)(*tuple(_d.values())))

</pallas_src>

<mosaic_0001>
#map = affine_map<(d0, d1) -> (0, 0)>
#map1 = affine_map<(d0, d1) -> (0)>
#map2 = affine_map<(d0, d1) -> (0, 0, 0)>
module attributes {stable_mosaic.version = 14 : i64} {
  func.func @k(%arg0: i32, %arg1: i32, %arg2: memref<1000000x32xf32, #tpu.memory_space<hbm>>, %arg3: memref<819200xi32, #tpu.memory_space<hbm>>, %arg4: memref<50x32x16384xf32, #tpu.memory_space<hbm>>, %arg5: memref<800xi32, #tpu.memory_space<vmem>>, %arg6: memref<800xi32, #tpu.memory_space<vmem>>, %arg7: memref<800x32xf32, #tpu.memory_space<vmem>>, %arg8: memref<800x32xf32, #tpu.memory_space<vmem>>, %arg9: memref<50x32x17xf32, #tpu.memory_space<vmem>>, %arg10: memref<50x32x17xf32, #tpu.memory_space<vmem>>, %arg11: memref<!tpu.dma_semaphore, #tpu.memory_space<semaphore_mem>>, %arg12: memref<!tpu.dma_semaphore, #tpu.memory_space<semaphore_mem>>, %arg13: memref<!tpu.dma_semaphore, #tpu.memory_space<semaphore_mem>>, %arg14: memref<!tpu.dma_semaphore, #tpu.memory_space<semaphore_mem>>, %arg15: memref<!tpu.dma_semaphore, #tpu.memory_space<semaphore_mem>>, %arg16: memref<!tpu.dma_semaphore, #tpu.memory_space<semaphore_mem>>) attributes {dimension_semantics = [#tpu.dimension_semantics<core_parallel>, #tpu.dimension_semantics<subcore_parallel>], iteration_bounds = array<i64: 2, 16>, scalar_prefetch = 0 : i64, scratch_operands = 12 : i64, tpu.core_type = #tpu.core_type<sc_vector_subcore>, window_params = [{transform_indices = #map}, {transform_indices = #map1}, {transform_indices = #map2}]} {
    %mul3A = arith.constant 2 : i32
    %mul3A_0 = arith.muli %arg1, %mul3A : i32
    %add3A = arith.addi %mul3A_0, %arg0 : i32
    %mul3A_1 = arith.constant 512 : i32
    %mul3A_2 = arith.muli %add3A, %mul3A_1 : i32
    %mul3A_3 = arith.constant 50 : i32
    %mul3A_4 = arith.muli %mul3A_2, %mul3A_3 : i32
    %add3A_5 = arith.constant 0 : i32
    %add3A_6 = arith.addi %mul3A_4, %add3A_5 : i32
    %dma_start3A = tpu.memref_slice %arg3[%add3A_6] : memref<819200xi32, #tpu.memory_space<hbm>> -> memref<800xi32, #tpu.memory_space<hbm>>
    %dma_start3A_7 = tpu.memref_slice %arg3[%add3A_6] : memref<819200xi32, #tpu.memory_space<hbm>> -> memref<800xi32, #tpu.memory_space<hbm>>
    tpu.enqueue_dma source(%dma_start3A_7 : memref<800xi32, #tpu.memory_space<hbm>>) target(%arg5 : memref<800xi32, #tpu.memory_space<vmem>>) target_semaphore(%arg11 : memref<!tpu.dma_semaphore, #tpu.memory_space<semaphore_mem>>)
    %add3A_8 = arith.constant 800 : i32
    %add3A_9 = arith.addi %mul3A_4, %add3A_8 : i32
    %dma_start3A_10 = tpu.memref_slice %arg3[%add3A_9] : memref<819200xi32, #tpu.memory_space<hbm>> -> memref<800xi32, #tpu.memory_space<hbm>>
    %dma_start3A_11 = tpu.memref_slice %arg3[%add3A_9] : memref<819200xi32, #tpu.memory_space<hbm>> -> memref<800xi32, #tpu.memory_space<hbm>>
    tpu.enqueue_dma source(%dma_start3A_11 : memref<800xi32, #tpu.memory_space<hbm>>) target(%arg6 : memref<800xi32, #tpu.memory_space<vmem>>) target_semaphore(%arg12 : memref<!tpu.dma_semaphore, #tpu.memory_space<semaphore_mem>>)
    %dma_wait3A = arith.constant 0 : i32
    %dma_wait3A_12 = tpu.memref_slice %arg3[%dma_wait3A] : memref<819200xi32, #tpu.memory_space<hbm>> -> memref<800xi32, #tpu.memory_space<hbm>>
    %dma_wait3A_13 = arith.constant 0 : i32
    %dma_wait3A_14 = tpu.memref_slice %arg3[%dma_wait3A_13] : memref<819200xi32, #tpu.memory_space<hbm>> -> memref<800xi32, #tpu.memory_space<hbm>>
    tpu.wait_dma2 semaphore(%arg11 : memref<!tpu.dma_semaphore, #tpu.memory_space<semaphore_mem>>) src(%dma_wait3A_14 : memref<800xi32, #tpu.memory_space<hbm>>) dst(%arg5 : memref<800xi32, #tpu.memory_space<vmem>>)
    %dma_start3A_15 = arith.constant 0 : i32
    %dma_start3A_16 = arith.constant 0 : i32
    %dma_start3A_17 = tpu.memref_slice %arg2[%dma_start3A_15, %dma_start3A_16] : memref<1000000x32xf32, #tpu.memory_space<hbm>> -> memref<1000000x32xf32, #tpu.memory_space<hbm>>
    tpu.enqueue_indirect_dma source(%dma_start3A_17 : memref<1000000x32xf32, #tpu.memory_space<hbm>>) target(%arg7 : memref<800x32xf32, #tpu.memory_space<vmem>>) offsets(%arg5 : memref<800xi32, #tpu.memory_space<vmem>>) semaphore(%arg13 : memref<!tpu.dma_semaphore, #tpu.memory_space<semaphore_mem>>)
    %dma_wait3A_18 = arith.constant 0 : i32
    %dma_wait3A_19 = tpu.memref_slice %arg3[%dma_wait3A_18] : memref<819200xi32, #tpu.memory_space<hbm>> -> memref<800xi32, #tpu.memory_space<hbm>>
    %dma_wait3A_20 = arith.constant 0 : i32
    %dma_wait3A_21 = tpu.memref_slice %arg3[%dma_wait3A_20] : memref<819200xi32, #tpu.memory_space<hbm>> -> memref<800xi32, #tpu.memory_space<hbm>>
    tpu.wait_dma2 semaphore(%arg12 : memref<!tpu.dma_semaphore, #tpu.memory_space<semaphore_mem>>) src(%dma_wait3A_21 : memref<800xi32, #tpu.memory_space<hbm>>) dst(%arg6 : memref<800xi32, #tpu.memory_space<vmem>>)
    %dma_start3A_22 = arith.constant 0 : i32
    %dma_start3A_23 = arith.constant 0 : i32
    %dma_start3A_24 = tpu.memref_slice %arg2[%dma_start3A_22, %dma_start3A_23] : memref<1000000x32xf32, #tpu.memory_space<hbm>> -> memref<1000000x32xf32, #tpu.memory_space<hbm>>
    tpu.enqueue_indirect_dma source(%dma_start3A_24 : memref<1000000x32xf32, #tpu.memory_space<hbm>>) target(%arg8 : memref<800x32xf32, #tpu.memory_space<vmem>>) offsets(%arg6 : memref<800xi32, #tpu.memory_space<vmem>>) semaphore(%arg14 : memref<!tpu.dma_semaphore, #tpu.memory_space<semaphore_mem>>)
    %scan3A = arith.constant 0 : i32
    %scan3A_25 = arith.constant 0 : i32
    %scan3A_26 = arith.constant 16 : i32
    %scan3A_27 = arith.addi %scan3A_25, %scan3A_26 : i32
    %scan3A_28 = arith.constant 1 : i32
    %scan3A_29 = scf.for %scan3A_43 = %scan3A_25 to %scan3A_27 step %scan3A_28 iter_args(%scan3A_44 = %scan3A) -> (i32)  : i32 {
      %mul3A_45 = arith.constant 2 : i32
      %mul3A_46 = arith.muli %mul3A_45, %scan3A_43 : i32
      %add3A_47 = arith.constant 1 : i32
      %add3A_48 = arith.addi %mul3A_46, %add3A_47 : i32
      %dma_wait3A_49 = arith.constant 0 : i32
      %dma_wait3A_50 = arith.constant 0 : i32
      %dma_wait3A_51 = tpu.memref_slice %arg2[%dma_wait3A_49, %dma_wait3A_50] : memref<1000000x32xf32, #tpu.memory_space<hbm>> -> memref<800x32xf32, #tpu.memory_space<hbm>>
      %dma_wait3A_52 = arith.constant 0 : i32
      %dma_wait3A_53 = arith.constant 0 : i32
      %dma_wait3A_54 = tpu.memref_slice %arg2[%dma_wait3A_52, %dma_wait3A_53] : memref<1000000x32xf32, #tpu.memory_space<hbm>> -> memref<800x32xf32, #tpu.memory_space<hbm>>
      tpu.wait_dma2 semaphore(%arg13 : memref<!tpu.dma_semaphore, #tpu.memory_space<semaphore_mem>>) src(%dma_wait3A_54 : memref<800x32xf32, #tpu.memory_space<hbm>>) dst(%arg7 : memref<800x32xf32, #tpu.memory_space<vmem>>)
      %add3A_55 = arith.constant 1 : i32
      %add3A_56 = arith.addi %scan3A_43, %add3A_55 : i32
      %lt3A = arith.constant 16 : i32
      %lt3A_57 = arith.cmpi slt, %add3A_56, %lt3A : i32
      %convert_element_type3A = arith.extui %lt3A_57 : i1 to i32
      %cond3A = arith.constant 0 : i32
      %cond3A_58 = arith.cmpi ne, %convert_element_type3A, %cond3A : i32
      scf.if %cond3A_58 {
        %add3A_153 = arith.constant 2 : i32
        %add3A_154 = arith.addi %mul3A_46, %add3A_153 : i32
        %mul3A_155 = arith.constant 800 : i32
        %mul3A_156 = arith.muli %add3A_154, %mul3A_155 : i32
        %add3A_157 = arith.addi %mul3A_4, %mul3A_156 : i32
        %dma_start3A_158 = tpu.memref_slice %arg3[%add3A_157] : memref<819200xi32, #tpu.memory_space<hbm>> -> memref<800xi32, #tpu.memory_space<hbm>>
        %dma_start3A_159 = tpu.memref_slice %arg3[%add3A_157] : memref<819200xi32, #tpu.memory_space<hbm>> -> memref<800xi32, #tpu.memory_space<hbm>>
        tpu.enqueue_dma source(%dma_start3A_159 : memref<800xi32, #tpu.memory_space<hbm>>) target(%arg5 : memref<800xi32, #tpu.memory_space<vmem>>) target_semaphore(%arg11 : memref<!tpu.dma_semaphore, #tpu.memory_space<semaphore_mem>>)
      } else {
      }
      %ge3A = arith.constant 1 : i32
      %ge3A_59 = arith.cmpi sge, %scan3A_43, %ge3A : i32
      %convert_element_type3A_60 = arith.extui %ge3A_59 : i1 to i32
      %cond3A_61 = arith.constant 0 : i32
      %cond3A_62 = arith.cmpi ne, %convert_element_type3A_60, %cond3A_61 : i32
      scf.if %cond3A_62 {
        %dma_wait3A_153 = arith.constant 0 : i32
        %dma_wait3A_154 = arith.constant 0 : i32
        %dma_wait3A_155 = tpu.memref_slice %arg2[%dma_wait3A_153, %dma_wait3A_154] : memref<1000000x32xf32, #tpu.memory_space<hbm>> -> memref<800x32xf32, #tpu.memory_space<hbm>>
        %dma_wait3A_156 = arith.constant 0 : i32
        %dma_wait3A_157 = arith.constant 0 : i32
        %dma_wait3A_158 = tpu.memref_slice %arg2[%dma_wait3A_156, %dma_wait3A_157] : memref<1000000x32xf32, #tpu.memory_space<hbm>> -> memref<800x32xf32, #tpu.memory_space<hbm>>
        tpu.wait_dma2 semaphore(%arg15 : memref<!tpu.dma_semaphore, #tpu.memory_space<semaphore_mem>>) src(%dma_wait3A_158 : memref<800x32xf32, #tpu.memory_space<hbm>>) dst(%arg7 : memref<800x32xf32, #tpu.memory_space<vmem>>)
      } else {
      }
      %broadcast_in_dim3A = arith.constant 0 : i32
      %broadcast_in_dim3A_63 = vector.broadcast %broadcast_in_dim3A : i32 to vector<16xi32>
      %iota3A = tpu.iota {dimensions = array<i32: 0>} : vector<16xi32>
      %add3A_64 = arith.addi %broadcast_in_dim3A_63, %iota3A : vector<16xi32>
      %broadcast_in_dim3A_65 = arith.constant 16 : i32
      %broadcast_in_dim3A_66 = vector.broadcast %broadcast_in_dim3A_65 : i32 to vector<16xi32>
      %iota3A_67 = tpu.iota {dimensions = array<i32: 0>} : vector<16xi32>
      %add3A_68 = arith.addi %broadcast_in_dim3A_66, %iota3A_67 : vector<16xi32>
      %broadcast_in_dim3A_69 = arith.constant 0 : i32
      %broadcast_in_dim3A_70 = vector.broadcast %broadcast_in_dim3A_69 : i32 to vector<16xi32>
      %parallel_loop3A = arith.constant 0 : i32
      %parallel_loop3A_71 = arith.constant 50 : i32
      %parallel_loop3A_72 = arith.constant 1 : i32
      scf.for %parallel_loop3A_153 = %parallel_loop3A to %parallel_loop3A_71 step %parallel_loop3A_72  : i32 {
        %parallel_loop3A_154 = vector.broadcast %parallel_loop3A_153 : i32 to vector<16xi32>
        %parallel_loop3A_155 = arith.addi %broadcast_in_dim3A_70, %parallel_loop3A_154 : vector<16xi32>
        %parallel_loop3A_156 = arith.constant 0 : i32
        %parallel_loop3A_157 = arith.addi %parallel_loop3A_156, %parallel_loop3A_153 : i32
        %parallel_loop3A_158 = arith.index_cast %parallel_loop3A_157 : i32 to index
        %parallel_loop3A_159 = arith.constant 0 : index
        %parallel_loop3A_160 = tpu.vector_load %arg7[%parallel_loop3A_158, %parallel_loop3A_159] {strides = array<i32>} : memref<800x32xf32, #tpu.memory_space<vmem>>, vector<16xf32>,
        %parallel_loop3A_161 = arith.constant 0 : i32
        %parallel_loop3A_162 = vector.broadcast %parallel_loop3A_161 : i32 to vector<16xi32>
        %parallel_loop3A_163 = arith.addi %broadcast_in_dim3A_70, %parallel_loop3A_162 : vector<16xi32>
        tpu.vector_store_idx %arg9[%parallel_loop3A_155, %add3A_64, %parallel_loop3A_163], %parallel_loop3A_160 : memref<50x32x17xf32, #tpu.memory_space<vmem>>[vector<16xi32>, vector<16xi32>, vector<16xi32>], vector<16xf32>,
        %parallel_loop3A_164 = arith.constant 0 : i32
        %parallel_loop3A_165 = arith.addi %parallel_loop3A_164, %parallel_loop3A_153 : i32
        %parallel_loop3A_166 = arith.index_cast %parallel_loop3A_165 : i32 to index
        %parallel_loop3A_167 = arith.constant 16 : index
        %parallel_loop3A_168 = tpu.vector_load %arg7[%parallel_loop3A_166, %parallel_loop3A_167] {strides = array<i32>} : memref<800x32xf32, #tpu.memory_space<vmem>>, vector<16xf32>,
        %parallel_loop3A_169 = arith.constant 0 : i32
        %parallel_loop3A_170 = vector.broadcast %parallel_loop3A_169 : i32 to vector<16xi32>
        %parallel_loop3A_171 = arith.addi %broadcast_in_dim3A_70, %parallel_loop3A_170 : vector<16xi32>
        tpu.vector_store_idx %arg9[%parallel_loop3A_155, %add3A_68, %parallel_loop3A_171], %parallel_loop3A_168 : memref<50x32x17xf32, #tpu.memory_space<vmem>>[vector<16xi32>, vector<16xi32>, vector<16xi32>], vector<16xf32>,
        %parallel_loop3A_172 = arith.constant 50 : i32
        %parallel_loop3A_173 = arith.addi %parallel_loop3A_172, %parallel_loop3A_153 : i32
        %parallel_loop3A_174 = arith.index_cast %parallel_loop3A_173 : i32 to index
        %parallel_loop3A_175 = arith.constant 0 : index
        %parallel_loop3A_176 = tpu.vector_load %arg7[%parallel_loop3A_174, %parallel_loop3A_175] {strides = array<i32>} : memref<800x32xf32, #tpu.memory_space<vmem>>, vector<16xf32>,
        %parallel_loop3A_177 = arith.constant 1 : i32
        %parallel_loop3A_178 = vector.broadcast %parallel_loop3A_177 : i32 to vector<16xi32>
        %parallel_loop3A_179 = arith.addi %broadcast_in_dim3A_70, %parallel_loop3A_178 : vector<16xi32>
        tpu.vector_store_idx %arg9[%parallel_loop3A_155, %add3A_64, %parallel_loop3A_179], %parallel_loop3A_176 : memref<50x32x17xf32, #tpu.memory_space<vmem>>[vector<16xi32>, vector<16xi32>, vector<16xi32>], vector<16xf32>,
        %parallel_loop3A_180 = arith.constant 50 : i32
        %parallel_loop3A_181 = arith.addi %parallel_loop3A_180, %parallel_loop3A_153 : i32
        %parallel_loop3A_182 = arith.index_cast %parallel_loop3A_181 : i32 to index
        %parallel_loop3A_183 = arith.constant 16 : index
        %parallel_loop3A_184 = tpu.vector_load %arg7[%parallel_loop3A_182, %parallel_loop3A_183] {strides = array<i32>} : memref<800x32xf32, #tpu.memory_space<vmem>>, vector<16xf32>,
        %parallel_loop3A_185 = arith.constant 1 : i32
        %parallel_loop3A_186 = vector.broadcast %parallel_loop3A_185 : i32 to vector<16xi32>
        %parallel_loop3A_187 = arith.addi %broadcast_in_dim3A_70, %parallel_loop3A_186 : vector<16xi32>
        tpu.vector_store_idx %arg9[%parallel_loop3A_155, %add3A_68, %parallel_loop3A_187], %parallel_loop3A_184 : memref<50x32x17xf32, #tpu.memory_space<vmem>>[vector<16xi32>, vector<16xi32>, vector<16xi32>], vector<16xf32>,
        %parallel_loop3A_188 = arith.constant 100 : i32
        %parallel_loop3A_189 = arith.addi %parallel_loop3A_188, %parallel_loop3A_153 : i32
        %parallel_loop3A_190 = arith.index_cast %parallel_loop3A_189 : i32 to index
        %parallel_loop3A_191 = arith.constant 0 : index
        %parallel_loop3A_192 = tpu.vector_load %arg7[%parallel_loop3A_190, %parallel_loop3A_191] {strides = array<i32>} : memref<800x32xf32, #tpu.memory_space<vmem>>, vector<16xf32>,
        %parallel_loop3A_193 = arith.constant 2 : i32
        %parallel_loop3A_194 = vector.broadcast %parallel_loop3A_193 : i32 to vector<16xi32>
        %parallel_loop3A_195 = arith.addi %broadcast_in_dim3A_70, %parallel_loop3A_194 : vector<16xi32>
        tpu.vector_store_idx %arg9[%parallel_loop3A_155, %add3A_64, %parallel_loop3A_195], %parallel_loop3A_192 : memref<50x32x17xf32, #tpu.memory_space<vmem>>[vector<16xi32>, vector<16xi32>, vector<16xi32>], vector<16xf32>,
        %parallel_loop3A_196 = arith.constant 100 : i32
        %parallel_loop3A_197 = arith.addi %parallel_loop3A_196, %parallel_loop3A_153 : i32
        %parallel_loop3A_198 = arith.index_cast %parallel_loop3A_197 : i32 to index
        %parallel_loop3A_199 = arith.constant 16 : index
        %parallel_loop3A_200 = tpu.vector_load %arg7[%parallel_loop3A_198, %parallel_loop3A_199] {strides = array<i32>} : memref<800x32xf32, #tpu.memory_space<vmem>>, vector<16xf32>,
        %parallel_loop3A_201 = arith.constant 2 : i32
        %parallel_loop3A_202 = vector.broadcast %parallel_loop3A_201 : i32 to vector<16xi32>
        %parallel_loop3A_203 = arith.addi %broadcast_in_dim3A_70, %parallel_loop3A_202 : vector<16xi32>
        tpu.vector_store_idx %arg9[%parallel_loop3A_155, %add3A_68, %parallel_loop3A_203], %parallel_loop3A_200 : memref<50x32x17xf32, #tpu.memory_space<vmem>>[vector<16xi32>, vector<16xi32>, vector<16xi32>], vector<16xf32>,
        %parallel_loop3A_204 = arith.constant 150 : i32
        %parallel_loop3A_205 = arith.addi %parallel_loop3A_204, %parallel_loop3A_153 : i32
        %parallel_loop3A_206 = arith.index_cast %parallel_loop3A_205 : i32 to index
        %parallel_loop3A_207 = arith.constant 0 : index
        %parallel_loop3A_208 = tpu.vector_load %arg7[%parallel_loop3A_206, %parallel_loop3A_207] {strides = array<i32>} : memref<800x32xf32, #tpu.memory_space<vmem>>, vector<16xf32>,
        %parallel_loop3A_209 = arith.constant 3 : i32
        %parallel_loop3A_210 = vector.broadcast %parallel_loop3A_209 : i32 to vector<16xi32>
        %parallel_loop3A_211 = arith.addi %broadcast_in_dim3A_70, %parallel_loop3A_210 : vector<16xi32>
        tpu.vector_store_idx %arg9[%parallel_loop3A_155, %add3A_64, %parallel_loop3A_211], %parallel_loop3A_208 : memref<50x32x17xf32, #tpu.memory_space<vmem>>[vector<16xi32>, vector<16xi32>, vector<16xi32>], vector<16xf32>,
        %parallel_loop3A_212 = arith.constant 150 : i32
        %parallel_loop3A_213 = arith.addi %parallel_loop3A_212, %parallel_loop3A_153 : i32
        %parallel_loop3A_214 = arith.index_cast %parallel_loop3A_213 : i32 to index
        %parallel_loop3A_215 = arith.constant 16 : index
        %parallel_loop3A_216 = tpu.vector_load %arg7[%parallel_loop3A_214, %parallel_loop3A_215] {strides = array<i32>} : memref<800x32xf32, #tpu.memory_space<vmem>>, vector<16xf32>,
        %parallel_loop3A_217 = arith.constant 3 : i32
        %parallel_loop3A_218 = vector.broadcast %parallel_loop3A_217 : i32 to vector<16xi32>
        %parallel_loop3A_219 = arith.addi %broadcast_in_dim3A_70, %parallel_loop3A_218 : vector<16xi32>
        tpu.vector_store_idx %arg9[%parallel_loop3A_155, %add3A_68, %parallel_loop3A_219], %parallel_loop3A_216 : memref<50x32x17xf32, #tpu.memory_space<vmem>>[vector<16xi32>, vector<16xi32>, vector<16xi32>], vector<16xf32>,
        %parallel_loop3A_220 = arith.constant 200 : i32
        %parallel_loop3A_221 = arith.addi %parallel_loop3A_220, %parallel_loop3A_153 : i32
        %parallel_loop3A_222 = arith.index_cast %parallel_loop3A_221 : i32 to index
        %parallel_loop3A_223 = arith.constant 0 : index
        %parallel_loop3A_224 = tpu.vector_load %arg7[%parallel_loop3A_222, %parallel_loop3A_223] {strides = array<i32>} : memref<800x32xf32, #tpu.memory_space<vmem>>, vector<16xf32>,
        %parallel_loop3A_225 = arith.constant 4 : i32
        %parallel_loop3A_226 = vector.broadcast %parallel_loop3A_225 : i32 to vector<16xi32>
        %parallel_loop3A_227 = arith.addi %broadcast_in_dim3A_70, %parallel_loop3A_226 : vector<16xi32>
        tpu.vector_store_idx %arg9[%parallel_loop3A_155, %add3A_64, %parallel_loop3A_227], %parallel_loop3A_224 : memref<50x32x17xf32, #tpu.memory_space<vmem>>[vector<16xi32>, vector<16xi32>, vector<16xi32>], vector<16xf32>,
        %parallel_loop3A_228 = arith.constant 200 : i32
        %parallel_loop3A_229 = arith.addi %parallel_loop3A_228, %parallel_loop3A_153 : i32
        %parallel_loop3A_230 = arith.index_cast %parallel_loop3A_229 : i32 to index
        %parallel_loop3A_231 = arith.constant 16 : index
        %parallel_loop3A_232 = tpu.vector_load %arg7[%parallel_loop3A_230, %parallel_loop3A_231] {strides = array<i32>} : memref<800x32xf32, #tpu.memory_space<vmem>>, vector<16xf32>,
        %parallel_loop3A_233 = arith.constant 4 : i32
        %parallel_loop3A_234 = vector.broadcast %parallel_loop3A_233 : i32 to vector<16xi32>
        %parallel_loop3A_235 = arith.addi %broadcast_in_dim3A_70, %parallel_loop3A_234 : vector<16xi32>
        tpu.vector_store_idx %arg9[%parallel_loop3A_155, %add3A_68, %parallel_loop3A_235], %parallel_loop3A_232 : memref<50x32x17xf32, #tpu.memory_space<vmem>>[vector<16xi32>, vector<16xi32>, vector<16xi32>], vector<16xf32>,
        %parallel_loop3A_236 = arith.constant 250 : i32
        %parallel_loop3A_237 = arith.addi %parallel_loop3A_236, %parallel_loop3A_153 : i32
        %parallel_loop3A_238 = arith.index_cast %parallel_loop3A_237 : i32 to index
        %parallel_loop3A_239 = arith.constant 0 : index
        %parallel_loop3A_240 = tpu.vector_load %arg7[%parallel_loop3A_238, %parallel_loop3A_239] {strides = array<i32>} : memref<800x32xf32, #tpu.memory_space<vmem>>, vector<16xf32>,
        %parallel_loop3A_241 = arith.constant 5 : i32
        %parallel_loop3A_242 = vector.broadcast %parallel_loop3A_241 : i32 to vector<16xi32>
        %parallel_loop3A_243 = arith.addi %broadcast_in_dim3A_70, %parallel_loop3A_242 : vector<16xi32>
        tpu.vector_store_idx %arg9[%parallel_loop3A_155, %add3A_64, %parallel_loop3A_243], %parallel_loop3A_240 : memref<50x32x17xf32, #tpu.memory_space<vmem>>[vector<16xi32>, vector<16xi32>, vector<16xi32>], vector<16xf32>,
        %parallel_loop3A_244 = arith.constant 250 : i32
        %parallel_loop3A_245 = arith.addi %parallel_loop3A_244, %parallel_loop3A_153 : i32
        %parallel_loop3A_246 = arith.index_cast %parallel_loop3A_245 : i32 to index
        %parallel_loop3A_247 = arith.constant 16 : index
        %parallel_loop3A_248 = tpu.vector_load %arg7[%parallel_loop3A_246, %parallel_loop3A_247] {strides = array<i32>} : memref<800x32xf32, #tpu.memory_space<vmem>>, vector<16xf32>,
        %parallel_loop3A_249 = arith.constant 5 : i32
        %parallel_loop3A_250 = vector.broadcast %parallel_loop3A_249 : i32 to vector<16xi32>
        %parallel_loop3A_251 = arith.addi %broadcast_in_dim3A_70, %parallel_loop3A_250 : vector<16xi32>
        tpu.vector_store_idx %arg9[%parallel_loop3A_155, %add3A_68, %parallel_loop3A_251], %parallel_loop3A_248 : memref<50x32x17xf32, #tpu.memory_space<vmem>>[vector<16xi32>, vector<16xi32>, vector<16xi32>], vector<16xf32>,
        %parallel_loop3A_252 = arith.constant 300 : i32
        %parallel_loop3A_253 = arith.addi %parallel_loop3A_252, %parallel_loop3A_153 : i32
        %parallel_loop3A_254 = arith.index_cast %parallel_loop3A_253 : i32 to index
        %parallel_loop3A_255 = arith.constant 0 : index
        %parallel_loop3A_256 = tpu.vector_load %arg7[%parallel_loop3A_254, %parallel_loop3A_255] {strides = array<i32>} : memref<800x32xf32, #tpu.memory_space<vmem>>, vector<16xf32>,
        %parallel_loop3A_257 = arith.constant 6 : i32
        %parallel_loop3A_258 = vector.broadcast %parallel_loop3A_257 : i32 to vector<16xi32>
        %parallel_loop3A_259 = arith.addi %broadcast_in_dim3A_70, %parallel_loop3A_258 : vector<16xi32>
        tpu.vector_store_idx %arg9[%parallel_loop3A_155, %add3A_64, %parallel_loop3A_259], %parallel_loop3A_256 : memref<50x32x17xf32, #tpu.memory_space<vmem>>[vector<16xi32>, vector<16xi32>, vector<16xi32>], vector<16xf32>,
        %parallel_loop3A_260 = arith.constant 300 : i32
        %parallel_loop3A_261 = arith.addi %parallel_loop3A_260, %parallel_loop3A_153 : i32
        %parallel_loop3A_262 = arith.index_cast %parallel_loop3A_261 : i32 to index
        %parallel_loop3A_263 = arith.constant 16 : index
        %parallel_loop3A_264 = tpu.vector_load %arg7[%parallel_loop3A_262, %parallel_loop3A_263] {strides = array<i32>} : memref<800x32xf32, #tpu.memory_space<vmem>>, vector<16xf32>,
        %parallel_loop3A_265 = arith.constant 6 : i32
        %parallel_loop3A_266 = vector.broadcast %parallel_loop3A_265 : i32 to vector<16xi32>
        %parallel_loop3A_267 = arith.addi %broadcast_in_dim3A_70, %parallel_loop3A_266 : vector<16xi32>
        tpu.vector_store_idx %arg9[%parallel_loop3A_155, %add3A_68, %parallel_loop3A_267], %parallel_loop3A_264 : memref<50x32x17xf32, #tpu.memory_space<vmem>>[vector<16xi32>, vector<16xi32>, vector<16xi32>], vector<16xf32>,
        %parallel_loop3A_268 = arith.constant 350 : i32
        %parallel_loop3A_269 = arith.addi %parallel_loop3A_268, %parallel_loop3A_153 : i32
        %parallel_loop3A_270 = arith.index_cast %parallel_loop3A_269 : i32 to index
        %parallel_loop3A_271 = arith.constant 0 : index
        %parallel_loop3A_272 = tpu.vector_load %arg7[%parallel_loop3A_270, %parallel_loop3A_271] {strides = array<i32>} : memref<800x32xf32, #tpu.memory_space<vmem>>, vector<16xf32>,
        %parallel_loop3A_273 = arith.constant 7 : i32
        %parallel_loop3A_274 = vector.broadcast %parallel_loop3A_273 : i32 to vector<16xi32>
        %parallel_loop3A_275 = arith.addi %broadcast_in_dim3A_70, %parallel_loop3A_274 : vector<16xi32>
        tpu.vector_store_idx %arg9[%parallel_loop3A_155, %add3A_64, %parallel_loop3A_275], %parallel_loop3A_272 : memref<50x32x17xf32, #tpu.memory_space<vmem>>[vector<16xi32>, vector<16xi32>, vector<16xi32>], vector<16xf32>,
        %parallel_loop3A_276 = arith.constant 350 : i32
        %parallel_loop3A_277 = arith.addi %parallel_loop3A_276, %parallel_loop3A_153 : i32
        %parallel_loop3A_278 = arith.index_cast %parallel_loop3A_277 : i32 to index
        %parallel_loop3A_279 = arith.constant 16 : index
        %parallel_loop3A_280 = tpu.vector_load %arg7[%parallel_loop3A_278, %parallel_loop3A_279] {strides = array<i32>} : memref<800x32xf32, #tpu.memory_space<vmem>>, vector<16xf32>,
        %parallel_loop3A_281 = arith.constant 7 : i32
        %parallel_loop3A_282 = vector.broadcast %parallel_loop3A_281 : i32 to vector<16xi32>
        %parallel_loop3A_283 = arith.addi %broadcast_in_dim3A_70, %parallel_loop3A_282 : vector<16xi32>
        tpu.vector_store_idx %arg9[%parallel_loop3A_155, %add3A_68, %parallel_loop3A_283], %parallel_loop3A_280 : memref<50x32x17xf32, #tpu.memory_space<vmem>>[vector<16xi32>, vector<16xi32>, vector<16xi32>], vector<16xf32>,
        %parallel_loop3A_284 = arith.constant 400 : i32
        %parallel_loop3A_285 = arith.addi %parallel_loop3A_284, %parallel_loop3A_153 : i32
        %parallel_loop3A_286 = arith.index_cast %parallel_loop3A_285 : i32 to index
        %parallel_loop3A_287 = arith.constant 0 : index
        %parallel_loop3A_288 = tpu.vector_load %arg7[%parallel_loop3A_286, %parallel_loop3A_287] {strides = array<i32>} : memref<800x32xf32, #tpu.memory_space<vmem>>, vector<16xf32>,
        %parallel_loop3A_289 = arith.constant 8 : i32
        %parallel_loop3A_290 = vector.broadcast %parallel_loop3A_289 : i32 to vector<16xi32>
        %parallel_loop3A_291 = arith.addi %broadcast_in_dim3A_70, %parallel_loop3A_290 : vector<16xi32>
        tpu.vector_store_idx %arg9[%parallel_loop3A_155, %add3A_64, %parallel_loop3A_291], %parallel_loop3A_288 : memref<50x32x17xf32, #tpu.memory_space<vmem>>[vector<16xi32>, vector<16xi32>, vector<16xi32>], vector<16xf32>,
        %parallel_loop3A_292 = arith.constant 400 : i32
        %parallel_loop3A_293 = arith.addi %parallel_loop3A_292, %parallel_loop3A_153 : i32
        %parallel_loop3A_294 = arith.index_cast %parallel_loop3A_293 : i32 to index
        %parallel_loop3A_295 = arith.constant 16 : index
        %parallel_loop3A_296 = tpu.vector_load %arg7[%parallel_loop3A_294, %parallel_loop3A_295] {strides = array<i32>} : memref<800x32xf32, #tpu.memory_space<vmem>>, vector<16xf32>,
        %parallel_loop3A_297 = arith.constant 8 : i32
        %parallel_loop3A_298 = vector.broadcast %parallel_loop3A_297 : i32 to vector<16xi32>
        %parallel_loop3A_299 = arith.addi %broadcast_in_dim3A_70, %parallel_loop3A_298 : vector<16xi32>
        tpu.vector_store_idx %arg9[%parallel_loop3A_155, %add3A_68, %parallel_loop3A_299], %parallel_loop3A_296 : memref<50x32x17xf32, #tpu.memory_space<vmem>>[vector<16xi32>, vector<16xi32>, vector<16xi32>], vector<16xf32>,
        %parallel_loop3A_300 = arith.constant 450 : i32
        %parallel_loop3A_301 = arith.addi %parallel_loop3A_300, %parallel_loop3A_153 : i32
        %parallel_loop3A_302 = arith.index_cast %parallel_loop3A_301 : i32 to index
        %parallel_loop3A_303 = arith.constant 0 : index
        %parallel_loop3A_304 = tpu.vector_load %arg7[%parallel_loop3A_302, %parallel_loop3A_303] {strides = array<i32>} : memref<800x32xf32, #tpu.memory_space<vmem>>, vector<16xf32>,
        %parallel_loop3A_305 = arith.constant 9 : i32
        %parallel_loop3A_306 = vector.broadcast %parallel_loop3A_305 : i32 to vector<16xi32>
        %parallel_loop3A_307 = arith.addi %broadcast_in_dim3A_70, %parallel_loop3A_306 : vector<16xi32>
        tpu.vector_store_idx %arg9[%parallel_loop3A_155, %add3A_64, %parallel_loop3A_307], %parallel_loop3A_304 : memref<50x32x17xf32, #tpu.memory_space<vmem>>[vector<16xi32>, vector<16xi32>, vector<16xi32>], vector<16xf32>,
        %parallel_loop3A_308 = arith.constant 450 : i32
        %parallel_loop3A_309 = arith.addi %parallel_loop3A_308, %parallel_loop3A_153 : i32
        %parallel_loop3A_310 = arith.index_cast %parallel_loop3A_309 : i32 to index
        %parallel_loop3A_311 = arith.constant 16 : index
        %parallel_loop3A_312 = tpu.vector_load %arg7[%parallel_loop3A_310, %parallel_loop3A_311] {strides = array<i32>} : memref<800x32xf32, #tpu.memory_space<vmem>>, vector<16xf32>,
        %parallel_loop3A_313 = arith.constant 9 : i32
        %parallel_loop3A_314 = vector.broadcast %parallel_loop3A_313 : i32 to vector<16xi32>
        %parallel_loop3A_315 = arith.addi %broadcast_in_dim3A_70, %parallel_loop3A_314 : vector<16xi32>
        tpu.vector_store_idx %arg9[%parallel_loop3A_155, %add3A_68, %parallel_loop3A_315], %parallel_loop3A_312 : memref<50x32x17xf32, #tpu.memory_space<vmem>>[vector<16xi32>, vector<16xi32>, vector<16xi32>], vector<16xf32>,
        %parallel_loop3A_316 = arith.constant 500 : i32
        %parallel_loop3A_317 = arith.addi %parallel_loop3A_316, %parallel_loop3A_153 : i32
        %parallel_loop3A_318 = arith.index_cast %parallel_loop3A_317 : i32 to index
        %parallel_loop3A_319 = arith.constant 0 : index
        %parallel_loop3A_320 = tpu.vector_load %arg7[%parallel_loop3A_318, %parallel_loop3A_319] {strides = array<i32>} : memref<800x32xf32, #tpu.memory_space<vmem>>, vector<16xf32>,
        %parallel_loop3A_321 = arith.constant 10 : i32
        %parallel_loop3A_322 = vector.broadcast %parallel_loop3A_321 : i32 to vector<16xi32>
        %parallel_loop3A_323 = arith.addi %broadcast_in_dim3A_70, %parallel_loop3A_322 : vector<16xi32>
        tpu.vector_store_idx %arg9[%parallel_loop3A_155, %add3A_64, %parallel_loop3A_323], %parallel_loop3A_320 : memref<50x32x17xf32, #tpu.memory_space<vmem>>[vector<16xi32>, vector<16xi32>, vector<16xi32>], vector<16xf32>,
        %parallel_loop3A_324 = arith.constant 500 : i32
        %parallel_loop3A_325 = arith.addi %parallel_loop3A_324, %parallel_loop3A_153 : i32
        %parallel_loop3A_326 = arith.index_cast %parallel_loop3A_325 : i32 to index
        %parallel_loop3A_327 = arith.constant 16 : index
        %parallel_loop3A_328 = tpu.vector_load %arg7[%parallel_loop3A_326, %parallel_loop3A_327] {strides = array<i32>} : memref<800x32xf32, #tpu.memory_space<vmem>>, vector<16xf32>,
        %parallel_loop3A_329 = arith.constant 10 : i32
        %parallel_loop3A_330 = vector.broadcast %parallel_loop3A_329 : i32 to vector<16xi32>
        %parallel_loop3A_331 = arith.addi %broadcast_in_dim3A_70, %parallel_loop3A_330 : vector<16xi32>
        tpu.vector_store_idx %arg9[%parallel_loop3A_155, %add3A_68, %parallel_loop3A_331], %parallel_loop3A_328 : memref<50x32x17xf32, #tpu.memory_space<vmem>>[vector<16xi32>, vector<16xi32>, vector<16xi32>], vector<16xf32>,
        %parallel_loop3A_332 = arith.constant 550 : i32
        %parallel_loop3A_333 = arith.addi %parallel_loop3A_332, %parallel_loop3A_153 : i32
        %parallel_loop3A_334 = arith.index_cast %parallel_loop3A_333 : i32 to index
        %parallel_loop3A_335 = arith.constant 0 : index
        %parallel_loop3A_336 = tpu.vector_load %arg7[%parallel_loop3A_334, %parallel_loop3A_335] {strides = array<i32>} : memref<800x32xf32, #tpu.memory_space<vmem>>, vector<16xf32>,
        %parallel_loop3A_337 = arith.constant 11 : i32
        %parallel_loop3A_338 = vector.broadcast %parallel_loop3A_337 : i32 to vector<16xi32>
        %parallel_loop3A_339 = arith.addi %broadcast_in_dim3A_70, %parallel_loop3A_338 : vector<16xi32>
        tpu.vector_store_idx %arg9[%parallel_loop3A_155, %add3A_64, %parallel_loop3A_339], %parallel_loop3A_336 : memref<50x32x17xf32, #tpu.memory_space<vmem>>[vector<16xi32>, vector<16xi32>, vector<16xi32>], vector<16xf32>,
        %parallel_loop3A_340 = arith.constant 550 : i32
        %parallel_loop3A_341 = arith.addi %parallel_loop3A_340, %parallel_loop3A_153 : i32
        %parallel_loop3A_342 = arith.index_cast %parallel_loop3A_341 : i32 to index
        %parallel_loop3A_343 = arith.constant 16 : index
        %parallel_loop3A_344 = tpu.vector_load %arg7[%parallel_loop3A_342, %parallel_loop3A_343] {strides = array<i32>} : memref<800x32xf32, #tpu.memory_space<vmem>>, vector<16xf32>,
        %parallel_loop3A_345 = arith.constant 11 : i32
        %parallel_loop3A_346 = vector.broadcast %parallel_loop3A_345 : i32 to vector<16xi32>
        %parallel_loop3A_347 = arith.addi %broadcast_in_dim3A_70, %parallel_loop3A_346 : vector<16xi32>
        tpu.vector_store_idx %arg9[%parallel_loop3A_155, %add3A_68, %parallel_loop3A_347], %parallel_loop3A_344 : memref<50x32x17xf32, #tpu.memory_space<vmem>>[vector<16xi32>, vector<16xi32>, vector<16xi32>], vector<16xf32>,
        %parallel_loop3A_348 = arith.constant 600 : i32
        %parallel_loop3A_349 = arith.addi %parallel_loop3A_348, %parallel_loop3A_153 : i32
        %parallel_loop3A_350 = arith.index_cast %parallel_loop3A_349 : i32 to index
        %parallel_loop3A_351 = arith.constant 0 : index
        %parallel_loop3A_352 = tpu.vector_load %arg7[%parallel_loop3A_350, %parallel_loop3A_351] {strides = array<i32>} : memref<800x32xf32, #tpu.memory_space<vmem>>, vector<16xf32>,
        %parallel_loop3A_353 = arith.constant 12 : i32
        %parallel_loop3A_354 = vector.broadcast %parallel_loop3A_353 : i32 to vector<16xi32>
        %parallel_loop3A_355 = arith.addi %broadcast_in_dim3A_70, %parallel_loop3A_354 : vector<16xi32>
        tpu.vector_store_idx %arg9[%parallel_loop3A_155, %add3A_64, %parallel_loop3A_355], %parallel_loop3A_352 : memref<50x32x17xf32, #tpu.memory_space<vmem>>[vector<16xi32>, vector<16xi32>, vector<16xi32>], vector<16xf32>,
        %parallel_loop3A_356 = arith.constant 600 : i32
        %parallel_loop3A_357 = arith.addi %parallel_loop3A_356, %parallel_loop3A_153 : i32
        %parallel_loop3A_358 = arith.index_cast %parallel_loop3A_357 : i32 to index
        %parallel_loop3A_359 = arith.constant 16 : index
        %parallel_loop3A_360 = tpu.vector_load %arg7[%parallel_loop3A_358, %parallel_loop3A_359] {strides = array<i32>} : memref<800x32xf32, #tpu.memory_space<vmem>>, vector<16xf32>,
        %parallel_loop3A_361 = arith.constant 12 : i32
        %parallel_loop3A_362 = vector.broadcast %parallel_loop3A_361 : i32 to vector<16xi32>
        %parallel_loop3A_363 = arith.addi %broadcast_in_dim3A_70, %parallel_loop3A_362 : vector<16xi32>
        tpu.vector_store_idx %arg9[%parallel_loop3A_155, %add3A_68, %parallel_loop3A_363], %parallel_loop3A_360 : memref<50x32x17xf32, #tpu.memory_space<vmem>>[vector<16xi32>, vector<16xi32>, vector<16xi32>], vector<16xf32>,
        %parallel_loop3A_364 = arith.constant 650 : i32
        %parallel_loop3A_365 = arith.addi %parallel_loop3A_364, %parallel_loop3A_153 : i32
        %parallel_loop3A_366 = arith.index_cast %parallel_loop3A_365 : i32 to index
        %parallel_loop3A_367 = arith.constant 0 : index
        %parallel_loop3A_368 = tpu.vector_load %arg7[%parallel_loop3A_366, %parallel_loop3A_367] {strides = array<i32>} : memref<800x32xf32, #tpu.memory_space<vmem>>, vector<16xf32>,
        %parallel_loop3A_369 = arith.constant 13 : i32
        %parallel_loop3A_370 = vector.broadcast %parallel_loop3A_369 : i32 to vector<16xi32>
        %parallel_loop3A_371 = arith.addi %broadcast_in_dim3A_70, %parallel_loop3A_370 : vector<16xi32>
        tpu.vector_store_idx %arg9[%parallel_loop3A_155, %add3A_64, %parallel_loop3A_371], %parallel_loop3A_368 : memref<50x32x17xf32, #tpu.memory_space<vmem>>[vector<16xi32>, vector<16xi32>, vector<16xi32>], vector<16xf32>,
        %parallel_loop3A_372 = arith.constant 650 : i32
        %parallel_loop3A_373 = arith.addi %parallel_loop3A_372, %parallel_loop3A_153 : i32
        %parallel_loop3A_374 = arith.index_cast %parallel_loop3A_373 : i32 to index
        %parallel_loop3A_375 = arith.constant 16 : index
        %parallel_loop3A_376 = tpu.vector_load %arg7[%parallel_loop3A_374, %parallel_loop3A_375] {strides = array<i32>} : memref<800x32xf32, #tpu.memory_space<vmem>>, vector<16xf32>,
        %parallel_loop3A_377 = arith.constant 13 : i32
        %parallel_loop3A_378 = vector.broadcast %parallel_loop3A_377 : i32 to vector<16xi32>
        %parallel_loop3A_379 = arith.addi %broadcast_in_dim3A_70, %parallel_loop3A_378 : vector<16xi32>
        tpu.vector_store_idx %arg9[%parallel_loop3A_155, %add3A_68, %parallel_loop3A_379], %parallel_loop3A_376 : memref<50x32x17xf32, #tpu.memory_space<vmem>>[vector<16xi32>, vector<16xi32>, vector<16xi32>], vector<16xf32>,
        %parallel_loop3A_380 = arith.constant 700 : i32
        %parallel_loop3A_381 = arith.addi %parallel_loop3A_380, %parallel_loop3A_153 : i32
        %parallel_loop3A_382 = arith.index_cast %parallel_loop3A_381 : i32 to index
        %parallel_loop3A_383 = arith.constant 0 : index
        %parallel_loop3A_384 = tpu.vector_load %arg7[%parallel_loop3A_382, %parallel_loop3A_383] {strides = array<i32>} : memref<800x32xf32, #tpu.memory_space<vmem>>, vector<16xf32>,
        %parallel_loop3A_385 = arith.constant 14 : i32
        %parallel_loop3A_386 = vector.broadcast %parallel_loop3A_385 : i32 to vector<16xi32>
        %parallel_loop3A_387 = arith.addi %broadcast_in_dim3A_70, %parallel_loop3A_386 : vector<16xi32>
        tpu.vector_store_idx %arg9[%parallel_loop3A_155, %add3A_64, %parallel_loop3A_387], %parallel_loop3A_384 : memref<50x32x17xf32, #tpu.memory_space<vmem>>[vector<16xi32>, vector<16xi32>, vector<16xi32>], vector<16xf32>,
        %parallel_loop3A_388 = arith.constant 700 : i32
        %parallel_loop3A_389 = arith.addi %parallel_loop3A_388, %parallel_loop3A_153 : i32
        %parallel_loop3A_390 = arith.index_cast %parallel_loop3A_389 : i32 to index
        %parallel_loop3A_391 = arith.constant 16 : index
        %parallel_loop3A_392 = tpu.vector_load %arg7[%parallel_loop3A_390, %parallel_loop3A_391] {strides = array<i32>} : memref<800x32xf32, #tpu.memory_space<vmem>>, vector<16xf32>,
        %parallel_loop3A_393 = arith.constant 14 : i32
        %parallel_loop3A_394 = vector.broadcast %parallel_loop3A_393 : i32 to vector<16xi32>
        %parallel_loop3A_395 = arith.addi %broadcast_in_dim3A_70, %parallel_loop3A_394 : vector<16xi32>
        tpu.vector_store_idx %arg9[%parallel_loop3A_155, %add3A_68, %parallel_loop3A_395], %parallel_loop3A_392 : memref<50x32x17xf32, #tpu.memory_space<vmem>>[vector<16xi32>, vector<16xi32>, vector<16xi32>], vector<16xf32>,
        %parallel_loop3A_396 = arith.constant 750 : i32
        %parallel_loop3A_397 = arith.addi %parallel_loop3A_396, %parallel_loop3A_153 : i32
        %parallel_loop3A_398 = arith.index_cast %parallel_loop3A_397 : i32 to index
        %parallel_loop3A_399 = arith.constant 0 : index
        %parallel_loop3A_400 = tpu.vector_load %arg7[%parallel_loop3A_398, %parallel_loop3A_399] {strides = array<i32>} : memref<800x32xf32, #tpu.memory_space<vmem>>, vector<16xf32>,
        %parallel_loop3A_401 = arith.constant 15 : i32
        %parallel_loop3A_402 = vector.broadcast %parallel_loop3A_401 : i32 to vector<16xi32>
        %parallel_loop3A_403 = arith.addi %broadcast_in_dim3A_70, %parallel_loop3A_402 : vector<16xi32>
        tpu.vector_store_idx %arg9[%parallel_loop3A_155, %add3A_64, %parallel_loop3A_403], %parallel_loop3A_400 : memref<50x32x17xf32, #tpu.memory_space<vmem>>[vector<16xi32>, vector<16xi32>, vector<16xi32>], vector<16xf32>,
        %parallel_loop3A_404 = arith.constant 750 : i32
        %parallel_loop3A_405 = arith.addi %parallel_loop3A_404, %parallel_loop3A_153 : i32
        %parallel_loop3A_406 = arith.index_cast %parallel_loop3A_405 : i32 to index
        %parallel_loop3A_407 = arith.constant 16 : index
        %parallel_loop3A_408 = tpu.vector_load %arg7[%parallel_loop3A_406, %parallel_loop3A_407] {strides = array<i32>} : memref<800x32xf32, #tpu.memory_space<vmem>>, vector<16xf32>,
        %parallel_loop3A_409 = arith.constant 15 : i32
        %parallel_loop3A_410 = vector.broadcast %parallel_loop3A_409 : i32 to vector<16xi32>
        %parallel_loop3A_411 = arith.addi %broadcast_in_dim3A_70, %parallel_loop3A_410 : vector<16xi32>
        tpu.vector_store_idx %arg9[%parallel_loop3A_155, %add3A_68, %parallel_loop3A_411], %parallel_loop3A_408 : memref<50x32x17xf32, #tpu.memory_space<vmem>>[vector<16xi32>, vector<16xi32>, vector<16xi32>], vector<16xf32>,
      } {sc.loop_unroll_factor = 2 : i64, sc.parallel_access}
      %add3A_73 = arith.constant 1 : i32
      %add3A_74 = arith.addi %scan3A_43, %add3A_73 : i32
      %lt3A_75 = arith.constant 16 : i32
      %lt3A_76 = arith.cmpi slt, %add3A_74, %lt3A_75 : i32
      %convert_element_type3A_77 = arith.extui %lt3A_76 : i1 to i32
      %cond3A_78 = arith.constant 0 : i32
      %cond3A_79 = arith.cmpi ne, %convert_element_type3A_77, %cond3A_78 : i32
      scf.if %cond3A_79 {
        %dma_wait3A_153 = arith.constant 0 : i32
        %dma_wait3A_154 = tpu.memref_slice %arg3[%dma_wait3A_153] : memref<819200xi32, #tpu.memory_space<hbm>> -> memref<800xi32, #tpu.memory_space<hbm>>
        %dma_wait3A_155 = arith.constant 0 : i32
        %dma_wait3A_156 = tpu.memref_slice %arg3[%dma_wait3A_155] : memref<819200xi32, #tpu.memory_space<hbm>> -> memref<800xi32, #tpu.memory_space<hbm>>
        tpu.wait_dma2 semaphore(%arg11 : memref<!tpu.dma_semaphore, #tpu.memory_space<semaphore_mem>>) src(%dma_wait3A_156 : memref<800xi32, #tpu.memory_space<hbm>>) dst(%arg5 : memref<800xi32, #tpu.memory_space<vmem>>)
        %dma_start3A_157 = arith.constant 0 : i32
        %dma_start3A_158 = arith.constant 0 : i32
        %dma_start3A_159 = tpu.memref_slice %arg2[%dma_start3A_157, %dma_start3A_158] : memref<1000000x32xf32, #tpu.memory_space<hbm>> -> memref<1000000x32xf32, #tpu.memory_space<hbm>>
        tpu.enqueue_indirect_dma source(%dma_start3A_159 : memref<1000000x32xf32, #tpu.memory_space<hbm>>) target(%arg7 : memref<800x32xf32, #tpu.memory_space<vmem>>) offsets(%arg5 : memref<800xi32, #tpu.memory_space<vmem>>) semaphore(%arg13 : memref<!tpu.dma_semaphore, #tpu.memory_space<semaphore_mem>>)
      } else {
      }
      %mul3A_80 = arith.constant 16 : i32
      %mul3A_81 = arith.muli %mul3A_46, %mul3A_80 : i32
      %add3A_82 = arith.addi %mul3A_2, %mul3A_81 : i32
      %dma_start3A_83 = arith.constant 0 : i32
      %dma_start3A_84 = arith.constant 0 : i32
      %dma_start3A_85 = arith.constant 0 : i32
      %dma_start3A_86 = tpu.memref_slice %arg9[%dma_start3A_83, %dma_start3A_84, %dma_start3A_85] : memref<50x32x17xf32, #tpu.memory_space<vmem>> -> memref<50x32x16xf32, #tpu.memory_space<vmem>>
      %dma_start3A_87 = arith.constant 0 : i32
      %dma_start3A_88 = arith.constant 0 : i32
      %dma_start3A_89 = tpu.memref_slice %arg4[%dma_start3A_87, %dma_start3A_88, %add3A_82] : memref<50x32x16384xf32, #tpu.memory_space<hbm>> -> memref<50x32x16xf32, #tpu.memory_space<hbm>>
      %dma_start3A_90 = arith.constant 0 : i32
      %dma_start3A_91 = arith.constant 0 : i32
      %dma_start3A_92 = tpu.memref_slice %arg4[%dma_start3A_90, %dma_start3A_91, %add3A_82] : memref<50x32x16384xf32, #tpu.memory_space<hbm>> -> memref<50x32x16xf32, #tpu.memory_space<hbm>>
      %dma_start3A_93 = arith.constant 0 : i32
      %dma_start3A_94 = arith.constant 0 : i32
      %dma_start3A_95 = arith.constant 0 : i32
      %dma_start3A_96 = tpu.memref_slice %arg9[%dma_start3A_93, %dma_start3A_94, %dma_start3A_95] : memref<50x32x17xf32, #tpu.memory_space<vmem>> -> memref<50x32x16xf32, #tpu.memory_space<vmem>>
      tpu.enqueue_dma source(%dma_start3A_96 : memref<50x32x16xf32, #tpu.memory_space<vmem>>) target(%dma_start3A_92 : memref<50x32x16xf32, #tpu.memory_space<hbm>>) target_semaphore(%arg15 : memref<!tpu.dma_semaphore, #tpu.memory_space<semaphore_mem>>)
      %dma_wait3A_97 = arith.constant 0 : i32
      %dma_wait3A_98 = arith.constant 0 : i32
      %dma_wait3A_99 = tpu.memref_slice %arg2[%dma_wait3A_97, %dma_wait3A_98] : memref<1000000x32xf32, #tpu.memory_space<hbm>> -> memref<800x32xf32, #tpu.memory_space<hbm>>
      %dma_wait3A_100 = arith.constant 0 : i32
      %dma_wait3A_101 = arith.constant 0 : i32
      %dma_wait3A_102 = tpu.memref_slice %arg2[%dma_wait3A_100, %dma_wait3A_101] : memref<1000000x32xf32, #tpu.memory_space<hbm>> -> memref<800x32xf32, #tpu.memory_space<hbm>>
      tpu.wait_dma2 semaphore(%arg14 : memref<!tpu.dma_semaphore, #tpu.memory_space<semaphore_mem>>) src(%dma_wait3A_102 : memref<800x32xf32, #tpu.memory_space<hbm>>) dst(%arg8 : memref<800x32xf32, #tpu.memory_space<vmem>>)
      %add3A_103 = arith.constant 1 : i32
      %add3A_104 = arith.addi %scan3A_43, %add3A_103 : i32
      %lt3A_105 = arith.constant 16 : i32
      %lt3A_106 = arith.cmpi slt, %add3A_104, %lt3A_105 : i32
      %convert_element_type3A_107 = arith.extui %lt3A_106 : i1 to i32
      %cond3A_108 = arith.constant 0 : i32
      %cond3A_109 = arith.cmpi ne, %convert_element_type3A_107, %cond3A_108 : i32
      scf.if %cond3A_109 {
        %add3A_153 = arith.constant 2 : i32
        %add3A_154 = arith.addi %add3A_48, %add3A_153 : i32
        %mul3A_155 = arith.constant 800 : i32
        %mul3A_156 = arith.muli %add3A_154, %mul3A_155 : i32
        %add3A_157 = arith.addi %mul3A_4, %mul3A_156 : i32
        %dma_start3A_158 = tpu.memref_slice %arg3[%add3A_157] : memref<819200xi32, #tpu.memory_space<hbm>> -> memref<800xi32, #tpu.memory_space<hbm>>
        %dma_start3A_159 = tpu.memref_slice %arg3[%add3A_157] : memref<819200xi32, #tpu.memory_space<hbm>> -> memref<800xi32, #tpu.memory_space<hbm>>
        tpu.enqueue_dma source(%dma_start3A_159 : memref<800xi32, #tpu.memory_space<hbm>>) target(%arg6 : memref<800xi32, #tpu.memory_space<vmem>>) target_semaphore(%arg12 : memref<!tpu.dma_semaphore, #tpu.memory_space<semaphore_mem>>)
      } else {
      }
      %ge3A_110 = arith.constant 1 : i32
      %ge3A_111 = arith.cmpi sge, %scan3A_43, %ge3A_110 : i32
      %convert_element_type3A_112 = arith.extui %ge3A_111 : i1 to i32
      %cond3A_113 = arith.constant 0 : i32
      %cond3A_114 = arith.cmpi ne, %convert_element_type3A_112, %cond3A_113 : i32
      scf.if %cond3A_114 {
        %dma_wait3A_153 = arith.constant 0 : i32
        %dma_wait3A_154 = arith.constant 0 : i32
        %dma_wait3A_155 = tpu.memref_slice %arg2[%dma_wait3A_153, %dma_wait3A_154] : memref<1000000x32xf32, #tpu.memory_space<hbm>> -> memref<800x32xf32, #tpu.memory_space<hbm>>
        %dma_wait3A_156 = arith.constant 0 : i32
        %dma_wait3A_157 = arith.constant 0 : i32
        %dma_wait3A_158 = tpu.memref_slice %arg2[%dma_wait3A_156, %dma_wait3A_157] : memref<1000000x32xf32, #tpu.memory_space<hbm>> -> memref<800x32xf32, #tpu.memory_space<hbm>>
        tpu.wait_dma2 semaphore(%arg16 : memref<!tpu.dma_semaphore, #tpu.memory_space<semaphore_mem>>) src(%dma_wait3A_158 : memref<800x32xf32, #tpu.memory_space<hbm>>) dst(%arg8 : memref<800x32xf32, #tpu.memory_space<vmem>>)
      } else {
      }
      %broadcast_in_dim3A_115 = arith.constant 0 : i32
      %broadcast_in_dim3A_116 = vector.broadcast %broadcast_in_dim3A_115 : i32 to vector<16xi32>
      %iota3A_117 = tpu.iota {dimensions = array<i32: 0>} : vector<16xi32>
      %add3A_118 = arith.addi %broadcast_in_dim3A_116, %iota3A_117 : vector<16xi32>
      %broadcast_in_dim3A_119 = arith.constant 16 : i32
      %broadcast_in_dim3A_120 = vector.broadcast %broadcast_in_dim3A_119 : i32 to vector<16xi32>
      %iota3A_121 = tpu.iota {dimensions = array<i32: 0>} : vector<16xi32>
      %add3A_122 = arith.addi %broadcast_in_dim3A_120, %iota3A_121 : vector<16xi32>
      %broadcast_in_dim3A_123 = arith.constant 0 : i32
      %broadcast_in_dim3A_124 = vector.broadcast %broadcast_in_dim3A_123 : i32 to vector<16xi32>
      %parallel_loop3A_125 = arith.constant 0 : i32
      %parallel_loop3A_126 = arith.constant 50 : i32
      %parallel_loop3A_127 = arith.constant 1 : i32
      scf.for %parallel_loop3A_153 = %parallel_loop3A_125 to %parallel_loop3A_126 step %parallel_loop3A_127  : i32 {
        %parallel_loop3A_154 = vector.broadcast %parallel_loop3A_153 : i32 to vector<16xi32>
        %parallel_loop3A_155 = arith.addi %broadcast_in_dim3A_124, %parallel_loop3A_154 : vector<16xi32>
        %parallel_loop3A_156 = arith.constant 0 : i32
        %parallel_loop3A_157 = arith.addi %parallel_loop3A_156, %parallel_loop3A_153 : i32
        %parallel_loop3A_158 = arith.index_cast %parallel_loop3A_157 : i32 to index
        %parallel_loop3A_159 = arith.constant 0 : index
        %parallel_loop3A_160 = tpu.vector_load %arg8[%parallel_loop3A_158, %parallel_loop3A_159] {strides = array<i32>} : memref<800x32xf32, #tpu.memory_space<vmem>>, vector<16xf32>,
        %parallel_loop3A_161 = arith.constant 0 : i32
        %parallel_loop3A_162 = vector.broadcast %parallel_loop3A_161 : i32 to vector<16xi32>
        %parallel_loop3A_163 = arith.addi %broadcast_in_dim3A_124, %parallel_loop3A_162 : vector<16xi32>
        tpu.vector_store_idx %arg10[%parallel_loop3A_155, %add3A_118, %parallel_loop3A_163], %parallel_loop3A_160 : memref<50x32x17xf32, #tpu.memory_space<vmem>>[vector<16xi32>, vector<16xi32>, vector<16xi32>], vector<16xf32>,
        %parallel_loop3A_164 = arith.constant 0 : i32
        %parallel_loop3A_165 = arith.addi %parallel_loop3A_164, %parallel_loop3A_153 : i32
        %parallel_loop3A_166 = arith.index_cast %parallel_loop3A_165 : i32 to index
        %parallel_loop3A_167 = arith.constant 16 : index
        %parallel_loop3A_168 = tpu.vector_load %arg8[%parallel_loop3A_166, %parallel_loop3A_167] {strides = array<i32>} : memref<800x32xf32, #tpu.memory_space<vmem>>, vector<16xf32>,
        %parallel_loop3A_169 = arith.constant 0 : i32
        %parallel_loop3A_170 = vector.broadcast %parallel_loop3A_169 : i32 to vector<16xi32>
        %parallel_loop3A_171 = arith.addi %broadcast_in_dim3A_124, %parallel_loop3A_170 : vector<16xi32>
        tpu.vector_store_idx %arg10[%parallel_loop3A_155, %add3A_122, %parallel_loop3A_171], %parallel_loop3A_168 : memref<50x32x17xf32, #tpu.memory_space<vmem>>[vector<16xi32>, vector<16xi32>, vector<16xi32>], vector<16xf32>,
        %parallel_loop3A_172 = arith.constant 50 : i32
        %parallel_loop3A_173 = arith.addi %parallel_loop3A_172, %parallel_loop3A_153 : i32
        %parallel_loop3A_174 = arith.index_cast %parallel_loop3A_173 : i32 to index
        %parallel_loop3A_175 = arith.constant 0 : index
        %parallel_loop3A_176 = tpu.vector_load %arg8[%parallel_loop3A_174, %parallel_loop3A_175] {strides = array<i32>} : memref<800x32xf32, #tpu.memory_space<vmem>>, vector<16xf32>,
        %parallel_loop3A_177 = arith.constant 1 : i32
        %parallel_loop3A_178 = vector.broadcast %parallel_loop3A_177 : i32 to vector<16xi32>
        %parallel_loop3A_179 = arith.addi %broadcast_in_dim3A_124, %parallel_loop3A_178 : vector<16xi32>
        tpu.vector_store_idx %arg10[%parallel_loop3A_155, %add3A_118, %parallel_loop3A_179], %parallel_loop3A_176 : memref<50x32x17xf32, #tpu.memory_space<vmem>>[vector<16xi32>, vector<16xi32>, vector<16xi32>], vector<16xf32>,
        %parallel_loop3A_180 = arith.constant 50 : i32
        %parallel_loop3A_181 = arith.addi %parallel_loop3A_180, %parallel_loop3A_153 : i32
        %parallel_loop3A_182 = arith.index_cast %parallel_loop3A_181 : i32 to index
        %parallel_loop3A_183 = arith.constant 16 : index
        %parallel_loop3A_184 = tpu.vector_load %arg8[%parallel_loop3A_182, %parallel_loop3A_183] {strides = array<i32>} : memref<800x32xf32, #tpu.memory_space<vmem>>, vector<16xf32>,
        %parallel_loop3A_185 = arith.constant 1 : i32
        %parallel_loop3A_186 = vector.broadcast %parallel_loop3A_185 : i32 to vector<16xi32>
        %parallel_loop3A_187 = arith.addi %broadcast_in_dim3A_124, %parallel_loop3A_186 : vector<16xi32>
        tpu.vector_store_idx %arg10[%parallel_loop3A_155, %add3A_122, %parallel_loop3A_187], %parallel_loop3A_184 : memref<50x32x17xf32, #tpu.memory_space<vmem>>[vector<16xi32>, vector<16xi32>, vector<16xi32>], vector<16xf32>,
        %parallel_loop3A_188 = arith.constant 100 : i32
        %parallel_loop3A_189 = arith.addi %parallel_loop3A_188, %parallel_loop3A_153 : i32
        %parallel_loop3A_190 = arith.index_cast %parallel_loop3A_189 : i32 to index
        %parallel_loop3A_191 = arith.constant 0 : index
        %parallel_loop3A_192 = tpu.vector_load %arg8[%parallel_loop3A_190, %parallel_loop3A_191] {strides = array<i32>} : memref<800x32xf32, #tpu.memory_space<vmem>>, vector<16xf32>,
        %parallel_loop3A_193 = arith.constant 2 : i32
        %parallel_loop3A_194 = vector.broadcast %parallel_loop3A_193 : i32 to vector<16xi32>
        %parallel_loop3A_195 = arith.addi %broadcast_in_dim3A_124, %parallel_loop3A_194 : vector<16xi32>
        tpu.vector_store_idx %arg10[%parallel_loop3A_155, %add3A_118, %parallel_loop3A_195], %parallel_loop3A_192 : memref<50x32x17xf32, #tpu.memory_space<vmem>>[vector<16xi32>, vector<16xi32>, vector<16xi32>], vector<16xf32>,
        %parallel_loop3A_196 = arith.constant 100 : i32
        %parallel_loop3A_197 = arith.addi %parallel_loop3A_196, %parallel_loop3A_153 : i32
        %parallel_loop3A_198 = arith.index_cast %parallel_loop3A_197 : i32 to index
        %parallel_loop3A_199 = arith.constant 16 : index
        %parallel_loop3A_200 = tpu.vector_load %arg8[%parallel_loop3A_198, %parallel_loop3A_199] {strides = array<i32>} : memref<800x32xf32, #tpu.memory_space<vmem>>, vector<16xf32>,
        %parallel_loop3A_201 = arith.constant 2 : i32
        %parallel_loop3A_202 = vector.broadcast %parallel_loop3A_201 : i32 to vector<16xi32>
        %parallel_loop3A_203 = arith.addi %broadcast_in_dim3A_124, %parallel_loop3A_202 : vector<16xi32>
        tpu.vector_store_idx %arg10[%parallel_loop3A_155, %add3A_122, %parallel_loop3A_203], %parallel_loop3A_200 : memref<50x32x17xf32, #tpu.memory_space<vmem>>[vector<16xi32>, vector<16xi32>, vector<16xi32>], vector<16xf32>,
        %parallel_loop3A_204 = arith.constant 150 : i32
        %parallel_loop3A_205 = arith.addi %parallel_loop3A_204, %parallel_loop3A_153 : i32
        %parallel_loop3A_206 = arith.index_cast %parallel_loop3A_205 : i32 to index
        %parallel_loop3A_207 = arith.constant 0 : index
        %parallel_loop3A_208 = tpu.vector_load %arg8[%parallel_loop3A_206, %parallel_loop3A_207] {strides = array<i32>} : memref<800x32xf32, #tpu.memory_space<vmem>>, vector<16xf32>,
        %parallel_loop3A_209 = arith.constant 3 : i32
        %parallel_loop3A_210 = vector.broadcast %parallel_loop3A_209 : i32 to vector<16xi32>
        %parallel_loop3A_211 = arith.addi %broadcast_in_dim3A_124, %parallel_loop3A_210 : vector<16xi32>
        tpu.vector_store_idx %arg10[%parallel_loop3A_155, %add3A_118, %parallel_loop3A_211], %parallel_loop3A_208 : memref<50x32x17xf32, #tpu.memory_space<vmem>>[vector<16xi32>, vector<16xi32>, vector<16xi32>], vector<16xf32>,
        %parallel_loop3A_212 = arith.constant 150 : i32
        %parallel_loop3A_213 = arith.addi %parallel_loop3A_212, %parallel_loop3A_153 : i32
        %parallel_loop3A_214 = arith.index_cast %parallel_loop3A_213 : i32 to index
        %parallel_loop3A_215 = arith.constant 16 : index
        %parallel_loop3A_216 = tpu.vector_load %arg8[%parallel_loop3A_214, %parallel_loop3A_215] {strides = array<i32>} : memref<800x32xf32, #tpu.memory_space<vmem>>, vector<16xf32>,
        %parallel_loop3A_217 = arith.constant 3 : i32
        %parallel_loop3A_218 = vector.broadcast %parallel_loop3A_217 : i32 to vector<16xi32>
        %parallel_loop3A_219 = arith.addi %broadcast_in_dim3A_124, %parallel_loop3A_218 : vector<16xi32>
        tpu.vector_store_idx %arg10[%parallel_loop3A_155, %add3A_122, %parallel_loop3A_219], %parallel_loop3A_216 : memref<50x32x17xf32, #tpu.memory_space<vmem>>[vector<16xi32>, vector<16xi32>, vector<16xi32>], vector<16xf32>,
        %parallel_loop3A_220 = arith.constant 200 : i32
        %parallel_loop3A_221 = arith.addi %parallel_loop3A_220, %parallel_loop3A_153 : i32
        %parallel_loop3A_222 = arith.index_cast %parallel_loop3A_221 : i32 to index
        %parallel_loop3A_223 = arith.constant 0 : index
        %parallel_loop3A_224 = tpu.vector_load %arg8[%parallel_loop3A_222, %parallel_loop3A_223] {strides = array<i32>} : memref<800x32xf32, #tpu.memory_space<vmem>>, vector<16xf32>,
        %parallel_loop3A_225 = arith.constant 4 : i32
        %parallel_loop3A_226 = vector.broadcast %parallel_loop3A_225 : i32 to vector<16xi32>
        %parallel_loop3A_227 = arith.addi %broadcast_in_dim3A_124, %parallel_loop3A_226 : vector<16xi32>
        tpu.vector_store_idx %arg10[%parallel_loop3A_155, %add3A_118, %parallel_loop3A_227], %parallel_loop3A_224 : memref<50x32x17xf32, #tpu.memory_space<vmem>>[vector<16xi32>, vector<16xi32>, vector<16xi32>], vector<16xf32>,
        %parallel_loop3A_228 = arith.constant 200 : i32
        %parallel_loop3A_229 = arith.addi %parallel_loop3A_228, %parallel_loop3A_153 : i32
        %parallel_loop3A_230 = arith.index_cast %parallel_loop3A_229 : i32 to index
        %parallel_loop3A_231 = arith.constant 16 : index
        %parallel_loop3A_232 = tpu.vector_load %arg8[%parallel_loop3A_230, %parallel_loop3A_231] {strides = array<i32>} : memref<800x32xf32, #tpu.memory_space<vmem>>, vector<16xf32>,
        %parallel_loop3A_233 = arith.constant 4 : i32
        %parallel_loop3A_234 = vector.broadcast %parallel_loop3A_233 : i32 to vector<16xi32>
        %parallel_loop3A_235 = arith.addi %broadcast_in_dim3A_124, %parallel_loop3A_234 : vector<16xi32>
        tpu.vector_store_idx %arg10[%parallel_loop3A_155, %add3A_122, %parallel_loop3A_235], %parallel_loop3A_232 : memref<50x32x17xf32, #tpu.memory_space<vmem>>[vector<16xi32>, vector<16xi32>, vector<16xi32>], vector<16xf32>,
        %parallel_loop3A_236 = arith.constant 250 : i32
        %parallel_loop3A_237 = arith.addi %parallel_loop3A_236, %parallel_loop3A_153 : i32
        %parallel_loop3A_238 = arith.index_cast %parallel_loop3A_237 : i32 to index
        %parallel_loop3A_239 = arith.constant 0 : index
        %parallel_loop3A_240 = tpu.vector_load %arg8[%parallel_loop3A_238, %parallel_loop3A_239] {strides = array<i32>} : memref<800x32xf32, #tpu.memory_space<vmem>>, vector<16xf32>,
        %parallel_loop3A_241 = arith.constant 5 : i32
        %parallel_loop3A_242 = vector.broadcast %parallel_loop3A_241 : i32 to vector<16xi32>
        %parallel_loop3A_243 = arith.addi %broadcast_in_dim3A_124, %parallel_loop3A_242 : vector<16xi32>
        tpu.vector_store_idx %arg10[%parallel_loop3A_155, %add3A_118, %parallel_loop3A_243], %parallel_loop3A_240 : memref<50x32x17xf32, #tpu.memory_space<vmem>>[vector<16xi32>, vector<16xi32>, vector<16xi32>], vector<16xf32>,
        %parallel_loop3A_244 = arith.constant 250 : i32
        %parallel_loop3A_245 = arith.addi %parallel_loop3A_244, %parallel_loop3A_153 : i32
        %parallel_loop3A_246 = arith.index_cast %parallel_loop3A_245 : i32 to index
        %parallel_loop3A_247 = arith.constant 16 : index
        %parallel_loop3A_248 = tpu.vector_load %arg8[%parallel_loop3A_246, %parallel_loop3A_247] {strides = array<i32>} : memref<800x32xf32, #tpu.memory_space<vmem>>, vector<16xf32>,
        %parallel_loop3A_249 = arith.constant 5 : i32
        %parallel_loop3A_250 = vector.broadcast %parallel_loop3A_249 : i32 to vector<16xi32>
        %parallel_loop3A_251 = arith.addi %broadcast_in_dim3A_124, %parallel_loop3A_250 : vector<16xi32>
        tpu.vector_store_idx %arg10[%parallel_loop3A_155, %add3A_122, %parallel_loop3A_251], %parallel_loop3A_248 : memref<50x32x17xf32, #tpu.memory_space<vmem>>[vector<16xi32>, vector<16xi32>, vector<16xi32>], vector<16xf32>,
        %parallel_loop3A_252 = arith.constant 300 : i32
        %parallel_loop3A_253 = arith.addi %parallel_loop3A_252, %parallel_loop3A_153 : i32
        %parallel_loop3A_254 = arith.index_cast %parallel_loop3A_253 : i32 to index
        %parallel_loop3A_255 = arith.constant 0 : index
        %parallel_loop3A_256 = tpu.vector_load %arg8[%parallel_loop3A_254, %parallel_loop3A_255] {strides = array<i32>} : memref<800x32xf32, #tpu.memory_space<vmem>>, vector<16xf32>,
        %parallel_loop3A_257 = arith.constant 6 : i32
        %parallel_loop3A_258 = vector.broadcast %parallel_loop3A_257 : i32 to vector<16xi32>
        %parallel_loop3A_259 = arith.addi %broadcast_in_dim3A_124, %parallel_loop3A_258 : vector<16xi32>
        tpu.vector_store_idx %arg10[%parallel_loop3A_155, %add3A_118, %parallel_loop3A_259], %parallel_loop3A_256 : memref<50x32x17xf32, #tpu.memory_space<vmem>>[vector<16xi32>, vector<16xi32>, vector<16xi32>], vector<16xf32>,
        %parallel_loop3A_260 = arith.constant 300 : i32
        %parallel_loop3A_261 = arith.addi %parallel_loop3A_260, %parallel_loop3A_153 : i32
        %parallel_loop3A_262 = arith.index_cast %parallel_loop3A_261 : i32 to index
        %parallel_loop3A_263 = arith.constant 16 : index
        %parallel_loop3A_264 = tpu.vector_load %arg8[%parallel_loop3A_262, %parallel_loop3A_263] {strides = array<i32>} : memref<800x32xf32, #tpu.memory_space<vmem>>, vector<16xf32>,
        %parallel_loop3A_265 = arith.constant 6 : i32
        %parallel_loop3A_266 = vector.broadcast %parallel_loop3A_265 : i32 to vector<16xi32>
        %parallel_loop3A_267 = arith.addi %broadcast_in_dim3A_124, %parallel_loop3A_266 : vector<16xi32>
        tpu.vector_store_idx %arg10[%parallel_loop3A_155, %add3A_122, %parallel_loop3A_267], %parallel_loop3A_264 : memref<50x32x17xf32, #tpu.memory_space<vmem>>[vector<16xi32>, vector<16xi32>, vector<16xi32>], vector<16xf32>,
        %parallel_loop3A_268 = arith.constant 350 : i32
        %parallel_loop3A_269 = arith.addi %parallel_loop3A_268, %parallel_loop3A_153 : i32
        %parallel_loop3A_270 = arith.index_cast %parallel_loop3A_269 : i32 to index
        %parallel_loop3A_271 = arith.constant 0 : index
        %parallel_loop3A_272 = tpu.vector_load %arg8[%parallel_loop3A_270, %parallel_loop3A_271] {strides = array<i32>} : memref<800x32xf32, #tpu.memory_space<vmem>>, vector<16xf32>,
        %parallel_loop3A_273 = arith.constant 7 : i32
        %parallel_loop3A_274 = vector.broadcast %parallel_loop3A_273 : i32 to vector<16xi32>
        %parallel_loop3A_275 = arith.addi %broadcast_in_dim3A_124, %parallel_loop3A_274 : vector<16xi32>
        tpu.vector_store_idx %arg10[%parallel_loop3A_155, %add3A_118, %parallel_loop3A_275], %parallel_loop3A_272 : memref<50x32x17xf32, #tpu.memory_space<vmem>>[vector<16xi32>, vector<16xi32>, vector<16xi32>], vector<16xf32>,
        %parallel_loop3A_276 = arith.constant 350 : i32
        %parallel_loop3A_277 = arith.addi %parallel_loop3A_276, %parallel_loop3A_153 : i32
        %parallel_loop3A_278 = arith.index_cast %parallel_loop3A_277 : i32 to index
        %parallel_loop3A_279 = arith.constant 16 : index
        %parallel_loop3A_280 = tpu.vector_load %arg8[%parallel_loop3A_278, %parallel_loop3A_279] {strides = array<i32>} : memref<800x32xf32, #tpu.memory_space<vmem>>, vector<16xf32>,
        %parallel_loop3A_281 = arith.constant 7 : i32
        %parallel_loop3A_282 = vector.broadcast %parallel_loop3A_281 : i32 to vector<16xi32>
        %parallel_loop3A_283 = arith.addi %broadcast_in_dim3A_124, %parallel_loop3A_282 : vector<16xi32>
        tpu.vector_store_idx %arg10[%parallel_loop3A_155, %add3A_122, %parallel_loop3A_283], %parallel_loop3A_280 : memref<50x32x17xf32, #tpu.memory_space<vmem>>[vector<16xi32>, vector<16xi32>, vector<16xi32>], vector<16xf32>,
        %parallel_loop3A_284 = arith.constant 400 : i32
        %parallel_loop3A_285 = arith.addi %parallel_loop3A_284, %parallel_loop3A_153 : i32
        %parallel_loop3A_286 = arith.index_cast %parallel_loop3A_285 : i32 to index
        %parallel_loop3A_287 = arith.constant 0 : index
        %parallel_loop3A_288 = tpu.vector_load %arg8[%parallel_loop3A_286, %parallel_loop3A_287] {strides = array<i32>} : memref<800x32xf32, #tpu.memory_space<vmem>>, vector<16xf32>,
        %parallel_loop3A_289 = arith.constant 8 : i32
        %parallel_loop3A_290 = vector.broadcast %parallel_loop3A_289 : i32 to vector<16xi32>
        %parallel_loop3A_291 = arith.addi %broadcast_in_dim3A_124, %parallel_loop3A_290 : vector<16xi32>
        tpu.vector_store_idx %arg10[%parallel_loop3A_155, %add3A_118, %parallel_loop3A_291], %parallel_loop3A_288 : memref<50x32x17xf32, #tpu.memory_space<vmem>>[vector<16xi32>, vector<16xi32>, vector<16xi32>], vector<16xf32>,
        %parallel_loop3A_292 = arith.constant 400 : i32
        %parallel_loop3A_293 = arith.addi %parallel_loop3A_292, %parallel_loop3A_153 : i32
        %parallel_loop3A_294 = arith.index_cast %parallel_loop3A_293 : i32 to index
        %parallel_loop3A_295 = arith.constant 16 : index
        %parallel_loop3A_296 = tpu.vector_load %arg8[%parallel_loop3A_294, %parallel_loop3A_295] {strides = array<i32>} : memref<800x32xf32, #tpu.memory_space<vmem>>, vector<16xf32>,
        %parallel_loop3A_297 = arith.constant 8 : i32
        %parallel_loop3A_298 = vector.broadcast %parallel_loop3A_297 : i32 to vector<16xi32>
        %parallel_loop3A_299 = arith.addi %broadcast_in_dim3A_124, %parallel_loop3A_298 : vector<16xi32>
        tpu.vector_store_idx %arg10[%parallel_loop3A_155, %add3A_122, %parallel_loop3A_299], %parallel_loop3A_296 : memref<50x32x17xf32, #tpu.memory_space<vmem>>[vector<16xi32>, vector<16xi32>, vector<16xi32>], vector<16xf32>,
        %parallel_loop3A_300 = arith.constant 450 : i32
        %parallel_loop3A_301 = arith.addi %parallel_loop3A_300, %parallel_loop3A_153 : i32
        %parallel_loop3A_302 = arith.index_cast %parallel_loop3A_301 : i32 to index
        %parallel_loop3A_303 = arith.constant 0 : index
        %parallel_loop3A_304 = tpu.vector_load %arg8[%parallel_loop3A_302, %parallel_loop3A_303] {strides = array<i32>} : memref<800x32xf32, #tpu.memory_space<vmem>>, vector<16xf32>,
        %parallel_loop3A_305 = arith.constant 9 : i32
        %parallel_loop3A_306 = vector.broadcast %parallel_loop3A_305 : i32 to vector<16xi32>
        %parallel_loop3A_307 = arith.addi %broadcast_in_dim3A_124, %parallel_loop3A_306 : vector<16xi32>
        tpu.vector_store_idx %arg10[%parallel_loop3A_155, %add3A_118, %parallel_loop3A_307], %parallel_loop3A_304 : memref<50x32x17xf32, #tpu.memory_space<vmem>>[vector<16xi32>, vector<16xi32>, vector<16xi32>], vector<16xf32>,
        %parallel_loop3A_308 = arith.constant 450 : i32
        %parallel_loop3A_309 = arith.addi %parallel_loop3A_308, %parallel_loop3A_153 : i32
        %parallel_loop3A_310 = arith.index_cast %parallel_loop3A_309 : i32 to index
        %parallel_loop3A_311 = arith.constant 16 : index
        %parallel_loop3A_312 = tpu.vector_load %arg8[%parallel_loop3A_310, %parallel_loop3A_311] {strides = array<i32>} : memref<800x32xf32, #tpu.memory_space<vmem>>, vector<16xf32>,
        %parallel_loop3A_313 = arith.constant 9 : i32
        %parallel_loop3A_314 = vector.broadcast %parallel_loop3A_313 : i32 to vector<16xi32>
        %parallel_loop3A_315 = arith.addi %broadcast_in_dim3A_124, %parallel_loop3A_314 : vector<16xi32>
        tpu.vector_store_idx %arg10[%parallel_loop3A_155, %add3A_122, %parallel_loop3A_315], %parallel_loop3A_312 : memref<50x32x17xf32, #tpu.memory_space<vmem>>[vector<16xi32>, vector<16xi32>, vector<16xi32>], vector<16xf32>,
        %parallel_loop3A_316 = arith.constant 500 : i32
        %parallel_loop3A_317 = arith.addi %parallel_loop3A_316, %parallel_loop3A_153 : i32
        %parallel_loop3A_318 = arith.index_cast %parallel_loop3A_317 : i32 to index
        %parallel_loop3A_319 = arith.constant 0 : index
        %parallel_loop3A_320 = tpu.vector_load %arg8[%parallel_loop3A_318, %parallel_loop3A_319] {strides = array<i32>} : memref<800x32xf32, #tpu.memory_space<vmem>>, vector<16xf32>,
        %parallel_loop3A_321 = arith.constant 10 : i32
        %parallel_loop3A_322 = vector.broadcast %parallel_loop3A_321 : i32 to vector<16xi32>
        %parallel_loop3A_323 = arith.addi %broadcast_in_dim3A_124, %parallel_loop3A_322 : vector<16xi32>
        tpu.vector_store_idx %arg10[%parallel_loop3A_155, %add3A_118, %parallel_loop3A_323], %parallel_loop3A_320 : memref<50x32x17xf32, #tpu.memory_space<vmem>>[vector<16xi32>, vector<16xi32>, vector<16xi32>], vector<16xf32>,
        %parallel_loop3A_324 = arith.constant 500 : i32
        %parallel_loop3A_325 = arith.addi %parallel_loop3A_324, %parallel_loop3A_153 : i32
        %parallel_loop3A_326 = arith.index_cast %parallel_loop3A_325 : i32 to index
        %parallel_loop3A_327 = arith.constant 16 : index
        %parallel_loop3A_328 = tpu.vector_load %arg8[%parallel_loop3A_326, %parallel_loop3A_327] {strides = array<i32>} : memref<800x32xf32, #tpu.memory_space<vmem>>, vector<16xf32>,
        %parallel_loop3A_329 = arith.constant 10 : i32
        %parallel_loop3A_330 = vector.broadcast %parallel_loop3A_329 : i32 to vector<16xi32>
        %parallel_loop3A_331 = arith.addi %broadcast_in_dim3A_124, %parallel_loop3A_330 : vector<16xi32>
        tpu.vector_store_idx %arg10[%parallel_loop3A_155, %add3A_122, %parallel_loop3A_331], %parallel_loop3A_328 : memref<50x32x17xf32, #tpu.memory_space<vmem>>[vector<16xi32>, vector<16xi32>, vector<16xi32>], vector<16xf32>,
        %parallel_loop3A_332 = arith.constant 550 : i32
        %parallel_loop3A_333 = arith.addi %parallel_loop3A_332, %parallel_loop3A_153 : i32
        %parallel_loop3A_334 = arith.index_cast %parallel_loop3A_333 : i32 to index
        %parallel_loop3A_335 = arith.constant 0 : index
        %parallel_loop3A_336 = tpu.vector_load %arg8[%parallel_loop3A_334, %parallel_loop3A_335] {strides = array<i32>} : memref<800x32xf32, #tpu.memory_space<vmem>>, vector<16xf32>,
        %parallel_loop3A_337 = arith.constant 11 : i32
        %parallel_loop3A_338 = vector.broadcast %parallel_loop3A_337 : i32 to vector<16xi32>
        %parallel_loop3A_339 = arith.addi %broadcast_in_dim3A_124, %parallel_loop3A_338 : vector<16xi32>
        tpu.vector_store_idx %arg10[%parallel_loop3A_155, %add3A_118, %parallel_loop3A_339], %parallel_loop3A_336 : memref<50x32x17xf32, #tpu.memory_space<vmem>>[vector<16xi32>, vector<16xi32>, vector<16xi32>], vector<16xf32>,
        %parallel_loop3A_340 = arith.constant 550 : i32
        %parallel_loop3A_341 = arith.addi %parallel_loop3A_340, %parallel_loop3A_153 : i32
        %parallel_loop3A_342 = arith.index_cast %parallel_loop3A_341 : i32 to index
        %parallel_loop3A_343 = arith.constant 16 : index
        %parallel_loop3A_344 = tpu.vector_load %arg8[%parallel_loop3A_342, %parallel_loop3A_343] {strides = array<i32>} : memref<800x32xf32, #tpu.memory_space<vmem>>, vector<16xf32>,
        %parallel_loop3A_345 = arith.constant 11 : i32
        %parallel_loop3A_346 = vector.broadcast %parallel_loop3A_345 : i32 to vector<16xi32>
        %parallel_loop3A_347 = arith.addi %broadcast_in_dim3A_124, %parallel_loop3A_346 : vector<16xi32>
        tpu.vector_store_idx %arg10[%parallel_loop3A_155, %add3A_122, %parallel_loop3A_347], %parallel_loop3A_344 : memref<50x32x17xf32, #tpu.memory_space<vmem>>[vector<16xi32>, vector<16xi32>, vector<16xi32>], vector<16xf32>,
        %parallel_loop3A_348 = arith.constant 600 : i32
        %parallel_loop3A_349 = arith.addi %parallel_loop3A_348, %parallel_loop3A_153 : i32
        %parallel_loop3A_350 = arith.index_cast %parallel_loop3A_349 : i32 to index
        %parallel_loop3A_351 = arith.constant 0 : index
        %parallel_loop3A_352 = tpu.vector_load %arg8[%parallel_loop3A_350, %parallel_loop3A_351] {strides = array<i32>} : memref<800x32xf32, #tpu.memory_space<vmem>>, vector<16xf32>,
        %parallel_loop3A_353 = arith.constant 12 : i32
        %parallel_loop3A_354 = vector.broadcast %parallel_loop3A_353 : i32 to vector<16xi32>
        %parallel_loop3A_355 = arith.addi %broadcast_in_dim3A_124, %parallel_loop3A_354 : vector<16xi32>
        tpu.vector_store_idx %arg10[%parallel_loop3A_155, %add3A_118, %parallel_loop3A_355], %parallel_loop3A_352 : memref<50x32x17xf32, #tpu.memory_space<vmem>>[vector<16xi32>, vector<16xi32>, vector<16xi32>], vector<16xf32>,
        %parallel_loop3A_356 = arith.constant 600 : i32
        %parallel_loop3A_357 = arith.addi %parallel_loop3A_356, %parallel_loop3A_153 : i32
        %parallel_loop3A_358 = arith.index_cast %parallel_loop3A_357 : i32 to index
        %parallel_loop3A_359 = arith.constant 16 : index
        %parallel_loop3A_360 = tpu.vector_load %arg8[%parallel_loop3A_358, %parallel_loop3A_359] {strides = array<i32>} : memref<800x32xf32, #tpu.memory_space<vmem>>, vector<16xf32>,
        %parallel_loop3A_361 = arith.constant 12 : i32
        %parallel_loop3A_362 = vector.broadcast %parallel_loop3A_361 : i32 to vector<16xi32>
        %parallel_loop3A_363 = arith.addi %broadcast_in_dim3A_124, %parallel_loop3A_362 : vector<16xi32>
        tpu.vector_store_idx %arg10[%parallel_loop3A_155, %add3A_122, %parallel_loop3A_363], %parallel_loop3A_360 : memref<50x32x17xf32, #tpu.memory_space<vmem>>[vector<16xi32>, vector<16xi32>, vector<16xi32>], vector<16xf32>,
        %parallel_loop3A_364 = arith.constant 650 : i32
        %parallel_loop3A_365 = arith.addi %parallel_loop3A_364, %parallel_loop3A_153 : i32
        %parallel_loop3A_366 = arith.index_cast %parallel_loop3A_365 : i32 to index
        %parallel_loop3A_367 = arith.constant 0 : index
        %parallel_loop3A_368 = tpu.vector_load %arg8[%parallel_loop3A_366, %parallel_loop3A_367] {strides = array<i32>} : memref<800x32xf32, #tpu.memory_space<vmem>>, vector<16xf32>,
        %parallel_loop3A_369 = arith.constant 13 : i32
        %parallel_loop3A_370 = vector.broadcast %parallel_loop3A_369 : i32 to vector<16xi32>
        %parallel_loop3A_371 = arith.addi %broadcast_in_dim3A_124, %parallel_loop3A_370 : vector<16xi32>
        tpu.vector_store_idx %arg10[%parallel_loop3A_155, %add3A_118, %parallel_loop3A_371], %parallel_loop3A_368 : memref<50x32x17xf32, #tpu.memory_space<vmem>>[vector<16xi32>, vector<16xi32>, vector<16xi32>], vector<16xf32>,
        %parallel_loop3A_372 = arith.constant 650 : i32
        %parallel_loop3A_373 = arith.addi %parallel_loop3A_372, %parallel_loop3A_153 : i32
        %parallel_loop3A_374 = arith.index_cast %parallel_loop3A_373 : i32 to index
        %parallel_loop3A_375 = arith.constant 16 : index
        %parallel_loop3A_376 = tpu.vector_load %arg8[%parallel_loop3A_374, %parallel_loop3A_375] {strides = array<i32>} : memref<800x32xf32, #tpu.memory_space<vmem>>, vector<16xf32>,
        %parallel_loop3A_377 = arith.constant 13 : i32
        %parallel_loop3A_378 = vector.broadcast %parallel_loop3A_377 : i32 to vector<16xi32>
        %parallel_loop3A_379 = arith.addi %broadcast_in_dim3A_124, %parallel_loop3A_378 : vector<16xi32>
        tpu.vector_store_idx %arg10[%parallel_loop3A_155, %add3A_122, %parallel_loop3A_379], %parallel_loop3A_376 : memref<50x32x17xf32, #tpu.memory_space<vmem>>[vector<16xi32>, vector<16xi32>, vector<16xi32>], vector<16xf32>,
        %parallel_loop3A_380 = arith.constant 700 : i32
        %parallel_loop3A_381 = arith.addi %parallel_loop3A_380, %parallel_loop3A_153 : i32
        %parallel_loop3A_382 = arith.index_cast %parallel_loop3A_381 : i32 to index
        %parallel_loop3A_383 = arith.constant 0 : index
        %parallel_loop3A_384 = tpu.vector_load %arg8[%parallel_loop3A_382, %parallel_loop3A_383] {strides = array<i32>} : memref<800x32xf32, #tpu.memory_space<vmem>>, vector<16xf32>,
        %parallel_loop3A_385 = arith.constant 14 : i32
        %parallel_loop3A_386 = vector.broadcast %parallel_loop3A_385 : i32 to vector<16xi32>
        %parallel_loop3A_387 = arith.addi %broadcast_in_dim3A_124, %parallel_loop3A_386 : vector<16xi32>
        tpu.vector_store_idx %arg10[%parallel_loop3A_155, %add3A_118, %parallel_loop3A_387], %parallel_loop3A_384 : memref<50x32x17xf32, #tpu.memory_space<vmem>>[vector<16xi32>, vector<16xi32>, vector<16xi32>], vector<16xf32>,
        %parallel_loop3A_388 = arith.constant 700 : i32
        %parallel_loop3A_389 = arith.addi %parallel_loop3A_388, %parallel_loop3A_153 : i32
        %parallel_loop3A_390 = arith.index_cast %parallel_loop3A_389 : i32 to index
        %parallel_loop3A_391 = arith.constant 16 : index
        %parallel_loop3A_392 = tpu.vector_load %arg8[%parallel_loop3A_390, %parallel_loop3A_391] {strides = array<i32>} : memref<800x32xf32, #tpu.memory_space<vmem>>, vector<16xf32>,
        %parallel_loop3A_393 = arith.constant 14 : i32
        %parallel_loop3A_394 = vector.broadcast %parallel_loop3A_393 : i32 to vector<16xi32>
        %parallel_loop3A_395 = arith.addi %broadcast_in_dim3A_124, %parallel_loop3A_394 : vector<16xi32>
        tpu.vector_store_idx %arg10[%parallel_loop3A_155, %add3A_122, %parallel_loop3A_395], %parallel_loop3A_392 : memref<50x32x17xf32, #tpu.memory_space<vmem>>[vector<16xi32>, vector<16xi32>, vector<16xi32>], vector<16xf32>,
        %parallel_loop3A_396 = arith.constant 750 : i32
        %parallel_loop3A_397 = arith.addi %parallel_loop3A_396, %parallel_loop3A_153 : i32
        %parallel_loop3A_398 = arith.index_cast %parallel_loop3A_397 : i32 to index
        %parallel_loop3A_399 = arith.constant 0 : index
        %parallel_loop3A_400 = tpu.vector_load %arg8[%parallel_loop3A_398, %parallel_loop3A_399] {strides = array<i32>} : memref<800x32xf32, #tpu.memory_space<vmem>>, vector<16xf32>,
        %parallel_loop3A_401 = arith.constant 15 : i32
        %parallel_loop3A_402 = vector.broadcast %parallel_loop3A_401 : i32 to vector<16xi32>
        %parallel_loop3A_403 = arith.addi %broadcast_in_dim3A_124, %parallel_loop3A_402 : vector<16xi32>
        tpu.vector_store_idx %arg10[%parallel_loop3A_155, %add3A_118, %parallel_loop3A_403], %parallel_loop3A_400 : memref<50x32x17xf32, #tpu.memory_space<vmem>>[vector<16xi32>, vector<16xi32>, vector<16xi32>], vector<16xf32>,
        %parallel_loop3A_404 = arith.constant 750 : i32
        %parallel_loop3A_405 = arith.addi %parallel_loop3A_404, %parallel_loop3A_153 : i32
        %parallel_loop3A_406 = arith.index_cast %parallel_loop3A_405 : i32 to index
        %parallel_loop3A_407 = arith.constant 16 : index
        %parallel_loop3A_408 = tpu.vector_load %arg8[%parallel_loop3A_406, %parallel_loop3A_407] {strides = array<i32>} : memref<800x32xf32, #tpu.memory_space<vmem>>, vector<16xf32>,
        %parallel_loop3A_409 = arith.constant 15 : i32
        %parallel_loop3A_410 = vector.broadcast %parallel_loop3A_409 : i32 to vector<16xi32>
        %parallel_loop3A_411 = arith.addi %broadcast_in_dim3A_124, %parallel_loop3A_410 : vector<16xi32>
        tpu.vector_store_idx %arg10[%parallel_loop3A_155, %add3A_122, %parallel_loop3A_411], %parallel_loop3A_408 : memref<50x32x17xf32, #tpu.memory_space<vmem>>[vector<16xi32>, vector<16xi32>, vector<16xi32>], vector<16xf32>,
      } {sc.loop_unroll_factor = 2 : i64, sc.parallel_access}
      %add3A_128 = arith.constant 1 : i32
      %add3A_129 = arith.addi %scan3A_43, %add3A_128 : i32
      %lt3A_130 = arith.constant 16 : i32
      %lt3A_131 = arith.cmpi slt, %add3A_129, %lt3A_130 : i32
      %convert_element_type3A_132 = arith.extui %lt3A_131 : i1 to i32
      %cond3A_133 = arith.constant 0 : i32
      %cond3A_134 = arith.cmpi ne, %convert_element_type3A_132, %cond3A_133 : i32
      scf.if %cond3A_134 {
        %dma_wait3A_153 = arith.constant 0 : i32
        %dma_wait3A_154 = tpu.memref_slice %arg3[%dma_wait3A_153] : memref<819200xi32, #tpu.memory_space<hbm>> -> memref<800xi32, #tpu.memory_space<hbm>>
        %dma_wait3A_155 = arith.constant 0 : i32
        %dma_wait3A_156 = tpu.memref_slice %arg3[%dma_wait3A_155] : memref<819200xi32, #tpu.memory_space<hbm>> -> memref<800xi32, #tpu.memory_space<hbm>>
        tpu.wait_dma2 semaphore(%arg12 : memref<!tpu.dma_semaphore, #tpu.memory_space<semaphore_mem>>) src(%dma_wait3A_156 : memref<800xi32, #tpu.memory_space<hbm>>) dst(%arg6 : memref<800xi32, #tpu.memory_space<vmem>>)
        %dma_start3A_157 = arith.constant 0 : i32
        %dma_start3A_158 = arith.constant 0 : i32
        %dma_start3A_159 = tpu.memref_slice %arg2[%dma_start3A_157, %dma_start3A_158] : memref<1000000x32xf32, #tpu.memory_space<hbm>> -> memref<1000000x32xf32, #tpu.memory_space<hbm>>
        tpu.enqueue_indirect_dma source(%dma_start3A_159 : memref<1000000x32xf32, #tpu.memory_space<hbm>>) target(%arg8 : memref<800x32xf32, #tpu.memory_space<vmem>>) offsets(%arg6 : memref<800xi32, #tpu.memory_space<vmem>>) semaphore(%arg14 : memref<!tpu.dma_semaphore, #tpu.memory_space<semaphore_mem>>)
      } else {
      }
      %mul3A_135 = arith.constant 16 : i32
      %mul3A_136 = arith.muli %add3A_48, %mul3A_135 : i32
      %add3A_137 = arith.addi %mul3A_2, %mul3A_136 : i32
      %dma_start3A_138 = arith.constant 0 : i32
      %dma_start3A_139 = arith.constant 0 : i32
      %dma_start3A_140 = arith.constant 0 : i32
      %dma_start3A_141 = tpu.memref_slice %arg10[%dma_start3A_138, %dma_start3A_139, %dma_start3A_140] : memref<50x32x17xf32, #tpu.memory_space<vmem>> -> memref<50x32x16xf32, #tpu.memory_space<vmem>>
      %dma_start3A_142 = arith.constant 0 : i32
      %dma_start3A_143 = arith.constant 0 : i32
      %dma_start3A_144 = tpu.memref_slice %arg4[%dma_start3A_142, %dma_start3A_143, %add3A_137] : memref<50x32x16384xf32, #tpu.memory_space<hbm>> -> memref<50x32x16xf32, #tpu.memory_space<hbm>>
      %dma_start3A_145 = arith.constant 0 : i32
      %dma_start3A_146 = arith.constant 0 : i32
      %dma_start3A_147 = tpu.memref_slice %arg4[%dma_start3A_145, %dma_start3A_146, %add3A_137] : memref<50x32x16384xf32, #tpu.memory_space<hbm>> -> memref<50x32x16xf32, #tpu.memory_space<hbm>>
      %dma_start3A_148 = arith.constant 0 : i32
      %dma_start3A_149 = arith.constant 0 : i32
      %dma_start3A_150 = arith.constant 0 : i32
      %dma_start3A_151 = tpu.memref_slice %arg10[%dma_start3A_148, %dma_start3A_149, %dma_start3A_150] : memref<50x32x17xf32, #tpu.memory_space<vmem>> -> memref<50x32x16xf32, #tpu.memory_space<vmem>>
      tpu.enqueue_dma source(%dma_start3A_151 : memref<50x32x16xf32, #tpu.memory_space<vmem>>) target(%dma_start3A_147 : memref<50x32x16xf32, #tpu.memory_space<hbm>>) target_semaphore(%arg16 : memref<!tpu.dma_semaphore, #tpu.memory_space<semaphore_mem>>)
      %scan3A_152 = arith.constant 0 : i32
      scf.yield %scan3A_152 : i32
    }
    %scan3A_30 = arith.constant 16 : i32
    %dma_wait3A_31 = arith.constant 0 : i32
    %dma_wait3A_32 = arith.constant 0 : i32
    %dma_wait3A_33 = tpu.memref_slice %arg2[%dma_wait3A_31, %dma_wait3A_32] : memref<1000000x32xf32, #tpu.memory_space<hbm>> -> memref<800x32xf32, #tpu.memory_space<hbm>>
    %dma_wait3A_34 = arith.constant 0 : i32
    %dma_wait3A_35 = arith.constant 0 : i32
    %dma_wait3A_36 = tpu.memref_slice %arg2[%dma_wait3A_34, %dma_wait3A_35] : memref<1000000x32xf32, #tpu.memory_space<hbm>> -> memref<800x32xf32, #tpu.memory_space<hbm>>
    tpu.wait_dma2 semaphore(%arg15 : memref<!tpu.dma_semaphore, #tpu.memory_space<semaphore_mem>>) src(%dma_wait3A_36 : memref<800x32xf32, #tpu.memory_space<hbm>>) dst(%arg7 : memref<800x32xf32, #tpu.memory_space<vmem>>)
    %dma_wait3A_37 = arith.constant 0 : i32
    %dma_wait3A_38 = arith.constant 0 : i32
    %dma_wait3A_39 = tpu.memref_slice %arg2[%dma_wait3A_37, %dma_wait3A_38] : memref<1000000x32xf32, #tpu.memory_space<hbm>> -> memref<800x32xf32, #tpu.memory_space<hbm>>
    %dma_wait3A_40 = arith.constant 0 : i32
    %dma_wait3A_41 = arith.constant 0 : i32
    %dma_wait3A_42 = tpu.memref_slice %arg2[%dma_wait3A_40, %dma_wait3A_41] : memref<1000000x32xf32, #tpu.memory_space<hbm>> -> memref<800x32xf32, #tpu.memory_space<hbm>>
    tpu.wait_dma2 semaphore(%arg16 : memref<!tpu.dma_semaphore, #tpu.memory_space<semaphore_mem>>) src(%dma_wait3A_42 : memref<800x32xf32, #tpu.memory_space<hbm>>) dst(%arg8 : memref<800x32xf32, #tpu.memory_space<vmem>>)
    return
  }
}

</mosaic_0001>

<sc_bundles>
// kernel: kernel.3.cloned.1.call-start
scs
__scs_entry_jumppad:
0x0: {  	(pc) =	sbr.rel $0x88, $3  }
0x1: {  	(tag) =	ssettag $0x0;
	lr =	simm.s32 $0x1  }
0x2: {  	[smem:$0x3F9F] =	sst lr;
	_ =	strace $0xD0000000  }
0x3: {  	_ = 	snop  }
0x4: {  	_ = 	snop  }
0x5: {  	_ = 	snop  }
0x6: {  	_ = 	snop  }
0x7: {  	_ = 	snop  }
__scs_overlays_trampoline_lowered:
0x8: {  	[smem:$0x3FAE] =	sst s0  }
0x9: {  	[smem:$0x3FAF] =	sst s1  }
0xa: {  	[smem:$0x3FB0] =	sst s2  }
0xb: {  	[smem:$0x3FB1] =	sst s3  }
0xc: {  	[smem:$0x3FB2] =	sst s4  }
0xd: {  	[smem:$0x3FB3] =	sst s5  }
0xe: {  	[smem:$0x3FB4] =	sst s6  }
0xf: {  	[smem:$0x3FB5] =	sst s7  }
0x10: {  	[smem:$0x3FB6] =	sst s8  }
0x11: {  	[smem:$0x3FB7] =	sst s9;
	s0 =	simm.s32 @!p0 $0x0  }
0x12: {  	s1 =	sld [smem:$0x3F9D];
	s0 =	simm.s32 @p0 $0x1  }
0x13: {  	[smem:$0x3FB8] =	sst s0;
	s0 =	simm.s32 @!p1 $0x0  }
0x14: {  	s2 =	sld [smem:$0x3F9C];
	s0 =	simm.s32 @p1 $0x1  }
0x15: {  	[smem:$0x3FB9] =	sst s0;
	s0 =	simm.s32 @!p2 $0x0  }
0x16: {  	s3 =	sld [smem:$0x3FDB];
	s0 =	simm.s32 @p2 $0x1  }
0x17: {  	s4 =	simm.s32 $0x1BF5;
	[smem:$0x3FBB] =	sst s0  }
0x18: {  	s0 =	sld [smem:$0x3F9E];
	_ =	swait.ge [sflag:s4], $0x0  }
0x19: {  	s7 =	sld [smem:$0x3F9F]  }
0x1a: {  	s8 =	sadd.s32 $0xFFFFE003, lr  }
0x1b: {  	s9 =	sadd.s32 $0xFFFFFEF7, lr;
	s5 =	simm.s32 $0xFFFFFFFF;
	p2 =	slt.u32 s8, $0xFFFFF086  }
0x1c: {  	p1 =	slt.u32 s9, $0xF7A;
	s5 =	simm.s32 @!p2 $0x0  }
0x1d: {  	s5 =	simm.s32 @p1 $0x1;
	p0 =	seq.s32 s7, s2  }
0x1e: {  	s7 =	smul.u32 @!p0 $0xF7A, s2;
	p2 =	seq.s32 @!p0 s5, $0x0  }
0x1f: {  	s9 =	smul.u32 $0xF7A, s1;
	s8 =	simm.s32 @!p0 $0x1BF5;
	p2 =	por !p2, p0  }
0x20: {  	[sflag:s8] =	ssyncset.s32 @!p0 $0xFFFFF086;
	s6 =	sadd.s32 @!p0 s3, s7;
	s7 =	simm.s32 @!p0 $0x108  }
0x21: {  	s3 =	sadd.s32 s3, s9;
	s6 =	sadd.s32 @!p0 $0x88, s6;
	s7 =	simm.s32 @p2 $0x1082  }
0x22: {  	[simem:s7], [sflag:s8] =	dma.local @!p0 [hbm:s6], $0xF7A  }
0x23: {  	s9 =	sor.u32 $0xD0000000, s2;
	s6 =	simm.s32 $0x108;
	_ =	swait.ge @!p0 [sflag:s8], $0x0  }
0x24: {  	s3 =	sadd.s32 $0x88, s3;
	s6 =	simm.s32 @!p1 $0x1082;
	[sflag:s4] =	ssyncset.s32 $0xFFFFF086  }
0x25: {  	[simem:s6], [sflag:s4] =	dma.local [hbm:s3], $0xF7A  }
0x26: {  	[smem:$0x3F9F] =	sst s1;
	(tag) =	ssettag s2;
	_ =	strace s9  }
0x27: {  	s1 =	sld [smem:$0x3FAF]  }
0x28: {  	s2 =	sld [smem:$0x3FB0]  }
0x29: {  	s4 =	sld [smem:$0x3FB2]  }
0x2a: {  	p0 =	seq.s32 s5, $0x0;
	s5 =	sld [smem:$0x3FB3]  }
0x2b: {  	s6 =	sld [smem:$0x3FB4]  }
0x2c: {  	s7 =	sld [smem:$0x3FB5]  }
0x2d: {  	s3 =	simm.s32 $0x108;
	s8 =	sld [smem:$0x3FB6]  }
0x2e: {  	s3 =	simm.s32 @!p0 $0x1082;
	s9 =	sld [smem:$0x3FB7]  }
0x2f: {  	lr =	sadd.s32 s0, s3;
	s0 =	sld [smem:$0x3FAE]  }
0x30: {  	s3 =	sld [smem:$0x3FB1]  }
0x31: {  	[smem:$0x3FBA] =	sst s10  }
0x32: {  	s10 =	sld [smem:$0x3FB8];
	_ =	sdelay $0x3  }
0x33: {  	p0 =	seq.s32 s10, $0x1;
	s10 =	sld [smem:$0x3FBA];
	_ =	sdelay $0x3  }
0x34: {  	[smem:$0x3FBA] =	sst s10  }
0x35: {  	s10 =	sld [smem:$0x3FB9];
	_ =	sdelay $0x3  }
0x36: {  	p1 =	seq.s32 s10, $0x1;
	s10 =	sld [smem:$0x3FBA];
	_ =	sdelay $0x3  }
0x37: {  	[smem:$0x3FBA] =	sst s10  }
0x38: {  	s10 =	sld [smem:$0x3FBB]  }
0x39: {  	_ = 	snop;
	(pc) =	sbr.ind lr, $3  }
0x3a: {  	_ = 	snop  }
0x3b: {  	_ = 	snop  }
0x3c: {  	p2 =	seq.s32 s10, $0x1;
	s10 =	sld [smem:$0x3FBA]  }
0x3d: {  	_ =	shalt  }
0x3e: {  	_ =	shalt  }
0x3f: {  	_ =	shalt  }
0x40: {  	_ =	shalt  }
0x41: {  	_ =	shalt  }
0x42: {  	_ =	shalt  }
0x43: {  	_ =	shalt  }
0x44: {  	_ =	shalt  }
0x45: {  	_ =	shalt  }
0x46: {  	_ =	shalt  }
0x47: {  	_ =	shalt  }
0x48: {  	_ =	shalt  }
0x49: {  	_ =	shalt  }
0x4a: {  	_ =	shalt  }
0x4b: {  	_ =	shalt  }
0x4c: {  	_ =	shalt  }
0x4d: {  	_ =	shalt  }
0x4e: {  	_ =	shalt  }
0x4f: {  	_ =	shalt  }
0x50: {  	_ =	shalt  }
0x51: {  	_ =	shalt  }
0x52: {  	_ =	shalt  }
0x53: {  	_ =	shalt  }
0x54: {  	_ =	shalt  }
0x55: {  	_ =	shalt  }
0x56: {  	_ =	shalt  }
0x57: {  	_ =	shalt  }
0x58: {  	_ =	shalt  }
0x59: {  	_ =	shalt  }
0x5a: {  	_ =	shalt  }
0x5b: {  	_ =	shalt  }
0x5c: {  	_ =	shalt  }
0x5d: {  	_ =	shalt  }
0x5e: {  	_ =	shalt  }
0x5f: {  	_ =	shalt  }
0x60: {  	_ =	shalt  }
0x61: {  	_ =	shalt  }
0x62: {  	_ =	shalt  }
0x63: {  	_ =	shalt  }
0x64: {  	_ =	shalt  }
0x65: {  	_ =	shalt  }
0x66: {  	_ =	shalt  }
0x67: {  	_ =	shalt  }
0x68: {  	_ =	shalt  }
0x69: {  	_ =	shalt  }
0x6a: {  	_ =	shalt  }
0x6b: {  	_ =	shalt  }
0x6c: {  	_ =	shalt  }
0x6d: {  	_ =	shalt  }
0x6e: {  	_ =	shalt  }
0x6f: {  	_ =	shalt  }
0x70: {  	_ =	shalt  }
0x71: {  	_ =	shalt  }
0x72: {  	_ =	shalt  }
0x73: {  	_ =	shalt  }
0x74: {  	_ =	shalt  }
0x75: {  	_ =	shalt  }
0x76: {  	_ =	shalt  }
0x77: {  	_ =	shalt  }
0x78: {  	_ =	shalt  }
0x79: {  	_ =	shalt  }
0x7a: {  	_ =	shalt  }
0x7b: {  	_ =	shalt  }
0x7c: {  	_ =	shalt  }
0x7d: {  	_ =	shalt  }
0x7e: {  	_ =	shalt  }
0x7f: {  	_ =	shalt  }
0x80: {  	_ =	shalt  }
0x81: {  	_ =	shalt  }
0x82: {  	_ =	shalt  }
0x83: {  	_ =	shalt  }
0x84: {  	_ =	shalt  }
0x85: {  	_ =	shalt  }
0x86: {  	_ =	shalt  }
0x87: {  	_ =	shalt  }
.Lfunc_end0:
.L_simem_size_0:
called_computation_lowered:
.L_overlay_start_0:
0x88: {  	s2 =	sld [smem:$0x3FD9]  }
0x89: {  	s3 =	sld [smem:$0x3FFE];
	_ =	sdelay $0x1  }
0x8a: {  	s1 =	srdreg.scid  }
0x8b: {  	s0 =	sand.u32 $0x1, s1  }
0x8c: {  	s17 =	sshll.u32 s0, $0xA;
	s2 =	sadd.s32 s3, s2  }
0x8d: {  	s2 =	sadd.s32 s2, s17  }
0x8e: {  	[smem:$0x3FC6] =	sst s2  }
0x8f: {  	_ = 	snop  }
0x90: {  	s2 =	sld [smem:$0x3FD0];
	(tm) =	ssettm $0x1  }
0x91: {  	s18 =	sld [smem:$0x3FFB];
	_ =	sdelay $0x3  }
0x92: {  	_ =	strace s18  }
0x93: {  	s3 =	sld [smem:$0x3FFC];
	_ =	sdelay $0x3  }
0x94: {  	_ =	strace s3  }
0x95: {  	s3 =	sld [smem:$0x3FFD];
	_ =	sdelay $0x3  }
0x96: {  	_ =	strace s3  }
0x97: {  	_ =	strace $0x8FFFFFFF  }
0x98: {  	s19 =	sld [smem:$0x3FDB];
	_ =	sdelay $0x1  }
0x99: {  	s4 =	simm.s32 $_scs_section_size  }
0x9a: {  	s5 =	simm.s32 $_size__tile_overlayer_lowered;
	s6 =	simm.s32 $_tile_overlayer_lowered  }
0x9b: {  	s22 =	simm.s32 $0x1BFF;
	s21 =	sshll.u32 s6, $0x1;
	s3 =	sadd.s32 s4, s19  }
0x9c: {  	s7 =	simm.s32 $0x0;
	s20 =	sshll.u32 s5, $0x1;
	s5 =	sadd.s32 s21, s3  }
0x9d: {  	[timem:s7], [sflag:s22] =	dma.local [hbm:s5], s20  }
0x9e: {  	_ =	swait.ge [sflag:s22], s20  }
0x9f: {  	s4 =	ssub.s32 $0x0, s20;
	[sflag:s22] =	ssyncset.done $0x0  }
0xa0: {  	[sflag:s22] =	ssyncadd.s32 s4;
	_ =	sdelay $0x1  }
0xa1: {  	s23 =	simm.s32 $0x1B8B  }
0xa2: {  	_ =	swait.ge [sflag:s23], $0x1  }
0xa3: {  	[sflag:s23] =	ssyncset.done $0x0  }
0xa4: {  	s25 =	simm.s32 $0x1B8E;
	s24 =	sld [smem:$0x3FFE];
	[sflag:s23] =	ssyncadd.s32 $0xFFFFFFFF  }
0xa5: {  	s26 =	simm.s32 $execute0_lowered;
	[smem:$0x3FD2] =	sst s25  }
0xa6: {  	s5 =	sshll.u32 s26, $0x1;
	_ =	strace $0x80000046;
	[dreg:$0x1] =	wrdreg $0xFFFFFFFF  }
0xa7: {  	s28 =	simm.s32 $_size_execute0_lowered;
	s3 =	sadd.s32 s3, s5;
	[dreg:$0x0] =	wrdreg $0x0  }
0xa8: {  	s5 =	sshll.u32 s28, $0x1;
	[dreg:$0x2] =	wrdreg s3  }
0xa9: {  	[dreg:$0x3] =	wrdreg s5  }
0xaa: {  	[dreg:$0x4] =	wrdreg $0xC0  }
0xab: {  	_ =	task [dreg:s7], $0x5FFFF  }
0xac: {  	[dreg:$0x1] =	wrdreg $0xFFFFFFFF  }
0xad: {  	[dreg:$0x0] =	wrdreg $0x60  }
0xae: {  	[dreg:$0x2] =	wrdreg s24  }
0xaf: {  	[dreg:$0x3] =	wrdreg s2  }
0xb0: {  	[dreg:$0x4] =	wrdreg $0x9  }
0xb1: {  	_ =	task.clear_ibuf [dreg:s7], $0x5FFFF;
	_ =	strace $0x90000046  }
0xb2: {  	s29 =	simm.s32 $0x9;
	_ =	strace $0x80000048  }
0xb3: {  	_ =	swait.ge [sflag:s29], $0x1  }
0xb4: {  	[sflag:s29] =	ssyncadd.s32 $0xFFFFFFFF  }
0xb5: {  	_ =	strace $0x90000048  }
0xb6: {  	_ =	sfence  }
0xb7: {  	s30 =	sld [smem:$0x0];
	_ =	sdelay $0x2  }
0xb8: {  	s31 =	sshll.u32 s1, $0xD;
	s1 =	sshrl.u32 s1, $0x2  }
0xb9: {  	s3 =	sand.u32 $0x4000, s31;
	s1 =	sadd.s32 s1, s30  }
0xba: {  	s0 =	sor.u32 s3, s0;
	s1 =	sshll.u32 s1, $0x11  }
0xbb: {  	s0 =	sor.u32 s1, s0  }
0xbc: {  	s0 =	sadd.s32 $0x8F2B, s0  }
0xbd: {  	[sflag:s0] =	ssyncadd.remote.s32 $0x1  }
0xbe: {  	_ =	sfence.sel $0xFFFF  }
0xbf: {  	[dreg:$0x0] =	wrdreg $0xFFFFFFFF;
	(pc) =	sbr.abs _section_cstart, $3  }
0xc0: {  	[dreg:$0x1] =	wrdreg $0xFFFFFFFF  }
0xc1: {  	_ =	task.clear_ibuf [dreg:s7], $0x2FFFF;
	_ =	strace $0x9FFFFFFF  }
0xc2: {  	(tm) =	ssettm $0x7FFFFFFF  }
0xc3: {  	_ =	shalt  }
tec
execute0_lowered:
.L_overlay_start_1:
0x0: {  	(tag) =	ssettag $0x1  }
0x1: {  	v0 =	vlaneseq.u32  }
0x2: {  	v0 =	vmul.u32 $0x18, v0  }
0x3: {  	s0 =	rddreg [dreg:$0x0];
	s1 =	srdreg.scid  }
0x4: {  	s3 =	stileid.u32;
	s2 =	rddreg [dreg:$0x1];
	s12 =	simm.s32 $0x320;
	v1 =	vadd.s32 $0x180, v0  }
0x5: {  	s13 =	simm.s32 $0x1;
	s14 =	simm.s32 $0x640;
	s15 =	simm.s32 $0x2;
	v2 =	vor.u32 $0x1, v0;
	v3 =	vadd.s32 $0x181, v0;
	v4 =	vor.u32 $0x2, v0  }
0x6: {  	s16 =	simm.s32 $0x6A40;
	s17 =	simm.s32 $0x3;
	s18 =	simm.s32 $0xCE40;
	v5 =	vadd.s32 $0x182, v0;
	v6 =	vor.u32 $0x3, v0;
	v7 =	vadd.s32 $0x183, v0  }
0x7: {  	s19 =	simm.s32 $0x4;
	s20 =	simm.s32 $0x16440;
	s21 =	simm.s32 $0x5;
	v8 =	vor.u32 $0x4, v0;
	v9 =	vadd.s32 $0x184, v0;
	v10 =	vor.u32 $0x5, v0  }
0x8: {  	s1 =	sand.u32 $0x1, s1;
	s4 =	sshll.u32 s3, $0x1;
	s3 =	simm.s32 $0x0;
	v11 =	vadd.s32 $0x185, v0;
	v12 =	vor.u32 $0x6, v0;
	v13 =	vadd.s32 $0x186, v0  }
0x9: {  	s22 =	simm.s32 $0x6;
	s7 =	sor.u32 s1, s4;
	[smem:$0x7FF] =	sst s3;
	v14 =	vor.u32 $0x7, v0;
	v15 =	vadd.s32 $0x187, v0;
	v16 =	vadd.s32 $0x8, v0  }
0xa: {  	s23 =	simm.s32 $0x0;
	s4 =	sadd.s32 $0xF42A00, s0;
	s10 =	smul.u32 $0x6400, s7;
	v17 =	vadd.s32 $0x188, v0;
	v18 =	vadd.s32 $0x9, v0;
	v19 =	vadd.s32 $0x189, v0  }
0xb: {  	s5 =	sadd.s32 $0x600, s0;
	s1 =	ssub.s32 $0x2, s1;
	_ =	strace $0x80000047;
	v20 =	vadd.s32 $0xA, v0;
	v21 =	vadd.s32 $0x18A, v0;
	v22 =	vadd.s32 $0xB, v0  }
0xc: {  	s31 =	sshrl.u32 s1, $0x1;
	s7 =	sshll.u32 s7, $0x9;
	v23 =	vadd.s32 $0x18B, v0;
	v24 =	vadd.s32 $0xC, v0;
	v25 =	vadd.s32 $0x18C, v0;
	s6 =	sshrl.u32 s10, $0x3  }
0xd: {  	v26 =	vadd.s32 $0xD, v0;
	v27 =	vadd.s32 $0x18D, v0;
	v28 =	vadd.s32 $0xE, v0;
	s0 =	ssub.s32 s1, s31;
	s9 =	sadd.s32 $0x640, s10;
	s6 =	sadd.s32 s2, s6  }
0xe: {  	v29 =	vadd.s32 $0x18E, v0;
	v30 =	vadd.s32 $0xF, v0;
	v31 =	vadd.s32 $0x18F, v0;
	s10 =	sadd.s32 $0x960, s10;
	s11 =	smax.u32 s0, $0x1;
	s8 =	sadd.s32 $0x64, s6  }
.LBB2_1:
0xf: {  	[tilespmem:s3], [sflag:$0x1] =	stream.linear.gather [hbm4b:s6+s3], $0x320, $0x38;
	[tilespmem:$0x1FA40] =	vst v63  }
0x10: {  	_ = 	snop  }
0x11: {  	[tilespmem:s12], [sflag:$0x2] =	stream.linear.gather [hbm4b:s8+s3], $0x320, $0x38;
	[tilespmem:$0x1FA40] =	vst v63  }
0x12: {  	_ =	swait.ge [sflag:s13], $0x320  }
0x13: {  	[sflag:s13] =	ssyncset.done $0x0  }
0x14: {  	[sflag:s13] =	ssyncadd.s32 $0xFFFFFCE0  }
0x15: {  	[tilespmem:s14], [sflag:$0x3] =	stream.indirect.gather [hbm4b:s4+s12], $0x20, s3, s12, $0xb8;
	[tilespmem:$0x1FA40] =	vst v63  }
0x16: {  	_ =	swait.ge [sflag:s15], $0x320  }
0x17: {  	[sflag:s15] =	ssyncset.done $0x0  }
0x18: {  	s24 =	simm.s32 $0x0;
	[sflag:s15] =	ssyncadd.s32 $0xFFFFFCE0  }
0x19: {  	[tilespmem:s16], [sflag:$0x4] =	stream.indirect.gather [hbm4b:s4+s12], $0x20, s12, s12, $0xb8;
	[tilespmem:$0x1FA40] =	vst v63  }
.LBB2_3:
0x1a: {  	p0 =	seq.s32 s24, $0xF  }
0x1b: {  	p1 =	seq.s32 @!p0 s24, $0x0  }
0x1c: {  	s25 =	smul.u32 @!p0 $0x640, s24;
	p1 =	por p0, !p1  }
.Ltmp0:
0x1d: {  	_ = 	snop;
	(pc) =	sbr.rel @!p1 .LBB2_4-.Ltmp0, $4  }
0x1e: {  	_ =	swait.ge [sflag:s17], $0x6400;
	s0 =	sadd.s32 @!p0 s25, s9  }
0x1f: {  	[sflag:s17] =	ssyncset.done $0x0;
	s0 =	sshrl.u32 @!p0 s0, $0x3  }
0x20: {  	s1 =	simm.s32 @!p0 $0x0;
	[sflag:s17] =	ssyncadd.s32 $0xFFFF9C00;
	s0 =	sadd.s32 @!p0 s2, s0  }
0x21: {  	[tilespmem:s1], [sflag:$0x1] =	stream.linear.gather @!p0 [hbm4b:s0+s1], $0x320, $0x38;
	[tilespmem:$0x1FA40] =	vst v63  }
.Ltmp1:
0x22: {  	(pc) =	sbr.rel .LBB2_6-.Ltmp1, $4  }
0x23: {  	_ = 	snop  }
0x24: {  	_ =	swait.ge [sflag:s21], $0x6400  }
0x25: {  	[sflag:s21] =	ssyncset.done $0x0  }
0x26: {  	p1 =	por $0x0, $0x0;
	[sflag:s21] =	ssyncadd.s32 $0xFFFF9C00  }
.LBB2_4:
0x27: {  	p1 =	por @!p0 $0x1, $0x1  }
.LBB2_6:
0x28: {  	s0 =	simm.s32 $0x1  }
0x29: {  	s1 =	simm.s32 $0x0;
	v32 =	vmov s0  }
0x2a: {  	v33 =	vmov s1;
	v32 =	vmul.u32 $0x300, v32  }
0x2b: {  	v33 =	vmul.u32 $0x300, v33  }
0x2c: {  	v37 =	vbroadcast v32, $0x0  }
0x2d: {  	s28 =	simm.s32 $0x640;
	v34 =	vbroadcast v33, $0x0  }
0x2e: {  	v52 =	vld [tilespmem:s28+$0x20];
	v53 =	vadd.s32 v0, v37  }
0x2f: {  	v35 =	vld [tilespmem:s28+$0x0];
	v36 =	vor.u32 v0, v34;
	_ =	sdelay $0x3  }
0x30: {  	[tilespmem:v53+s18+$0x0] =	vst.idx.msk $0xffff, v52  }
0x31: {  	v54 =	vadd.s32 v1, v37;
	[tilespmem:v36+s18+$0x0] =	vst.idx.msk $0xffff, v35;
	v32 =	vld [tilespmem:s28+$0x30]  }
0x32: {  	v55 =	vadd.s32 v1, v34;
	v35 =	vld [tilespmem:s28+$0x10];
	_ =	sdelay $0x3  }
0x33: {  	[tilespmem:v54+s18+$0x0] =	vst.idx.msk $0xffff, v32  }
0x34: {  	v56 =	vadd.s32 v2, v37;
	[tilespmem:v55+s18+$0x0] =	vst.idx.msk $0xffff, v35;
	v32 =	vld [tilespmem:s28+$0x660]  }
0x35: {  	v57 =	vor.u32 v2, v34;
	v35 =	vld [tilespmem:s28+$0x640];
	_ =	sdelay $0x3  }
0x36: {  	[tilespmem:v56+s18+$0x0] =	vst.idx.msk $0xffff, v32  }
0x37: {  	v58 =	vadd.s32 v3, v37;
	[tilespmem:v57+s18+$0x0] =	vst.idx.msk $0xffff, v35;
	v32 =	vld [tilespmem:s28+$0x670]  }
0x38: {  	v59 =	vadd.s32 v3, v34;
	v35 =	vld [tilespmem:s28+$0x650];
	_ =	sdelay $0x3  }
0x39: {  	[tilespmem:v58+s18+$0x0] =	vst.idx.msk $0xffff, v32  }
0x3a: {  	v60 =	vadd.s32 v4, v37;
	[tilespmem:v59+s18+$0x0] =	vst.idx.msk $0xffff, v35;
	v32 =	vld [tilespmem:s28+$0xCA0]  }
0x3b: {  	v61 =	vor.u32 v4, v34;
	v35 =	vld [tilespmem:s28+$0xC80];
	_ =	sdelay $0x3  }
0x3c: {  	[tilespmem:v60+s18+$0x0] =	vst.idx.msk $0xffff, v32  }
0x3d: {  	v62 =	vadd.s32 v5, v37;
	[tilespmem:v61+s18+$0x0] =	vst.idx.msk $0xffff, v35;
	v32 =	vld [tilespmem:s28+$0xCB0]  }
0x3e: {  	v63 =	vadd.s32 v5, v34;
	v35 =	vld [tilespmem:s28+$0xC90];
	_ =	sdelay $0x3  }
0x3f: {  	[tilespmem:v62+s18+$0x0] =	vst.idx.msk $0xffff, v32  }
0x40: {  	v40 =	vadd.s32 v6, v37;
	[tilespmem:v63+s18+$0x0] =	vst.idx.msk $0xffff, v35;
	v32 =	vld [tilespmem:s28+$0x12E0]  }
0x41: {  	v41 =	vor.u32 v6, v34;
	v35 =	vld [tilespmem:s28+$0x12C0];
	_ =	sdelay $0x3  }
0x42: {  	[tilespmem:v40+s18+$0x0] =	vst.idx.msk $0xffff, v32  }
0x43: {  	v42 =	vadd.s32 v7, v37;
	[tilespmem:v41+s18+$0x0] =	vst.idx.msk $0xffff, v35;
	v32 =	vld [tilespmem:s28+$0x12F0]  }
0x44: {  	v43 =	vadd.s32 v7, v34;
	v35 =	vld [tilespmem:s28+$0x12D0];
	_ =	sdelay $0x3  }
0x45: {  	[tilespmem:v42+s18+$0x0] =	vst.idx.msk $0xffff, v32  }
0x46: {  	v44 =	vadd.s32 v8, v37;
	[tilespmem:v43+s18+$0x0] =	vst.idx.msk $0xffff, v35;
	v32 =	vld [tilespmem:s28+$0x1920]  }
0x47: {  	v45 =	vor.u32 v8, v34;
	v35 =	vld [tilespmem:s28+$0x1900];
	_ =	sdelay $0x3  }
0x48: {  	[tilespmem:v44+s18+$0x0] =	vst.idx.msk $0xffff, v32  }
0x49: {  	v46 =	vadd.s32 v9, v37;
	[tilespmem:v45+s18+$0x0] =	vst.idx.msk $0xffff, v35;
	v32 =	vld [tilespmem:s28+$0x1930]  }
0x4a: {  	v47 =	vadd.s32 v9, v34;
	v35 =	vld [tilespmem:s28+$0x1910];
	_ =	sdelay $0x2  }
0x4b: {  	s1 =	simm.s32 $0x3  }
0x4c: {  	s26 =	simm.s32 $0x2;
	v38 =	vmov s1;
	[tilespmem:v46+s18+$0x0] =	vst.idx.msk $0xffff, v32  }
0x4d: {  	v48 =	vmov s26;
	v49 =	vmul.u32 $0x300, v38;
	v51 =	vadd.s32 v10, v37;
	[tilespmem:v47+s18+$0x0] =	vst.idx.msk $0xffff, v35;
	v50 =	vld [tilespmem:s28+$0x1F60]  }
0x4e: {  	v39 =	vor.u32 v10, v34;
	v32 =	vmul.u32 $0x300, v48;
	v52 =	vld [tilespmem:s28+$0x1F40]  }
0x4f: {  	v33 =	vbroadcast v49, $0x0  }
0x50: {  	s26 =	simm.s32 $0x680;
	v32 =	vbroadcast v32, $0x0  }
0x51: {  	v40 =	vld [tilespmem:s26+$0x20];
	v41 =	vadd.s32 v0, v33  }
0x52: {  	v42 =	vld [tilespmem:s26+$0x0];
	v43 =	vor.u32 v0, v32;
	[tilespmem:v51+s18+$0x0] =	vst.idx.msk $0xffff, v50  }
0x53: {  	v53 =	vadd.s32 v11, v37;
	[tilespmem:v39+s18+$0x0] =	vst.idx.msk $0xffff, v52;
	v35 =	vld [tilespmem:s28+$0x1F70]  }
0x54: {  	v54 =	vadd.s32 v11, v34;
	v38 =	vld [tilespmem:s28+$0x1F50];
	_ =	sdelay $0x1  }
0x55: {  	[tilespmem:v41+s18+$0x0] =	vst.idx.msk $0xffff, v40  }
0x56: {  	v55 =	vadd.s32 v1, v33;
	v40 =	vld [tilespmem:s26+$0x30];
	[tilespmem:v43+s18+$0x0] =	vst.idx.msk $0xffff, v42  }
0x57: {  	v56 =	vadd.s32 v1, v32;
	v42 =	vld [tilespmem:s26+$0x10];
	[tilespmem:v53+s18+$0x0] =	vst.idx.msk $0xffff, v35  }
0x58: {  	v57 =	vadd.s32 v12, v37;
	[tilespmem:v54+s18+$0x0] =	vst.idx.msk $0xffff, v38;
	v35 =	vld [tilespmem:s28+$0x25A0]  }
0x59: {  	v58 =	vor.u32 v12, v34;
	v38 =	vld [tilespmem:s28+$0x2580];
	_ =	sdelay $0x1  }
0x5a: {  	[tilespmem:v55+s18+$0x0] =	vst.idx.msk $0xffff, v40  }
0x5b: {  	v59 =	vadd.s32 v2, v33;
	v40 =	vld [tilespmem:s26+$0x660];
	[tilespmem:v56+s18+$0x0] =	vst.idx.msk $0xffff, v42  }
0x5c: {  	v60 =	vor.u32 v2, v32;
	v42 =	vld [tilespmem:s26+$0x640];
	[tilespmem:v57+s18+$0x0] =	vst.idx.msk $0xffff, v35  }
0x5d: {  	v61 =	vadd.s32 v13, v37;
	[tilespmem:v58+s18+$0x0] =	vst.idx.msk $0xffff, v38;
	v35 =	vld [tilespmem:s28+$0x25B0]  }
0x5e: {  	v62 =	vadd.s32 v13, v34;
	v38 =	vld [tilespmem:s28+$0x2590];
	_ =	sdelay $0x1  }
0x5f: {  	[tilespmem:v59+s18+$0x0] =	vst.idx.msk $0xffff, v40  }
0x60: {  	v63 =	vadd.s32 v3, v33;
	v40 =	vld [tilespmem:s26+$0x670];
	[tilespmem:v60+s18+$0x0] =	vst.idx.msk $0xffff, v42  }
0x61: {  	v45 =	vadd.s32 v3, v32;
	v42 =	vld [tilespmem:s26+$0x650];
	[tilespmem:v61+s18+$0x0] =	vst.idx.msk $0xffff, v35  }
0x62: {  	v46 =	vadd.s32 v14, v37;
	[tilespmem:v62+s18+$0x0] =	vst.idx.msk $0xffff, v38;
	v35 =	vld [tilespmem:s28+$0x2BE0]  }
0x63: {  	v47 =	vor.u32 v14, v34;
	v38 =	vld [tilespmem:s28+$0x2BC0];
	_ =	sdelay $0x1  }
0x64: {  	[tilespmem:v63+s18+$0x0] =	vst.idx.msk $0xffff, v40  }
0x65: {  	v48 =	vadd.s32 v4, v33;
	v40 =	vld [tilespmem:s26+$0xCA0];
	[tilespmem:v45+s18+$0x0] =	vst.idx.msk $0xffff, v42  }
0x66: {  	v49 =	vor.u32 v4, v32;
	v42 =	vld [tilespmem:s26+$0xC80];
	[tilespmem:v46+s18+$0x0] =	vst.idx.msk $0xffff, v35  }
0x67: {  	v50 =	vadd.s32 v15, v37;
	[tilespmem:v47+s18+$0x0] =	vst.idx.msk $0xffff, v38;
	v35 =	vld [tilespmem:s28+$0x2BF0]  }
0x68: {  	v51 =	vadd.s32 v15, v34;
	v38 =	vld [tilespmem:s28+$0x2BD0];
	_ =	sdelay $0x1  }
0x69: {  	[tilespmem:v48+s18+$0x0] =	vst.idx.msk $0xffff, v40  }
0x6a: {  	v52 =	vadd.s32 v5, v33;
	v40 =	vld [tilespmem:s26+$0xCB0];
	[tilespmem:v49+s18+$0x0] =	vst.idx.msk $0xffff, v42  }
0x6b: {  	v53 =	vadd.s32 v5, v32;
	v42 =	vld [tilespmem:s26+$0xC90];
	[tilespmem:v50+s18+$0x0] =	vst.idx.msk $0xffff, v35  }
0x6c: {  	v54 =	vadd.s32 v16, v37;
	[tilespmem:v51+s18+$0x0] =	vst.idx.msk $0xffff, v38;
	v35 =	vld [tilespmem:s28+$0x3220]  }
0x6d: {  	v55 =	vor.u32 v16, v34;
	v38 =	vld [tilespmem:s28+$0x3200];
	_ =	sdelay $0x1  }
0x6e: {  	[tilespmem:v52+s18+$0x0] =	vst.idx.msk $0xffff, v40  }
0x6f: {  	v56 =	vadd.s32 v6, v33;
	v40 =	vld [tilespmem:s26+$0x12E0];
	[tilespmem:v53+s18+$0x0] =	vst.idx.msk $0xffff, v42  }
0x70: {  	v57 =	vor.u32 v6, v32;
	v42 =	vld [tilespmem:s26+$0x12C0];
	[tilespmem:v54+s18+$0x0] =	vst.idx.msk $0xffff, v35  }
0x71: {  	v58 =	vadd.s32 v17, v37;
	[tilespmem:v55+s18+$0x0] =	vst.idx.msk $0xffff, v38;
	v35 =	vld [tilespmem:s28+$0x3230]  }
0x72: {  	v59 =	vadd.s32 v17, v34;
	v38 =	vld [tilespmem:s28+$0x3210];
	_ =	sdelay $0x1  }
0x73: {  	[tilespmem:v56+s18+$0x0] =	vst.idx.msk $0xffff, v40  }
0x74: {  	v60 =	vadd.s32 v7, v33;
	v40 =	vld [tilespmem:s26+$0x12F0];
	[tilespmem:v57+s18+$0x0] =	vst.idx.msk $0xffff, v42  }
0x75: {  	v61 =	vadd.s32 v7, v32;
	v42 =	vld [tilespmem:s26+$0x12D0];
	[tilespmem:v58+s18+$0x0] =	vst.idx.msk $0xffff, v35  }
0x76: {  	v62 =	vadd.s32 v18, v37;
	[tilespmem:v59+s18+$0x0] =	vst.idx.msk $0xffff, v38;
	v35 =	vld [tilespmem:s28+$0x3860]  }
0x77: {  	v63 =	vor.u32 v18, v34;
	v38 =	vld [tilespmem:s28+$0x3840];
	_ =	sdelay $0x1  }
0x78: {  	[tilespmem:v60+s18+$0x0] =	vst.idx.msk $0xffff, v40  }
0x79: {  	v45 =	vadd.s32 v8, v33;
	v40 =	vld [tilespmem:s26+$0x1920];
	[tilespmem:v61+s18+$0x0] =	vst.idx.msk $0xffff, v42  }
0x7a: {  	v46 =	vor.u32 v8, v32;
	v42 =	vld [tilespmem:s26+$0x1900];
	[tilespmem:v62+s18+$0x0] =	vst.idx.msk $0xffff, v35  }
0x7b: {  	v47 =	vadd.s32 v19, v37;
	[tilespmem:v63+s18+$0x0] =	vst.idx.msk $0xffff, v38;
	v35 =	vld [tilespmem:s28+$0x3870]  }
0x7c: {  	v48 =	vadd.s32 v19, v34;
	v38 =	vld [tilespmem:s28+$0x3850];
	_ =	sdelay $0x1  }
0x7d: {  	[tilespmem:v45+s18+$0x0] =	vst.idx.msk $0xffff, v40  }
0x7e: {  	v49 =	vadd.s32 v9, v33;
	v40 =	vld [tilespmem:s26+$0x1930];
	[tilespmem:v46+s18+$0x0] =	vst.idx.msk $0xffff, v42  }
0x7f: {  	v50 =	vadd.s32 v9, v32;
	v42 =	vld [tilespmem:s26+$0x1910];
	[tilespmem:v47+s18+$0x0] =	vst.idx.msk $0xffff, v35  }
0x80: {  	v51 =	vadd.s32 v20, v37;
	[tilespmem:v48+s18+$0x0] =	vst.idx.msk $0xffff, v38;
	v35 =	vld [tilespmem:s28+$0x3EA0]  }
0x81: {  	v52 =	vor.u32 v20, v34;
	v38 =	vld [tilespmem:s28+$0x3E80]  }
0x82: {  	s0 =	simm.s32 $0x5  }
0x83: {  	s1 =	simm.s32 $0x4;
	v44 =	vmov s0;
	[tilespmem:v49+s18+$0x0] =	vst.idx.msk $0xffff, v40  }
0x84: {  	v56 =	vadd.s32 v10, v33;
	v53 =	vmov s1;
	v54 =	vmul.u32 $0x300, v44;
	v55 =	vld [tilespmem:s26+$0x1F60];
	[tilespmem:v50+s18+$0x0] =	vst.idx.msk $0xffff, v42  }
0x85: {  	v45 =	vor.u32 v10, v32;
	v40 =	vmul.u32 $0x300, v53;
	v57 =	vld [tilespmem:s26+$0x1F40];
	[tilespmem:v51+s18+$0x0] =	vst.idx.msk $0xffff, v35  }
0x86: {  	v59 =	vadd.s32 v21, v37;
	v35 =	vbroadcast v54, $0x0;
	[tilespmem:v52+s18+$0x0] =	vst.idx.msk $0xffff, v38;
	v58 =	vld [tilespmem:s28+$0x3EB0]  }
0x87: {  	s29 =	simm.s32 $0x6C0;
	v36 =	vbroadcast v40, $0x0;
	v61 =	vadd.s32 v21, v34;
	v60 =	vld [tilespmem:s28+$0x3E90]  }
0x88: {  	v46 =	vld [tilespmem:s29+$0x20];
	v47 =	vadd.s32 v0, v35  }
0x89: {  	v49 =	vor.u32 v0, v36;
	[tilespmem:v56+s18+$0x0] =	vst.idx.msk $0xffff, v55;
	v48 =	vld [tilespmem:s29+$0x0]  }
0x8a: {  	v62 =	vadd.s32 v11, v33;
	v42 =	vld [tilespmem:s26+$0x1F70];
	[tilespmem:v45+s18+$0x0] =	vst.idx.msk $0xffff, v57  }
0x8b: {  	v63 =	vadd.s32 v11, v32;
	v44 =	vld [tilespmem:s26+$0x1F50];
	[tilespmem:v59+s18+$0x0] =	vst.idx.msk $0xffff, v58  }
0x8c: {  	v52 =	vadd.s32 v22, v37;
	[tilespmem:v61+s18+$0x0] =	vst.idx.msk $0xffff, v60;
	v38 =	vld [tilespmem:s28+$0x44E0]  }
0x8d: {  	v53 =	vor.u32 v22, v34;
	[tilespmem:v47+s18+$0x0] =	vst.idx.msk $0xffff, v46;
	v40 =	vld [tilespmem:s28+$0x44C0]  }
0x8e: {  	[tilespmem:v49+s18+$0x0] =	vst.idx.msk $0xffff, v48;
	v54 =	vadd.s32 v1, v35;
	v46 =	vld [tilespmem:s29+$0x30]  }
0x8f: {  	v55 =	vadd.s32 v1, v36;
	v48 =	vld [tilespmem:s29+$0x10];
	[tilespmem:v62+s18+$0x0] =	vst.idx.msk $0xffff, v42  }
0x90: {  	v56 =	vadd.s32 v12, v33;
	v42 =	vld [tilespmem:s26+$0x25A0];
	[tilespmem:v63+s18+$0x0] =	vst.idx.msk $0xffff, v44  }
0x91: {  	v57 =	vor.u32 v12, v32;
	v44 =	vld [tilespmem:s26+$0x2580];
	[tilespmem:v52+s18+$0x0] =	vst.idx.msk $0xffff, v38  }
0x92: {  	v58 =	vadd.s32 v23, v37;
	[tilespmem:v53+s18+$0x0] =	vst.idx.msk $0xffff, v40;
	v38 =	vld [tilespmem:s28+$0x44F0]  }
0x93: {  	v59 =	vadd.s32 v23, v34;
	[tilespmem:v54+s18+$0x0] =	vst.idx.msk $0xffff, v46;
	v40 =	vld [tilespmem:s28+$0x44D0]  }
0x94: {  	[tilespmem:v55+s18+$0x0] =	vst.idx.msk $0xffff, v48;
	v60 =	vadd.s32 v2, v35;
	v46 =	vld [tilespmem:s29+$0x660]  }
0x95: {  	v48 =	vld [tilespmem:s29+$0x640];
	v61 =	vor.u32 v2, v36;
	[tilespmem:v56+s18+$0x0] =	vst.idx.msk $0xffff, v42  }
0x96: {  	v62 =	vadd.s32 v13, v33;
	v42 =	vld [tilespmem:s26+$0x25B0];
	[tilespmem:v57+s18+$0x0] =	vst.idx.msk $0xffff, v44  }
0x97: {  	v63 =	vadd.s32 v13, v32;
	v44 =	vld [tilespmem:s26+$0x2590];
	[tilespmem:v58+s18+$0x0] =	vst.idx.msk $0xffff, v38  }
0x98: {  	v52 =	vadd.s32 v24, v37;
	[tilespmem:v59+s18+$0x0] =	vst.idx.msk $0xffff, v40;
	v38 =	vld [tilespmem:s28+$0x4B20]  }
0x99: {  	v53 =	vor.u32 v24, v34;
	[tilespmem:v60+s18+$0x0] =	vst.idx.msk $0xffff, v46;
	v40 =	vld [tilespmem:s28+$0x4B00]  }
0x9a: {  	[tilespmem:v61+s18+$0x0] =	vst.idx.msk $0xffff, v48;
	v54 =	vadd.s32 v3, v35;
	v46 =	vld [tilespmem:s29+$0x670]  }
0x9b: {  	v55 =	vadd.s32 v3, v36;
	v48 =	vld [tilespmem:s29+$0x650];
	[tilespmem:v62+s18+$0x0] =	vst.idx.msk $0xffff, v42  }
0x9c: {  	v56 =	vadd.s32 v14, v33;
	v42 =	vld [tilespmem:s26+$0x2BE0];
	[tilespmem:v63+s18+$0x0] =	vst.idx.msk $0xffff, v44  }
0x9d: {  	v57 =	vor.u32 v14, v32;
	v44 =	vld [tilespmem:s26+$0x2BC0];
	[tilespmem:v52+s18+$0x0] =	vst.idx.msk $0xffff, v38  }
0x9e: {  	v58 =	vadd.s32 v25, v37;
	[tilespmem:v53+s18+$0x0] =	vst.idx.msk $0xffff, v40;
	v38 =	vld [tilespmem:s28+$0x4B30]  }
0x9f: {  	v59 =	vadd.s32 v25, v34;
	[tilespmem:v54+s18+$0x0] =	vst.idx.msk $0xffff, v46;
	v40 =	vld [tilespmem:s28+$0x4B10]  }
0xa0: {  	[tilespmem:v55+s18+$0x0] =	vst.idx.msk $0xffff, v48;
	v60 =	vadd.s32 v4, v35;
	v46 =	vld [tilespmem:s29+$0xCA0]  }
0xa1: {  	v61 =	vor.u32 v4, v36;
	v48 =	vld [tilespmem:s29+$0xC80];
	[tilespmem:v56+s18+$0x0] =	vst.idx.msk $0xffff, v42  }
0xa2: {  	v62 =	vadd.s32 v15, v33;
	v42 =	vld [tilespmem:s26+$0x2BF0];
	[tilespmem:v57+s18+$0x0] =	vst.idx.msk $0xffff, v44  }
0xa3: {  	v63 =	vadd.s32 v15, v32;
	v44 =	vld [tilespmem:s26+$0x2BD0];
	[tilespmem:v58+s18+$0x0] =	vst.idx.msk $0xffff, v38  }
0xa4: {  	v52 =	vadd.s32 v26, v37;
	[tilespmem:v59+s18+$0x0] =	vst.idx.msk $0xffff, v40;
	v38 =	vld [tilespmem:s28+$0x5160]  }
0xa5: {  	v53 =	vor.u32 v26, v34;
	[tilespmem:v60+s18+$0x0] =	vst.idx.msk $0xffff, v46;
	v40 =	vld [tilespmem:s28+$0x5140]  }
0xa6: {  	[tilespmem:v61+s18+$0x0] =	vst.idx.msk $0xffff, v48;
	v54 =	vadd.s32 v5, v35;
	v46 =	vld [tilespmem:s29+$0xCB0]  }
0xa7: {  	v55 =	vadd.s32 v5, v36;
	v48 =	vld [tilespmem:s29+$0xC90];
	[tilespmem:v62+s18+$0x0] =	vst.idx.msk $0xffff, v42  }
0xa8: {  	v56 =	vadd.s32 v16, v33;
	v42 =	vld [tilespmem:s26+$0x3220];
	[tilespmem:v63+s18+$0x0] =	vst.idx.msk $0xffff, v44  }
0xa9: {  	v57 =	vor.u32 v16, v32;
	v44 =	vld [tilespmem:s26+$0x3200];
	[tilespmem:v52+s18+$0x0] =	vst.idx.msk $0xffff, v38  }
0xaa: {  	v58 =	vadd.s32 v27, v37;
	[tilespmem:v53+s18+$0x0] =	vst.idx.msk $0xffff, v40;
	v38 =	vld [tilespmem:s28+$0x5170]  }
0xab: {  	v59 =	vadd.s32 v27, v34;
	[tilespmem:v54+s18+$0x0] =	vst.idx.msk $0xffff, v46;
	v40 =	vld [tilespmem:s28+$0x5150]  }
0xac: {  	[tilespmem:v55+s18+$0x0] =	vst.idx.msk $0xffff, v48;
	v60 =	vadd.s32 v6, v35;
	v46 =	vld [tilespmem:s29+$0x12E0]  }
0xad: {  	v61 =	vor.u32 v6, v36;
	v48 =	vld [tilespmem:s29+$0x12C0];
	[tilespmem:v56+s18+$0x0] =	vst.idx.msk $0xffff, v42  }
0xae: {  	v62 =	vadd.s32 v17, v33;
	v42 =	vld [tilespmem:s26+$0x3230];
	[tilespmem:v57+s18+$0x0] =	vst.idx.msk $0xffff, v44  }
0xaf: {  	v63 =	vadd.s32 v17, v32;
	v44 =	vld [tilespmem:s26+$0x3210];
	[tilespmem:v58+s18+$0x0] =	vst.idx.msk $0xffff, v38  }
0xb0: {  	v52 =	vadd.s32 v28, v37;
	[tilespmem:v59+s18+$0x0] =	vst.idx.msk $0xffff, v40;
	v38 =	vld [tilespmem:s28+$0x57A0]  }
0xb1: {  	v53 =	vor.u32 v28, v34;
	[tilespmem:v60+s18+$0x0] =	vst.idx.msk $0xffff, v46;
	v40 =	vld [tilespmem:s28+$0x5780]  }
0xb2: {  	[tilespmem:v61+s18+$0x0] =	vst.idx.msk $0xffff, v48;
	v54 =	vadd.s32 v7, v35;
	v46 =	vld [tilespmem:s29+$0x12F0]  }
0xb3: {  	v55 =	vadd.s32 v7, v36;
	v48 =	vld [tilespmem:s29+$0x12D0];
	[tilespmem:v62+s18+$0x0] =	vst.idx.msk $0xffff, v42  }
0xb4: {  	v56 =	vadd.s32 v18, v33;
	v42 =	vld [tilespmem:s26+$0x3860];
	[tilespmem:v63+s18+$0x0] =	vst.idx.msk $0xffff, v44  }
0xb5: {  	v57 =	vor.u32 v18, v32;
	v44 =	vld [tilespmem:s26+$0x3840];
	[tilespmem:v52+s18+$0x0] =	vst.idx.msk $0xffff, v38  }
0xb6: {  	v58 =	vadd.s32 v29, v37;
	[tilespmem:v53+s18+$0x0] =	vst.idx.msk $0xffff, v40;
	v38 =	vld [tilespmem:s28+$0x57B0]  }
0xb7: {  	v59 =	vadd.s32 v29, v34;
	[tilespmem:v54+s18+$0x0] =	vst.idx.msk $0xffff, v46;
	v40 =	vld [tilespmem:s28+$0x5790]  }
0xb8: {  	[tilespmem:v55+s18+$0x0] =	vst.idx.msk $0xffff, v48;
	v60 =	vadd.s32 v8, v35;
	v46 =	vld [tilespmem:s29+$0x1920]  }
0xb9: {  	v61 =	vor.u32 v8, v36;
	v48 =	vld [tilespmem:s29+$0x1900];
	[tilespmem:v56+s18+$0x0] =	vst.idx.msk $0xffff, v42  }
0xba: {  	v62 =	vadd.s32 v19, v33;
	v42 =	vld [tilespmem:s26+$0x3870];
	[tilespmem:v57+s18+$0x0] =	vst.idx.msk $0xffff, v44  }
0xbb: {  	v50 =	vadd.s32 v19, v32;
	v44 =	vld [tilespmem:s26+$0x3850];
	[tilespmem:v58+s18+$0x0] =	vst.idx.msk $0xffff, v38  }
0xbc: {  	v63 =	vadd.s32 v30, v37;
	[tilespmem:v59+s18+$0x0] =	vst.idx.msk $0xffff, v40;
	v38 =	vld [tilespmem:s28+$0x5DE0]  }
0xbd: {  	v51 =	vor.u32 v30, v34;
	[tilespmem:v60+s18+$0x0] =	vst.idx.msk $0xffff, v46;
	v40 =	vld [tilespmem:s28+$0x5DC0]  }
0xbe: {  	[tilespmem:v61+s18+$0x0] =	vst.idx.msk $0xffff, v48;
	v48 =	vadd.s32 v9, v35;
	v46 =	vld [tilespmem:s29+$0x1930]  }
0xbf: {  	v47 =	vadd.s32 v9, v36;
	v45 =	vld [tilespmem:s29+$0x1910];
	[tilespmem:v62+s18+$0x0] =	vst.idx.msk $0xffff, v42  }
0xc0: {  	v43 =	vadd.s32 v20, v33;
	v41 =	vld [tilespmem:s26+$0x3EA0];
	[tilespmem:v50+s18+$0x0] =	vst.idx.msk $0xffff, v44  }
0xc1: {  	s30 =	sshll.u32 s24, $0x5;
	s24 =	sadd.s32 $0x1, s24;
	v44 =	vor.u32 v20, v32;
	v42 =	vld [tilespmem:s26+$0x3E80];
	[tilespmem:v63+s18+$0x0] =	vst.idx.msk $0xffff, v38  }
0xc2: {  	s31 =	simm.s32 $0x6;
	s0 =	simm.s32 $0x7;
	s1 =	simm.s32 $0x8;
	[tilespmem:v51+s18+$0x0] =	vst.idx.msk $0xffff, v40;
	v40 =	vadd.s32 v31, v37;
	v39 =	vld [tilespmem:s28+$0x5DF0]  }
.LBB2_7:
0xc3: {  	p2 =	slt.u32 s1, $0x30;
	v37 =	vmov s0;
	[tilespmem:v48+s18+$0x0] =	vst.idx.msk $0xffff, v46;
	v38 =	vld [tilespmem:s28+$0x5DD0];
	v46 =	vadd.s32 v31, v34;
	v34 =	vmovc v32;
	v32 =	vmov v36;
	s28 =	smov.u32 s26;
	s26 =	smov.u32 s29  }
0xc4: {  	v36 =	vmov s31;
	s31 =	smov.u32 s1;
	v37 =	vmul.u32 $0x300, v37;
	[tilespmem:v47+s18+$0x0] =	vst.idx.msk $0xffff, v45;
	v45 =	vld [tilespmem:s29+$0x1F60];
	v47 =	vadd.s32 v10, v35  }
0xc5: {  	v36 =	vmul.u32 $0x300, v36;
	v49 =	vor.u32 v10, v32;
	v48 =	vld [tilespmem:s29+$0x1F40];
	[tilespmem:v43+s18+$0x0] =	vst.idx.msk $0xffff, v41  }
0xc6: {  	v37 =	vbroadcast v37, $0x0;
	[tilespmem:v44+s18+$0x0] =	vst.idx.msk $0xffff, v42;
	v41 =	vld [tilespmem:s28+$0x3EB0];
	v42 =	vadd.s32 v21, v33  }
0xc7: {  	s29 =	sadd.s32 $0x40, s29;
	v36 =	vbroadcast v36, $0x0;
	v44 =	vadd.s32 v21, v34;
	v43 =	vld [tilespmem:s28+$0x3E90];
	[tilespmem:v40+s18+$0x0] =	vst.idx.msk $0xffff, v39  }
0xc8: {  	v39 =	vld [tilespmem:s29+$0x20];
	v40 =	vadd.s32 v0, v37;
	[tilespmem:v46+s18+$0x0] =	vst.idx.msk $0xffff, v38  }
0xc9: {  	v46 =	vor.u32 v0, v36;
	v38 =	vld [tilespmem:s29+$0x0];
	[tilespmem:v47+s18+$0x0] =	vst.idx.msk $0xffff, v45  }
0xca: {  	v47 =	vadd.s32 v11, v35;
	[tilespmem:v49+s18+$0x0] =	vst.idx.msk $0xffff, v48;
	v45 =	vld [tilespmem:s26+$0x1F70]  }
0xcb: {  	v49 =	vadd.s32 v11, v32;
	v48 =	vld [tilespmem:s26+$0x1F50];
	[tilespmem:v42+s18+$0x0] =	vst.idx.msk $0xffff, v41  }
0xcc: {  	v42 =	vadd.s32 v22, v33;
	[tilespmem:v44+s18+$0x0] =	vst.idx.msk $0xffff, v43;
	v41 =	vld [tilespmem:s28+$0x44E0]  }
0xcd: {  	[tilespmem:v40+s18+$0x0] =	vst.idx.msk $0xffff, v39;
	v39 =	vld [tilespmem:s28+$0x44C0];
	v40 =	vor.u32 v22, v34  }
0xce: {  	v43 =	vadd.s32 v1, v37;
	[tilespmem:v46+s18+$0x0] =	vst.idx.msk $0xffff, v38;
	v38 =	vld [tilespmem:s29+$0x30]  }
0xcf: {  	v46 =	vadd.s32 v1, v36;
	v44 =	vld [tilespmem:s29+$0x10];
	[tilespmem:v47+s18+$0x0] =	vst.idx.msk $0xffff, v45  }
0xd0: {  	v47 =	vadd.s32 v12, v35;
	[tilespmem:v49+s18+$0x0] =	vst.idx.msk $0xffff, v48;
	v45 =	vld [tilespmem:s26+$0x25A0]  }
0xd1: {  	v49 =	vor.u32 v12, v32;
	v48 =	vld [tilespmem:s26+$0x2580];
	[tilespmem:v42+s18+$0x0] =	vst.idx.msk $0xffff, v41  }
0xd2: {  	[tilespmem:v40+s18+$0x0] =	vst.idx.msk $0xffff, v39;
	v39 =	vld [tilespmem:s28+$0x44F0];
	v40 =	vadd.s32 v23, v33  }
0xd3: {  	v41 =	vadd.s32 v23, v34;
	[tilespmem:v43+s18+$0x0] =	vst.idx.msk $0xffff, v38;
	v38 =	vld [tilespmem:s28+$0x44D0]  }
0xd4: {  	v43 =	vadd.s32 v2, v37;
	[tilespmem:v46+s18+$0x0] =	vst.idx.msk $0xffff, v44;
	v42 =	vld [tilespmem:s29+$0x660]  }
0xd5: {  	v46 =	vor.u32 v2, v36;
	v44 =	vld [tilespmem:s29+$0x640];
	[tilespmem:v47+s18+$0x0] =	vst.idx.msk $0xffff, v45  }
0xd6: {  	v47 =	vadd.s32 v13, v35;
	[tilespmem:v49+s18+$0x0] =	vst.idx.msk $0xffff, v48;
	v45 =	vld [tilespmem:s26+$0x25B0]  }
0xd7: {  	v49 =	vadd.s32 v13, v32;
	v48 =	vld [tilespmem:s26+$0x2590];
	[tilespmem:v40+s18+$0x0] =	vst.idx.msk $0xffff, v39  }
0xd8: {  	v39 =	vadd.s32 v24, v33;
	[tilespmem:v41+s18+$0x0] =	vst.idx.msk $0xffff, v38;
	v38 =	vld [tilespmem:s28+$0x4B20]  }
0xd9: {  	v41 =	vor.u32 v24, v34;
	[tilespmem:v43+s18+$0x0] =	vst.idx.msk $0xffff, v42;
	v40 =	vld [tilespmem:s28+$0x4B00]  }
0xda: {  	v43 =	vadd.s32 v3, v37;
	[tilespmem:v46+s18+$0x0] =	vst.idx.msk $0xffff, v44;
	v42 =	vld [tilespmem:s29+$0x670]  }
0xdb: {  	v46 =	vadd.s32 v3, v36;
	v44 =	vld [tilespmem:s29+$0x650];
	[tilespmem:v47+s18+$0x0] =	vst.idx.msk $0xffff, v45  }
0xdc: {  	v47 =	vadd.s32 v14, v35;
	[tilespmem:v49+s18+$0x0] =	vst.idx.msk $0xffff, v48;
	v45 =	vld [tilespmem:s26+$0x2BE0]  }
0xdd: {  	v49 =	vor.u32 v14, v32;
	v48 =	vld [tilespmem:s26+$0x2BC0];
	[tilespmem:v39+s18+$0x0] =	vst.idx.msk $0xffff, v38  }
0xde: {  	v39 =	vadd.s32 v25, v33;
	[tilespmem:v41+s18+$0x0] =	vst.idx.msk $0xffff, v40;
	v38 =	vld [tilespmem:s28+$0x4B30]  }
0xdf: {  	v41 =	vadd.s32 v25, v34;
	[tilespmem:v43+s18+$0x0] =	vst.idx.msk $0xffff, v42;
	v40 =	vld [tilespmem:s28+$0x4B10]  }
0xe0: {  	v43 =	vadd.s32 v4, v37;
	[tilespmem:v46+s18+$0x0] =	vst.idx.msk $0xffff, v44;
	v42 =	vld [tilespmem:s29+$0xCA0]  }
0xe1: {  	v46 =	vor.u32 v4, v36;
	v44 =	vld [tilespmem:s29+$0xC80];
	[tilespmem:v47+s18+$0x0] =	vst.idx.msk $0xffff, v45  }
0xe2: {  	v47 =	vadd.s32 v15, v35;
	[tilespmem:v49+s18+$0x0] =	vst.idx.msk $0xffff, v48;
	v45 =	vld [tilespmem:s26+$0x2BF0]  }
0xe3: {  	v49 =	vadd.s32 v15, v32;
	v48 =	vld [tilespmem:s26+$0x2BD0];
	[tilespmem:v39+s18+$0x0] =	vst.idx.msk $0xffff, v38  }
0xe4: {  	v39 =	vadd.s32 v26, v33;
	[tilespmem:v41+s18+$0x0] =	vst.idx.msk $0xffff, v40;
	v38 =	vld [tilespmem:s28+$0x5160]  }
0xe5: {  	v41 =	vor.u32 v26, v34;
	[tilespmem:v43+s18+$0x0] =	vst.idx.msk $0xffff, v42;
	v40 =	vld [tilespmem:s28+$0x5140]  }
0xe6: {  	v43 =	vadd.s32 v5, v37;
	[tilespmem:v46+s18+$0x0] =	vst.idx.msk $0xffff, v44;
	v42 =	vld [tilespmem:s29+$0xCB0]  }
0xe7: {  	v46 =	vadd.s32 v5, v36;
	v44 =	vld [tilespmem:s29+$0xC90];
	[tilespmem:v47+s18+$0x0] =	vst.idx.msk $0xffff, v45  }
0xe8: {  	v47 =	vadd.s32 v16, v35;
	[tilespmem:v49+s18+$0x0] =	vst.idx.msk $0xffff, v48;
	v45 =	vld [tilespmem:s26+$0x3220]  }
0xe9: {  	v49 =	vor.u32 v16, v32;
	v48 =	vld [tilespmem:s26+$0x3200];
	[tilespmem:v39+s18+$0x0] =	vst.idx.msk $0xffff, v38  }
0xea: {  	v39 =	vadd.s32 v27, v33;
	[tilespmem:v41+s18+$0x0] =	vst.idx.msk $0xffff, v40;
	v38 =	vld [tilespmem:s28+$0x5170]  }
0xeb: {  	v41 =	vadd.s32 v27, v34;
	[tilespmem:v43+s18+$0x0] =	vst.idx.msk $0xffff, v42;
	v40 =	vld [tilespmem:s28+$0x5150]  }
0xec: {  	v43 =	vadd.s32 v6, v37;
	[tilespmem:v46+s18+$0x0] =	vst.idx.msk $0xffff, v44;
	v42 =	vld [tilespmem:s29+$0x12E0]  }
0xed: {  	v46 =	vor.u32 v6, v36;
	v44 =	vld [tilespmem:s29+$0x12C0];
	[tilespmem:v47+s18+$0x0] =	vst.idx.msk $0xffff, v45  }
0xee: {  	v47 =	vadd.s32 v17, v35;
	[tilespmem:v49+s18+$0x0] =	vst.idx.msk $0xffff, v48;
	v45 =	vld [tilespmem:s26+$0x3230]  }
0xef: {  	v49 =	vadd.s32 v17, v32;
	v48 =	vld [tilespmem:s26+$0x3210];
	[tilespmem:v39+s18+$0x0] =	vst.idx.msk $0xffff, v38  }
0xf0: {  	v39 =	vadd.s32 v28, v33;
	[tilespmem:v41+s18+$0x0] =	vst.idx.msk $0xffff, v40;
	v38 =	vld [tilespmem:s28+$0x57A0]  }
0xf1: {  	v41 =	vor.u32 v28, v34;
	[tilespmem:v43+s18+$0x0] =	vst.idx.msk $0xffff, v42;
	v40 =	vld [tilespmem:s28+$0x5780]  }
0xf2: {  	v43 =	vadd.s32 v7, v37;
	[tilespmem:v46+s18+$0x0] =	vst.idx.msk $0xffff, v44;
	v42 =	vld [tilespmem:s29+$0x12F0]  }
0xf3: {  	v46 =	vadd.s32 v7, v36;
	v44 =	vld [tilespmem:s29+$0x12D0];
	[tilespmem:v47+s18+$0x0] =	vst.idx.msk $0xffff, v45  }
0xf4: {  	v47 =	vadd.s32 v18, v35;
	[tilespmem:v49+s18+$0x0] =	vst.idx.msk $0xffff, v48;
	v45 =	vld [tilespmem:s26+$0x3860]  }
0xf5: {  	v49 =	vor.u32 v18, v32;
	v48 =	vld [tilespmem:s26+$0x3840];
	[tilespmem:v39+s18+$0x0] =	vst.idx.msk $0xffff, v38  }
0xf6: {  	v39 =	vadd.s32 v29, v33;
	[tilespmem:v41+s18+$0x0] =	vst.idx.msk $0xffff, v40;
	v38 =	vld [tilespmem:s28+$0x57B0]  }
0xf7: {  	v41 =	vadd.s32 v29, v34;
	[tilespmem:v43+s18+$0x0] =	vst.idx.msk $0xffff, v42;
	v40 =	vld [tilespmem:s28+$0x5790]  }
0xf8: {  	v43 =	vadd.s32 v8, v37;
	[tilespmem:v46+s18+$0x0] =	vst.idx.msk $0xffff, v44;
	v42 =	vld [tilespmem:s29+$0x1920]  }
0xf9: {  	v46 =	vor.u32 v8, v36;
	v44 =	vld [tilespmem:s29+$0x1900];
	[tilespmem:v47+s18+$0x0] =	vst.idx.msk $0xffff, v45  }
0xfa: {  	v50 =	vadd.s32 v19, v35;
	[tilespmem:v49+s18+$0x0] =	vst.idx.msk $0xffff, v48;
	v49 =	vld [tilespmem:s26+$0x3870]  }
0xfb: {  	v52 =	vadd.s32 v19, v32;
	v51 =	vld [tilespmem:s26+$0x3850];
	[tilespmem:v39+s18+$0x0] =	vst.idx.msk $0xffff, v38  }
0xfc: {  	v39 =	vadd.s32 v30, v33;
	[tilespmem:v41+s18+$0x0] =	vst.idx.msk $0xffff, v40;
	v38 =	vld [tilespmem:s28+$0x5DE0]  }
0xfd: {  	v53 =	vor.u32 v30, v34;
	[tilespmem:v43+s18+$0x0] =	vst.idx.msk $0xffff, v42;
	v40 =	vld [tilespmem:s28+$0x5DC0]  }
.Ltmp2:
0xfe: {  	v48 =	vadd.s32 v9, v37;
	[tilespmem:v46+s18+$0x0] =	vst.idx.msk $0xffff, v44;
	v46 =	vld [tilespmem:s29+$0x1930];
	(pc) =	sbr.rel @p2 .LBB2_7-.Ltmp2, $4  }
0xff: {  	v47 =	vadd.s32 v9, v36;
	v45 =	vld [tilespmem:s29+$0x1910];
	[tilespmem:v50+s18+$0x0] =	vst.idx.msk $0xffff, v49  }
0x100: {  	v43 =	vadd.s32 v20, v35;
	[tilespmem:v52+s18+$0x0] =	vst.idx.msk $0xffff, v51;
	v41 =	vld [tilespmem:s26+$0x3EA0]  }
0x101: {  	v44 =	vor.u32 v20, v32;
	v42 =	vld [tilespmem:s26+$0x3E80];
	[tilespmem:v39+s18+$0x0] =	vst.idx.msk $0xffff, v38  }
0x102: {  	s1 =	sadd.s32 $0x2, s1;
	s0 =	sadd.s32 $0x1, s31;
	[tilespmem:v53+s18+$0x0] =	vst.idx.msk $0xffff, v40;
	v39 =	vld [tilespmem:s28+$0x5DF0];
	v40 =	vadd.s32 v31, v33;
	v33 =	vmov v35;
	v35 =	vmov v37  }
0x103: {  	v37 =	vmov s0  }
0x104: {  	v38 =	vmov s31;
	v37 =	vmul.u32 $0x300, v37  }
0x105: {  	v49 =	vmul.u32 $0x300, v38  }
0x106: {  	v38 =	vbroadcast v37, $0x0  }
0x107: {  	s1 =	sadd.s32 $0x40, s29;
	v37 =	vbroadcast v49, $0x0  }
0x108: {  	v61 =	vld [tilespmem:s1+$0x20];
	v50 =	vadd.s32 v0, v38  }
0x109: {  	v51 =	vld [tilespmem:s1+$0x0];
	v52 =	vor.u32 v0, v37;
	_ =	sdelay $0x3  }
0x10a: {  	[tilespmem:v50+s18+$0x0] =	vst.idx.msk $0xffff, v61  }
0x10b: {  	v62 =	vadd.s32 v1, v38;
	[tilespmem:v52+s18+$0x0] =	vst.idx.msk $0xffff, v51;
	v49 =	vld [tilespmem:s1+$0x30]  }
0x10c: {  	v63 =	vadd.s32 v1, v37;
	v51 =	vld [tilespmem:s1+$0x10];
	_ =	sdelay $0x3  }
0x10d: {  	[tilespmem:v62+s18+$0x0] =	vst.idx.msk $0xffff, v49  }
0x10e: {  	v56 =	vadd.s32 v2, v38;
	[tilespmem:v63+s18+$0x0] =	vst.idx.msk $0xffff, v51;
	v49 =	vld [tilespmem:s1+$0x660]  }
0x10f: {  	v57 =	vor.u32 v2, v37;
	v51 =	vld [tilespmem:s1+$0x640];
	_ =	sdelay $0x3  }
0x110: {  	[tilespmem:v56+s18+$0x0] =	vst.idx.msk $0xffff, v49  }
0x111: {  	v58 =	vadd.s32 v3, v38;
	[tilespmem:v57+s18+$0x0] =	vst.idx.msk $0xffff, v51;
	v49 =	vld [tilespmem:s1+$0x670]  }
0x112: {  	v59 =	vadd.s32 v3, v37;
	v51 =	vld [tilespmem:s1+$0x650];
	_ =	sdelay $0x3  }
0x113: {  	[tilespmem:v58+s18+$0x0] =	vst.idx.msk $0xffff, v49  }
0x114: {  	v60 =	vadd.s32 v4, v38;
	[tilespmem:v59+s18+$0x0] =	vst.idx.msk $0xffff, v51;
	v49 =	vld [tilespmem:s1+$0xCA0]  }
0x115: {  	v61 =	vor.u32 v4, v37;
	v51 =	vld [tilespmem:s1+$0xC80];
	_ =	sdelay $0x3  }
0x116: {  	[tilespmem:v60+s18+$0x0] =	vst.idx.msk $0xffff, v49  }
0x117: {  	v62 =	vadd.s32 v5, v38;
	[tilespmem:v61+s18+$0x0] =	vst.idx.msk $0xffff, v51;
	v49 =	vld [tilespmem:s1+$0xCB0]  }
0x118: {  	v63 =	vadd.s32 v5, v37;
	v51 =	vld [tilespmem:s1+$0xC90];
	_ =	sdelay $0x3  }
0x119: {  	[tilespmem:v62+s18+$0x0] =	vst.idx.msk $0xffff, v49  }
0x11a: {  	v56 =	vadd.s32 v6, v38;
	[tilespmem:v63+s18+$0x0] =	vst.idx.msk $0xffff, v51;
	v49 =	vld [tilespmem:s1+$0x12E0]  }
0x11b: {  	v57 =	vor.u32 v6, v37;
	v51 =	vld [tilespmem:s1+$0x12C0];
	_ =	sdelay $0x3  }
0x11c: {  	[tilespmem:v56+s18+$0x0] =	vst.idx.msk $0xffff, v49  }
0x11d: {  	v58 =	vadd.s32 v7, v38;
	[tilespmem:v57+s18+$0x0] =	vst.idx.msk $0xffff, v51;
	v49 =	vld [tilespmem:s1+$0x12F0]  }
0x11e: {  	v59 =	vadd.s32 v7, v37;
	v51 =	vld [tilespmem:s1+$0x12D0];
	_ =	sdelay $0x3  }
0x11f: {  	[tilespmem:v58+s18+$0x0] =	vst.idx.msk $0xffff, v49  }
0x120: {  	v60 =	vadd.s32 v8, v38;
	[tilespmem:v59+s18+$0x0] =	vst.idx.msk $0xffff, v51;
	v49 =	vld [tilespmem:s1+$0x1920]  }
0x121: {  	v61 =	vor.u32 v8, v37;
	v51 =	vld [tilespmem:s1+$0x1900];
	_ =	sdelay $0x3  }
0x122: {  	[tilespmem:v60+s18+$0x0] =	vst.idx.msk $0xffff, v49  }
0x123: {  	v62 =	vadd.s32 v9, v38;
	[tilespmem:v61+s18+$0x0] =	vst.idx.msk $0xffff, v51;
	v49 =	vld [tilespmem:s1+$0x1930]  }
0x124: {  	v63 =	vadd.s32 v9, v37;
	v51 =	vld [tilespmem:s1+$0x1910];
	_ =	sdelay $0x1  }
0x125: {  	[tilespmem:v48+s18+$0x0] =	vst.idx.msk $0xffff, v46  }
0x126: {  	[tilespmem:v47+s18+$0x0] =	vst.idx.msk $0xffff, v45;
	v56 =	vld [tilespmem:s29+$0x1F60];
	v57 =	vadd.s32 v10, v35  }
0x127: {  	v47 =	vld [tilespmem:s29+$0x1F40];
	v58 =	vor.u32 v10, v36;
	[tilespmem:v62+s18+$0x0] =	vst.idx.msk $0xffff, v49  }
0x128: {  	v59 =	vadd.s32 v10, v38;
	[tilespmem:v63+s18+$0x0] =	vst.idx.msk $0xffff, v51;
	v49 =	vld [tilespmem:s1+$0x1F60]  }
0x129: {  	v60 =	vor.u32 v10, v37;
	v51 =	vld [tilespmem:s1+$0x1F40];
	_ =	sdelay $0x1  }
0x12a: {  	[tilespmem:v57+s18+$0x0] =	vst.idx.msk $0xffff, v56  }
0x12b: {  	v45 =	vld [tilespmem:s29+$0x1F70];
	[tilespmem:v58+s18+$0x0] =	vst.idx.msk $0xffff, v47;
	v61 =	vadd.s32 v11, v35  }
0x12c: {  	v47 =	vld [tilespmem:s29+$0x1F50];
	v62 =	vadd.s32 v11, v36;
	[tilespmem:v59+s18+$0x0] =	vst.idx.msk $0xffff, v49  }
0x12d: {  	v63 =	vadd.s32 v11, v38;
	[tilespmem:v60+s18+$0x0] =	vst.idx.msk $0xffff, v51;
	v49 =	vld [tilespmem:s1+$0x1F70]  }
0x12e: {  	v56 =	vadd.s32 v11, v37;
	v51 =	vld [tilespmem:s1+$0x1F50];
	_ =	sdelay $0x1  }
0x12f: {  	[tilespmem:v61+s18+$0x0] =	vst.idx.msk $0xffff, v45  }
0x130: {  	v57 =	vadd.s32 v12, v35;
	v45 =	vld [tilespmem:s29+$0x25A0];
	[tilespmem:v62+s18+$0x0] =	vst.idx.msk $0xffff, v47  }
0x131: {  	v58 =	vor.u32 v12, v36;
	v47 =	vld [tilespmem:s29+$0x2580];
	[tilespmem:v63+s18+$0x0] =	vst.idx.msk $0xffff, v49  }
0x132: {  	v59 =	vadd.s32 v12, v38;
	[tilespmem:v56+s18+$0x0] =	vst.idx.msk $0xffff, v51;
	v49 =	vld [tilespmem:s1+$0x25A0]  }
0x133: {  	v60 =	vor.u32 v12, v37;
	v51 =	vld [tilespmem:s1+$0x2580];
	_ =	sdelay $0x1  }
0x134: {  	[tilespmem:v57+s18+$0x0] =	vst.idx.msk $0xffff, v45  }
0x135: {  	v61 =	vadd.s32 v13, v35;
	v45 =	vld [tilespmem:s29+$0x25B0];
	[tilespmem:v58+s18+$0x0] =	vst.idx.msk $0xffff, v47  }
0x136: {  	v62 =	vadd.s32 v13, v36;
	v47 =	vld [tilespmem:s29+$0x2590];
	[tilespmem:v59+s18+$0x0] =	vst.idx.msk $0xffff, v49  }
0x137: {  	v63 =	vadd.s32 v13, v38;
	[tilespmem:v60+s18+$0x0] =	vst.idx.msk $0xffff, v51;
	v49 =	vld [tilespmem:s1+$0x25B0]  }
0x138: {  	v56 =	vadd.s32 v13, v37;
	v51 =	vld [tilespmem:s1+$0x2590];
	_ =	sdelay $0x1  }
0x139: {  	[tilespmem:v61+s18+$0x0] =	vst.idx.msk $0xffff, v45  }
0x13a: {  	v57 =	vadd.s32 v14, v35;
	v45 =	vld [tilespmem:s29+$0x2BE0];
	[tilespmem:v62+s18+$0x0] =	vst.idx.msk $0xffff, v47  }
0x13b: {  	v58 =	vor.u32 v14, v36;
	v47 =	vld [tilespmem:s29+$0x2BC0];
	[tilespmem:v63+s18+$0x0] =	vst.idx.msk $0xffff, v49  }
0x13c: {  	v59 =	vadd.s32 v14, v38;
	[tilespmem:v56+s18+$0x0] =	vst.idx.msk $0xffff, v51;
	v49 =	vld [tilespmem:s1+$0x2BE0]  }
0x13d: {  	v60 =	vor.u32 v14, v37;
	v51 =	vld [tilespmem:s1+$0x2BC0];
	_ =	sdelay $0x1  }
0x13e: {  	[tilespmem:v57+s18+$0x0] =	vst.idx.msk $0xffff, v45  }
0x13f: {  	v61 =	vadd.s32 v15, v35;
	v45 =	vld [tilespmem:s29+$0x2BF0];
	[tilespmem:v58+s18+$0x0] =	vst.idx.msk $0xffff, v47  }
0x140: {  	v62 =	vadd.s32 v15, v36;
	v47 =	vld [tilespmem:s29+$0x2BD0];
	[tilespmem:v59+s18+$0x0] =	vst.idx.msk $0xffff, v49  }
0x141: {  	v63 =	vadd.s32 v15, v38;
	[tilespmem:v60+s18+$0x0] =	vst.idx.msk $0xffff, v51;
	v49 =	vld [tilespmem:s1+$0x2BF0]  }
0x142: {  	v56 =	vadd.s32 v15, v37;
	v51 =	vld [tilespmem:s1+$0x2BD0];
	_ =	sdelay $0x1  }
0x143: {  	[tilespmem:v61+s18+$0x0] =	vst.idx.msk $0xffff, v45  }
0x144: {  	v57 =	vadd.s32 v16, v35;
	v45 =	vld [tilespmem:s29+$0x3220];
	[tilespmem:v62+s18+$0x0] =	vst.idx.msk $0xffff, v47  }
0x145: {  	v58 =	vor.u32 v16, v36;
	v47 =	vld [tilespmem:s29+$0x3200];
	[tilespmem:v63+s18+$0x0] =	vst.idx.msk $0xffff, v49  }
0x146: {  	v59 =	vadd.s32 v16, v38;
	[tilespmem:v56+s18+$0x0] =	vst.idx.msk $0xffff, v51;
	v49 =	vld [tilespmem:s1+$0x3220]  }
0x147: {  	v60 =	vor.u32 v16, v37;
	v51 =	vld [tilespmem:s1+$0x3200];
	_ =	sdelay $0x1  }
0x148: {  	[tilespmem:v57+s18+$0x0] =	vst.idx.msk $0xffff, v45  }
0x149: {  	v61 =	vadd.s32 v17, v35;
	v45 =	vld [tilespmem:s29+$0x3230];
	[tilespmem:v58+s18+$0x0] =	vst.idx.msk $0xffff, v47  }
0x14a: {  	v62 =	vadd.s32 v17, v36;
	v47 =	vld [tilespmem:s29+$0x3210];
	[tilespmem:v59+s18+$0x0] =	vst.idx.msk $0xffff, v49  }
0x14b: {  	v63 =	vadd.s32 v17, v38;
	[tilespmem:v60+s18+$0x0] =	vst.idx.msk $0xffff, v51;
	v49 =	vld [tilespmem:s1+$0x3230]  }
0x14c: {  	v56 =	vadd.s32 v17, v37;
	v51 =	vld [tilespmem:s1+$0x3210];
	_ =	sdelay $0x1  }
0x14d: {  	[tilespmem:v61+s18+$0x0] =	vst.idx.msk $0xffff, v45  }
0x14e: {  	v57 =	vadd.s32 v18, v35;
	v45 =	vld [tilespmem:s29+$0x3860];
	[tilespmem:v62+s18+$0x0] =	vst.idx.msk $0xffff, v47  }
0x14f: {  	v58 =	vor.u32 v18, v36;
	v47 =	vld [tilespmem:s29+$0x3840];
	[tilespmem:v63+s18+$0x0] =	vst.idx.msk $0xffff, v49  }
0x150: {  	v59 =	vadd.s32 v18, v38;
	[tilespmem:v56+s18+$0x0] =	vst.idx.msk $0xffff, v51;
	v49 =	vld [tilespmem:s1+$0x3860]  }
0x151: {  	v60 =	vor.u32 v18, v37;
	v51 =	vld [tilespmem:s1+$0x3840];
	_ =	sdelay $0x1  }
0x152: {  	[tilespmem:v57+s18+$0x0] =	vst.idx.msk $0xffff, v45  }
0x153: {  	v61 =	vadd.s32 v19, v35;
	v45 =	vld [tilespmem:s29+$0x3870];
	[tilespmem:v58+s18+$0x0] =	vst.idx.msk $0xffff, v47  }
0x154: {  	v62 =	vadd.s32 v19, v36;
	v47 =	vld [tilespmem:s29+$0x3850];
	[tilespmem:v59+s18+$0x0] =	vst.idx.msk $0xffff, v49  }
0x155: {  	v63 =	vadd.s32 v19, v38;
	[tilespmem:v60+s18+$0x0] =	vst.idx.msk $0xffff, v51;
	v49 =	vld [tilespmem:s1+$0x3870]  }
0x156: {  	[tilespmem:v43+s18+$0x0] =	vst.idx.msk $0xffff, v41;
	v52 =	vadd.s32 v19, v37;
	v51 =	vld [tilespmem:s1+$0x3850]  }
0x157: {  	[tilespmem:v44+s18+$0x0] =	vst.idx.msk $0xffff, v42  }
0x158: {  	v53 =	vld [tilespmem:s28+$0x5DD0];
	v34 =	vadd.s32 v31, v34;
	[tilespmem:v61+s18+$0x0] =	vst.idx.msk $0xffff, v45  }
0x159: {  	v55 =	vadd.s32 v20, v35;
	v54 =	vld [tilespmem:s29+$0x3EA0];
	[tilespmem:v62+s18+$0x0] =	vst.idx.msk $0xffff, v47  }
0x15a: {  	v57 =	vor.u32 v20, v36;
	v56 =	vld [tilespmem:s29+$0x3E80];
	[tilespmem:v63+s18+$0x0] =	vst.idx.msk $0xffff, v49  }
0x15b: {  	v59 =	vadd.s32 v20, v38;
	[tilespmem:v52+s18+$0x0] =	vst.idx.msk $0xffff, v51;
	v58 =	vld [tilespmem:s1+$0x3EA0]  }
0x15c: {  	[tilespmem:v40+s18+$0x0] =	vst.idx.msk $0xffff, v39;
	v61 =	vor.u32 v20, v37;
	v60 =	vld [tilespmem:s1+$0x3E80]  }
0x15d: {  	[tilespmem:v34+s18+$0x0] =	vst.idx.msk $0xffff, v53;
	v62 =	vld [tilespmem:s26+$0x3EB0];
	v63 =	vadd.s32 v21, v33  }
0x15e: {  	v50 =	vld [tilespmem:s26+$0x3E90];
	[tilespmem:v55+s18+$0x0] =	vst.idx.msk $0xffff, v54;
	v51 =	vadd.s32 v21, v32  }
0x15f: {  	v44 =	vld [tilespmem:s29+$0x3EB0];
	[tilespmem:v57+s18+$0x0] =	vst.idx.msk $0xffff, v56;
	v52 =	vadd.s32 v21, v35  }
0x160: {  	v53 =	vadd.s32 v21, v36;
	v46 =	vld [tilespmem:s29+$0x3E90];
	[tilespmem:v59+s18+$0x0] =	vst.idx.msk $0xffff, v58  }
0x161: {  	v55 =	vadd.s32 v21, v38;
	[tilespmem:v61+s18+$0x0] =	vst.idx.msk $0xffff, v60;
	v54 =	vld [tilespmem:s1+$0x3EB0]  }
0x162: {  	v57 =	vadd.s32 v21, v37;
	[tilespmem:v63+s18+$0x0] =	vst.idx.msk $0xffff, v62;
	v56 =	vld [tilespmem:s1+$0x3E90]  }
0x163: {  	[tilespmem:v51+s18+$0x0] =	vst.idx.msk $0xffff, v50;
	v58 =	vld [tilespmem:s26+$0x44E0];
	v59 =	vadd.s32 v22, v33  }
0x164: {  	[tilespmem:v52+s18+$0x0] =	vst.idx.msk $0xffff, v44;
	v60 =	vld [tilespmem:s26+$0x44C0];
	v61 =	vor.u32 v22, v32  }
0x165: {  	[tilespmem:v53+s18+$0x0] =	vst.idx.msk $0xffff, v46;
	v62 =	vadd.s32 v22, v35;
	v44 =	vld [tilespmem:s29+$0x44E0]  }
0x166: {  	v63 =	vor.u32 v22, v36;
	v46 =	vld [tilespmem:s29+$0x44C0];
	[tilespmem:v55+s18+$0x0] =	vst.idx.msk $0xffff, v54  }
0x167: {  	v52 =	vadd.s32 v22, v38;
	[tilespmem:v57+s18+$0x0] =	vst.idx.msk $0xffff, v56;
	v39 =	vld [tilespmem:s1+$0x44E0]  }
0x168: {  	[tilespmem:v59+s18+$0x0] =	vst.idx.msk $0xffff, v58;
	v54 =	vor.u32 v22, v37;
	v53 =	vld [tilespmem:s1+$0x44C0]  }
0x169: {  	[tilespmem:v61+s18+$0x0] =	vst.idx.msk $0xffff, v60;
	v42 =	vld [tilespmem:s26+$0x44F0];
	v55 =	vadd.s32 v23, v33  }
0x16a: {  	[tilespmem:v62+s18+$0x0] =	vst.idx.msk $0xffff, v44;
	v48 =	vld [tilespmem:s26+$0x44D0];
	v56 =	vadd.s32 v23, v32  }
0x16b: {  	[tilespmem:v63+s18+$0x0] =	vst.idx.msk $0xffff, v46;
	v44 =	vld [tilespmem:s29+$0x44F0];
	v57 =	vadd.s32 v23, v35  }
0x16c: {  	v58 =	vadd.s32 v23, v36;
	v46 =	vld [tilespmem:s29+$0x44D0];
	[tilespmem:v52+s18+$0x0] =	vst.idx.msk $0xffff, v39  }
0x16d: {  	v60 =	vadd.s32 v23, v38;
	[tilespmem:v54+s18+$0x0] =	vst.idx.msk $0xffff, v53;
	v59 =	vld [tilespmem:s1+$0x44F0]  }
0x16e: {  	v62 =	vadd.s32 v23, v37;
	[tilespmem:v55+s18+$0x0] =	vst.idx.msk $0xffff, v42;
	v61 =	vld [tilespmem:s1+$0x44D0]  }
0x16f: {  	v63 =	vadd.s32 v24, v33;
	[tilespmem:v56+s18+$0x0] =	vst.idx.msk $0xffff, v48;
	v42 =	vld [tilespmem:s26+$0x4B20]  }
0x170: {  	[tilespmem:v57+s18+$0x0] =	vst.idx.msk $0xffff, v44;
	v48 =	vld [tilespmem:s26+$0x4B00];
	v52 =	vor.u32 v24, v32  }
0x171: {  	[tilespmem:v58+s18+$0x0] =	vst.idx.msk $0xffff, v46;
	v44 =	vld [tilespmem:s29+$0x4B20];
	v53 =	vadd.s32 v24, v35  }
0x172: {  	v46 =	vld [tilespmem:s29+$0x4B00];
	v54 =	vor.u32 v24, v36;
	[tilespmem:v60+s18+$0x0] =	vst.idx.msk $0xffff, v59  }
0x173: {  	v55 =	vadd.s32 v24, v38;
	[tilespmem:v62+s18+$0x0] =	vst.idx.msk $0xffff, v61;
	v34 =	vld [tilespmem:s1+$0x4B20]  }
0x174: {  	v56 =	vor.u32 v24, v37;
	[tilespmem:v63+s18+$0x0] =	vst.idx.msk $0xffff, v42;
	v40 =	vld [tilespmem:s1+$0x4B00]  }
0x175: {  	v57 =	vadd.s32 v25, v33;
	[tilespmem:v52+s18+$0x0] =	vst.idx.msk $0xffff, v48;
	v42 =	vld [tilespmem:s26+$0x4B30]  }
0x176: {  	v58 =	vadd.s32 v25, v32;
	[tilespmem:v53+s18+$0x0] =	vst.idx.msk $0xffff, v44;
	v48 =	vld [tilespmem:s26+$0x4B10]  }
0x177: {  	[tilespmem:v54+s18+$0x0] =	vst.idx.msk $0xffff, v46;
	v44 =	vld [tilespmem:s29+$0x4B30];
	v59 =	vadd.s32 v25, v35  }
0x178: {  	v46 =	vld [tilespmem:s29+$0x4B10];
	v60 =	vadd.s32 v25, v36;
	[tilespmem:v55+s18+$0x0] =	vst.idx.msk $0xffff, v34  }
0x179: {  	v61 =	vadd.s32 v25, v38;
	[tilespmem:v56+s18+$0x0] =	vst.idx.msk $0xffff, v40;
	v34 =	vld [tilespmem:s1+$0x4B30]  }
0x17a: {  	v62 =	vadd.s32 v25, v37;
	[tilespmem:v57+s18+$0x0] =	vst.idx.msk $0xffff, v42;
	v40 =	vld [tilespmem:s1+$0x4B10]  }
0x17b: {  	v63 =	vadd.s32 v26, v33;
	[tilespmem:v58+s18+$0x0] =	vst.idx.msk $0xffff, v48;
	v42 =	vld [tilespmem:s26+$0x5160]  }
0x17c: {  	v52 =	vor.u32 v26, v32;
	[tilespmem:v59+s18+$0x0] =	vst.idx.msk $0xffff, v44;
	v48 =	vld [tilespmem:s26+$0x5140]  }
0x17d: {  	v53 =	vadd.s32 v26, v35;
	[tilespmem:v60+s18+$0x0] =	vst.idx.msk $0xffff, v46;
	v44 =	vld [tilespmem:s29+$0x5160]  }
0x17e: {  	v54 =	vor.u32 v26, v36;
	v46 =	vld [tilespmem:s29+$0x5140];
	[tilespmem:v61+s18+$0x0] =	vst.idx.msk $0xffff, v34  }
0x17f: {  	v55 =	vadd.s32 v26, v38;
	[tilespmem:v62+s18+$0x0] =	vst.idx.msk $0xffff, v40;
	v34 =	vld [tilespmem:s1+$0x5160]  }
0x180: {  	v56 =	vor.u32 v26, v37;
	[tilespmem:v63+s18+$0x0] =	vst.idx.msk $0xffff, v42;
	v40 =	vld [tilespmem:s1+$0x5140]  }
0x181: {  	v57 =	vadd.s32 v27, v33;
	[tilespmem:v52+s18+$0x0] =	vst.idx.msk $0xffff, v48;
	v42 =	vld [tilespmem:s26+$0x5170]  }
0x182: {  	v58 =	vadd.s32 v27, v32;
	[tilespmem:v53+s18+$0x0] =	vst.idx.msk $0xffff, v44;
	v48 =	vld [tilespmem:s26+$0x5150]  }
0x183: {  	v59 =	vadd.s32 v27, v35;
	[tilespmem:v54+s18+$0x0] =	vst.idx.msk $0xffff, v46;
	v44 =	vld [tilespmem:s29+$0x5170]  }
0x184: {  	v60 =	vadd.s32 v27, v36;
	v46 =	vld [tilespmem:s29+$0x5150];
	[tilespmem:v55+s18+$0x0] =	vst.idx.msk $0xffff, v34  }
0x185: {  	v61 =	vadd.s32 v27, v38;
	[tilespmem:v56+s18+$0x0] =	vst.idx.msk $0xffff, v40;
	v34 =	vld [tilespmem:s1+$0x5170]  }
0x186: {  	v62 =	vadd.s32 v27, v37;
	[tilespmem:v57+s18+$0x0] =	vst.idx.msk $0xffff, v42;
	v40 =	vld [tilespmem:s1+$0x5150]  }
0x187: {  	v63 =	vadd.s32 v28, v33;
	[tilespmem:v58+s18+$0x0] =	vst.idx.msk $0xffff, v48;
	v42 =	vld [tilespmem:s26+$0x57A0]  }
0x188: {  	v52 =	vor.u32 v28, v32;
	[tilespmem:v59+s18+$0x0] =	vst.idx.msk $0xffff, v44;
	v48 =	vld [tilespmem:s26+$0x5780]  }
0x189: {  	v53 =	vadd.s32 v28, v35;
	[tilespmem:v60+s18+$0x0] =	vst.idx.msk $0xffff, v46;
	v44 =	vld [tilespmem:s29+$0x57A0]  }
0x18a: {  	v54 =	vor.u32 v28, v36;
	v46 =	vld [tilespmem:s29+$0x5780];
	[tilespmem:v61+s18+$0x0] =	vst.idx.msk $0xffff, v34  }
0x18b: {  	v55 =	vadd.s32 v28, v38;
	[tilespmem:v62+s18+$0x0] =	vst.idx.msk $0xffff, v40;
	v34 =	vld [tilespmem:s1+$0x57A0]  }
0x18c: {  	v56 =	vor.u32 v28, v37;
	[tilespmem:v63+s18+$0x0] =	vst.idx.msk $0xffff, v42;
	v40 =	vld [tilespmem:s1+$0x5780]  }
0x18d: {  	v57 =	vadd.s32 v29, v33;
	[tilespmem:v52+s18+$0x0] =	vst.idx.msk $0xffff, v48;
	v42 =	vld [tilespmem:s26+$0x57B0]  }
0x18e: {  	v58 =	vadd.s32 v29, v32;
	[tilespmem:v53+s18+$0x0] =	vst.idx.msk $0xffff, v44;
	v48 =	vld [tilespmem:s26+$0x5790]  }
0x18f: {  	v59 =	vadd.s32 v29, v35;
	[tilespmem:v54+s18+$0x0] =	vst.idx.msk $0xffff, v46;
	v44 =	vld [tilespmem:s29+$0x57B0]  }
0x190: {  	v60 =	vadd.s32 v29, v36;
	v46 =	vld [tilespmem:s29+$0x5790];
	[tilespmem:v55+s18+$0x0] =	vst.idx.msk $0xffff, v34  }
0x191: {  	v61 =	vadd.s32 v29, v38;
	[tilespmem:v56+s18+$0x0] =	vst.idx.msk $0xffff, v40;
	v34 =	vld [tilespmem:s1+$0x57B0]  }
0x192: {  	v62 =	vadd.s32 v29, v37;
	[tilespmem:v57+s18+$0x0] =	vst.idx.msk $0xffff, v42;
	v40 =	vld [tilespmem:s1+$0x5790]  }
0x193: {  	v63 =	vadd.s32 v30, v33;
	[tilespmem:v58+s18+$0x0] =	vst.idx.msk $0xffff, v48;
	v42 =	vld [tilespmem:s26+$0x5DE0]  }
0x194: {  	v52 =	vor.u32 v30, v32;
	[tilespmem:v59+s18+$0x0] =	vst.idx.msk $0xffff, v44;
	v48 =	vld [tilespmem:s26+$0x5DC0]  }
0x195: {  	v53 =	vadd.s32 v30, v35;
	[tilespmem:v60+s18+$0x0] =	vst.idx.msk $0xffff, v46;
	v44 =	vld [tilespmem:s29+$0x5DE0]  }
0x196: {  	v54 =	vor.u32 v30, v36;
	v46 =	vld [tilespmem:s29+$0x5DC0];
	[tilespmem:v61+s18+$0x0] =	vst.idx.msk $0xffff, v34  }
0x197: {  	v55 =	vadd.s32 v30, v38;
	[tilespmem:v62+s18+$0x0] =	vst.idx.msk $0xffff, v40;
	v34 =	vld [tilespmem:s1+$0x5DE0]  }
0x198: {  	v56 =	vor.u32 v30, v37;
	[tilespmem:v63+s18+$0x0] =	vst.idx.msk $0xffff, v42;
	v40 =	vld [tilespmem:s1+$0x5DC0]  }
0x199: {  	v57 =	vadd.s32 v31, v33;
	[tilespmem:v52+s18+$0x0] =	vst.idx.msk $0xffff, v48;
	v42 =	vld [tilespmem:s26+$0x5DF0]  }
0x19a: {  	v59 =	vadd.s32 v31, v32;
	[tilespmem:v53+s18+$0x0] =	vst.idx.msk $0xffff, v44;
	v58 =	vld [tilespmem:s26+$0x5DD0]  }
0x19b: {  	v60 =	vadd.s32 v31, v35;
	[tilespmem:v54+s18+$0x0] =	vst.idx.msk $0xffff, v46;
	v44 =	vld [tilespmem:s29+$0x5DF0]  }
0x19c: {  	v61 =	vld [tilespmem:s29+$0x5DD0];
	v62 =	vadd.s32 v31, v36;
	[tilespmem:v55+s18+$0x0] =	vst.idx.msk $0xffff, v34  }
0x19d: {  	v38 =	vadd.s32 v31, v38;
	[tilespmem:v56+s18+$0x0] =	vst.idx.msk $0xffff, v40;
	v34 =	vld [tilespmem:s1+$0x5DF0]  }
0x19e: {  	v37 =	vadd.s32 v31, v37;
	[tilespmem:v57+s18+$0x0] =	vst.idx.msk $0xffff, v42;
	v63 =	vld [tilespmem:s1+$0x5DD0]  }
0x19f: {  	[tilespmem:v59+s18+$0x0] =	vst.idx.msk $0xffff, v58  }
0x1a0: {  	[tilespmem:v60+s18+$0x0] =	vst.idx.msk $0xffff, v44  }
0x1a1: {  	[tilespmem:v62+s18+$0x0] =	vst.idx.msk $0xffff, v61  }
0x1a2: {  	[tilespmem:v38+s18+$0x0] =	vst.idx.msk $0xffff, v34  }
0x1a3: {  	s0 =	simm.s32 @!p0 $0x1;
	[tilespmem:v37+s18+$0x0] =	vst.idx.msk $0xffff, v63  }
0x1a4: {  	_ =	swait.ge @!p0 [sflag:s0], $0x320  }
0x1a5: {  	s30 =	sor.u32 s7, s30;
	s26 =	simm.s32 @!p0 $0x640;
	[sflag:s0] =	ssyncset.done @!p0 $0x0  }
0x1a6: {  	s1 =	simm.s32 @!p0 $0x0;
	[sflag:s0] =	ssyncadd.s32 @!p0 $0xFFFFFCE0;
	s0 =	simm.s32 @!p0 $0x320  }
0x1a7: {  	[tilespmem:s26], [sflag:$0x3] =	stream.indirect.gather @!p0 [hbm4b:s4+s0], $0x20, s1, s0, $0xb8;
	[tilespmem:$0x1FA40] =	vst v63  }
0x1a8: {  	s26 =	sshrl.u32 s30, $0x3  }
0x1a9: {  	s31 =	simm.s32 $0xCE40;
	s1 =	simm.s32 $0x60;
	s0 =	sadd.s32 s5, s26  }
0x1aa: {  	[hbm4b:s0+s3] =	stream.linear.scatter [tilespmem:s31], [sflag:$0x5], $0x10, $0x38;
	[tilespmem:$0x1FA40] =	vst v63  }
.LBB2_9:
0x1ab: {  	p2 =	sne.s32 s1, $0x257A0  }
.Ltmp3:
0x1ac: {  	_ = 	snop;
	(pc) =	sbr.rel @p2 .LBB2_9-.Ltmp3, $4  }
0x1ad: {  	_ = 	snop  }
0x1ae: {  	s28 =	sshra.s32 s1, $0x2;
	s1 =	sadd.s32 $0x60, s1  }
0x1af: {  	s0 =	sadd.s32 $0x800, s0;
	s28 =	sadd.s32 $0xCE40, s28  }
0x1b0: {  	[hbm4b:s0+s3] =	stream.linear.scatter [tilespmem:s28], [sflag:$0x5], $0x10, $0x38;
	[tilespmem:$0x1FA40] =	vst v63  }
0x1b1: {  	_ =	swait.ge [sflag:s19], $0x6400;
	s0 =	sadd.s32 @!p0 s25, s10  }
0x1b2: {  	s1 =	simm.s32 @!p0 $0x0;
	[sflag:s19] =	ssyncset.done $0x0;
	s0 =	sshrl.u32 @!p0 s0, $0x3  }
0x1b3: {  	s25 =	simm.s32 @!p0 $0x320;
	[sflag:s19] =	ssyncadd.s32 $0xFFFF9C00;
	s0 =	sadd.s32 @!p0 s2, s0  }
0x1b4: {  	[tilespmem:s25], [sflag:$0x2] =	stream.linear.gather @!p0 [hbm4b:s0+s1], $0x320, $0x38;
	[tilespmem:$0x1FA40] =	vst v63  }
0x1b5: {  	s25 =	simm.s32 $0x1  }
0x1b6: {  	s31 =	simm.s32 $0x0;
	v32 =	vmov s25  }
0x1b7: {  	v33 =	vmov s31;
	s0 =	simm.s32 @!p1 $0x6;
	v32 =	vmul.u32 $0x300, v32  }
0x1b8: {  	v33 =	vmul.u32 $0x300, v33;
	_ =	swait.ge @!p1 [sflag:s0], $0x6400  }
0x1b9: {  	[sflag:s0] =	ssyncset.done @!p1 $0x0;
	v37 =	vbroadcast v32, $0x0  }
0x1ba: {  	s28 =	simm.s32 $0x6A40;
	v34 =	vbroadcast v33, $0x0;
	[sflag:s0] =	ssyncadd.s32 @!p1 $0xFFFF9C00  }
0x1bb: {  	v52 =	vld [tilespmem:s28+$0x20];
	v53 =	vadd.s32 v0, v37  }
0x1bc: {  	v36 =	vor.u32 v0, v34;
	v35 =	vld [tilespmem:s28+$0x0];
	_ =	sdelay $0x3  }
0x1bd: {  	[tilespmem:v53+s20+$0x0] =	vst.idx.msk $0xffff, v52  }
0x1be: {  	v54 =	vadd.s32 v1, v37;
	[tilespmem:v36+s20+$0x0] =	vst.idx.msk $0xffff, v35;
	v32 =	vld [tilespmem:s28+$0x30]  }
0x1bf: {  	v55 =	vadd.s32 v1, v34;
	v35 =	vld [tilespmem:s28+$0x10];
	_ =	sdelay $0x3  }
0x1c0: {  	[tilespmem:v54+s20+$0x0] =	vst.idx.msk $0xffff, v32  }
0x1c1: {  	v56 =	vadd.s32 v2, v37;
	[tilespmem:v55+s20+$0x0] =	vst.idx.msk $0xffff, v35;
	v32 =	vld [tilespmem:s28+$0x660]  }
0x1c2: {  	v57 =	vor.u32 v2, v34;
	v35 =	vld [tilespmem:s28+$0x640];
	_ =	sdelay $0x3  }
0x1c3: {  	[tilespmem:v56+s20+$0x0] =	vst.idx.msk $0xffff, v32  }
0x1c4: {  	v58 =	vadd.s32 v3, v37;
	[tilespmem:v57+s20+$0x0] =	vst.idx.msk $0xffff, v35;
	v32 =	vld [tilespmem:s28+$0x670]  }
0x1c5: {  	v59 =	vadd.s32 v3, v34;
	v35 =	vld [tilespmem:s28+$0x650];
	_ =	sdelay $0x3  }
0x1c6: {  	[tilespmem:v58+s20+$0x0] =	vst.idx.msk $0xffff, v32  }
0x1c7: {  	v60 =	vadd.s32 v4, v37;
	[tilespmem:v59+s20+$0x0] =	vst.idx.msk $0xffff, v35;
	v32 =	vld [tilespmem:s28+$0xCA0]  }
0x1c8: {  	v61 =	vor.u32 v4, v34;
	v35 =	vld [tilespmem:s28+$0xC80];
	_ =	sdelay $0x3  }
0x1c9: {  	[tilespmem:v60+s20+$0x0] =	vst.idx.msk $0xffff, v32  }
0x1ca: {  	v62 =	vadd.s32 v5, v37;
	[tilespmem:v61+s20+$0x0] =	vst.idx.msk $0xffff, v35;
	v32 =	vld [tilespmem:s28+$0xCB0]  }
0x1cb: {  	v63 =	vadd.s32 v5, v34;
	v35 =	vld [tilespmem:s28+$0xC90];
	_ =	sdelay $0x3  }
0x1cc: {  	[tilespmem:v62+s20+$0x0] =	vst.idx.msk $0xffff, v32  }
0x1cd: {  	v40 =	vadd.s32 v6, v37;
	[tilespmem:v63+s20+$0x0] =	vst.idx.msk $0xffff, v35;
	v32 =	vld [tilespmem:s28+$0x12E0]  }
0x1ce: {  	v41 =	vor.u32 v6, v34;
	v35 =	vld [tilespmem:s28+$0x12C0];
	_ =	sdelay $0x3  }
0x1cf: {  	[tilespmem:v40+s20+$0x0] =	vst.idx.msk $0xffff, v32  }
0x1d0: {  	v42 =	vadd.s32 v7, v37;
	[tilespmem:v41+s20+$0x0] =	vst.idx.msk $0xffff, v35;
	v32 =	vld [tilespmem:s28+$0x12F0]  }
0x1d1: {  	v43 =	vadd.s32 v7, v34;
	v35 =	vld [tilespmem:s28+$0x12D0];
	_ =	sdelay $0x3  }
0x1d2: {  	[tilespmem:v42+s20+$0x0] =	vst.idx.msk $0xffff, v32  }
0x1d3: {  	v44 =	vadd.s32 v8, v37;
	[tilespmem:v43+s20+$0x0] =	vst.idx.msk $0xffff, v35;
	v32 =	vld [tilespmem:s28+$0x1920]  }
0x1d4: {  	v45 =	vor.u32 v8, v34;
	v35 =	vld [tilespmem:s28+$0x1900];
	_ =	sdelay $0x3  }
0x1d5: {  	[tilespmem:v44+s20+$0x0] =	vst.idx.msk $0xffff, v32  }
0x1d6: {  	v46 =	vadd.s32 v9, v37;
	[tilespmem:v45+s20+$0x0] =	vst.idx.msk $0xffff, v35;
	v32 =	vld [tilespmem:s28+$0x1930]  }
0x1d7: {  	v47 =	vadd.s32 v9, v34;
	v35 =	vld [tilespmem:s28+$0x1910];
	_ =	sdelay $0x2  }
0x1d8: {  	s25 =	simm.s32 $0x3  }
0x1d9: {  	s31 =	simm.s32 $0x2;
	v38 =	vmov s25;
	[tilespmem:v46+s20+$0x0] =	vst.idx.msk $0xffff, v32  }
0x1da: {  	v48 =	vmov s31;
	v49 =	vmul.u32 $0x300, v38;
	v51 =	vadd.s32 v10, v37;
	[tilespmem:v47+s20+$0x0] =	vst.idx.msk $0xffff, v35;
	v50 =	vld [tilespmem:s28+$0x1F60]  }
0x1db: {  	v39 =	vor.u32 v10, v34;
	v52 =	vld [tilespmem:s28+$0x1F40];
	v32 =	vmul.u32 $0x300, v48  }
0x1dc: {  	v33 =	vbroadcast v49, $0x0  }
0x1dd: {  	s25 =	simm.s32 $0x6A80;
	v32 =	vbroadcast v32, $0x0  }
0x1de: {  	v41 =	vadd.s32 v0, v33;
	v40 =	vld [tilespmem:s25+$0x20]  }
0x1df: {  	v42 =	vld [tilespmem:s25+$0x0];
	v43 =	vor.u32 v0, v32;
	[tilespmem:v51+s20+$0x0] =	vst.idx.msk $0xffff, v50  }
0x1e0: {  	v53 =	vadd.s32 v11, v37;
	[tilespmem:v39+s20+$0x0] =	vst.idx.msk $0xffff, v52;
	v35 =	vld [tilespmem:s28+$0x1F70]  }
0x1e1: {  	v54 =	vadd.s32 v11, v34;
	v38 =	vld [tilespmem:s28+$0x1F50];
	_ =	sdelay $0x1  }
0x1e2: {  	[tilespmem:v41+s20+$0x0] =	vst.idx.msk $0xffff, v40  }
0x1e3: {  	v55 =	vadd.s32 v1, v33;
	v40 =	vld [tilespmem:s25+$0x30];
	[tilespmem:v43+s20+$0x0] =	vst.idx.msk $0xffff, v42  }
0x1e4: {  	v56 =	vadd.s32 v1, v32;
	v42 =	vld [tilespmem:s25+$0x10];
	[tilespmem:v53+s20+$0x0] =	vst.idx.msk $0xffff, v35  }
0x1e5: {  	v57 =	vadd.s32 v12, v37;
	[tilespmem:v54+s20+$0x0] =	vst.idx.msk $0xffff, v38;
	v35 =	vld [tilespmem:s28+$0x25A0]  }
0x1e6: {  	v58 =	vor.u32 v12, v34;
	v38 =	vld [tilespmem:s28+$0x2580];
	_ =	sdelay $0x1  }
0x1e7: {  	[tilespmem:v55+s20+$0x0] =	vst.idx.msk $0xffff, v40  }
0x1e8: {  	v59 =	vadd.s32 v2, v33;
	v40 =	vld [tilespmem:s25+$0x660];
	[tilespmem:v56+s20+$0x0] =	vst.idx.msk $0xffff, v42  }
0x1e9: {  	v60 =	vor.u32 v2, v32;
	v42 =	vld [tilespmem:s25+$0x640];
	[tilespmem:v57+s20+$0x0] =	vst.idx.msk $0xffff, v35  }
0x1ea: {  	v61 =	vadd.s32 v13, v37;
	[tilespmem:v58+s20+$0x0] =	vst.idx.msk $0xffff, v38;
	v35 =	vld [tilespmem:s28+$0x25B0]  }
0x1eb: {  	v62 =	vadd.s32 v13, v34;
	v38 =	vld [tilespmem:s28+$0x2590];
	_ =	sdelay $0x1  }
0x1ec: {  	[tilespmem:v59+s20+$0x0] =	vst.idx.msk $0xffff, v40  }
0x1ed: {  	v63 =	vadd.s32 v3, v33;
	v40 =	vld [tilespmem:s25+$0x670];
	[tilespmem:v60+s20+$0x0] =	vst.idx.msk $0xffff, v42  }
0x1ee: {  	v45 =	vadd.s32 v3, v32;
	v42 =	vld [tilespmem:s25+$0x650];
	[tilespmem:v61+s20+$0x0] =	vst.idx.msk $0xffff, v35  }
0x1ef: {  	v46 =	vadd.s32 v14, v37;
	[tilespmem:v62+s20+$0x0] =	vst.idx.msk $0xffff, v38;
	v35 =	vld [tilespmem:s28+$0x2BE0]  }
0x1f0: {  	v47 =	vor.u32 v14, v34;
	v38 =	vld [tilespmem:s28+$0x2BC0];
	_ =	sdelay $0x1  }
0x1f1: {  	[tilespmem:v63+s20+$0x0] =	vst.idx.msk $0xffff, v40  }
0x1f2: {  	v48 =	vadd.s32 v4, v33;
	v40 =	vld [tilespmem:s25+$0xCA0];
	[tilespmem:v45+s20+$0x0] =	vst.idx.msk $0xffff, v42  }
0x1f3: {  	v49 =	vor.u32 v4, v32;
	v42 =	vld [tilespmem:s25+$0xC80];
	[tilespmem:v46+s20+$0x0] =	vst.idx.msk $0xffff, v35  }
0x1f4: {  	v50 =	vadd.s32 v15, v37;
	[tilespmem:v47+s20+$0x0] =	vst.idx.msk $0xffff, v38;
	v35 =	vld [tilespmem:s28+$0x2BF0]  }
0x1f5: {  	v51 =	vadd.s32 v15, v34;
	v38 =	vld [tilespmem:s28+$0x2BD0];
	_ =	sdelay $0x1  }
0x1f6: {  	[tilespmem:v48+s20+$0x0] =	vst.idx.msk $0xffff, v40  }
0x1f7: {  	v52 =	vadd.s32 v5, v33;
	v40 =	vld [tilespmem:s25+$0xCB0];
	[tilespmem:v49+s20+$0x0] =	vst.idx.msk $0xffff, v42  }
0x1f8: {  	v53 =	vadd.s32 v5, v32;
	v42 =	vld [tilespmem:s25+$0xC90];
	[tilespmem:v50+s20+$0x0] =	vst.idx.msk $0xffff, v35  }
0x1f9: {  	v54 =	vadd.s32 v16, v37;
	[tilespmem:v51+s20+$0x0] =	vst.idx.msk $0xffff, v38;
	v35 =	vld [tilespmem:s28+$0x3220]  }
0x1fa: {  	v55 =	vor.u32 v16, v34;
	v38 =	vld [tilespmem:s28+$0x3200];
	_ =	sdelay $0x1  }
0x1fb: {  	[tilespmem:v52+s20+$0x0] =	vst.idx.msk $0xffff, v40  }
0x1fc: {  	v56 =	vadd.s32 v6, v33;
	v40 =	vld [tilespmem:s25+$0x12E0];
	[tilespmem:v53+s20+$0x0] =	vst.idx.msk $0xffff, v42  }
0x1fd: {  	v57 =	vor.u32 v6, v32;
	v42 =	vld [tilespmem:s25+$0x12C0];
	[tilespmem:v54+s20+$0x0] =	vst.idx.msk $0xffff, v35  }
0x1fe: {  	v58 =	vadd.s32 v17, v37;
	[tilespmem:v55+s20+$0x0] =	vst.idx.msk $0xffff, v38;
	v35 =	vld [tilespmem:s28+$0x3230]  }
0x1ff: {  	v59 =	vadd.s32 v17, v34;
	v38 =	vld [tilespmem:s28+$0x3210];
	_ =	sdelay $0x1  }
0x200: {  	[tilespmem:v56+s20+$0x0] =	vst.idx.msk $0xffff, v40  }
0x201: {  	v60 =	vadd.s32 v7, v33;
	v40 =	vld [tilespmem:s25+$0x12F0];
	[tilespmem:v57+s20+$0x0] =	vst.idx.msk $0xffff, v42  }
0x202: {  	v61 =	vadd.s32 v7, v32;
	v42 =	vld [tilespmem:s25+$0x12D0];
	[tilespmem:v58+s20+$0x0] =	vst.idx.msk $0xffff, v35  }
0x203: {  	v62 =	vadd.s32 v18, v37;
	[tilespmem:v59+s20+$0x0] =	vst.idx.msk $0xffff, v38;
	v35 =	vld [tilespmem:s28+$0x3860]  }
0x204: {  	v63 =	vor.u32 v18, v34;
	v38 =	vld [tilespmem:s28+$0x3840];
	_ =	sdelay $0x1  }
0x205: {  	[tilespmem:v60+s20+$0x0] =	vst.idx.msk $0xffff, v40  }
0x206: {  	v45 =	vadd.s32 v8, v33;
	v40 =	vld [tilespmem:s25+$0x1920];
	[tilespmem:v61+s20+$0x0] =	vst.idx.msk $0xffff, v42  }
0x207: {  	v46 =	vor.u32 v8, v32;
	v42 =	vld [tilespmem:s25+$0x1900];
	[tilespmem:v62+s20+$0x0] =	vst.idx.msk $0xffff, v35  }
0x208: {  	v47 =	vadd.s32 v19, v37;
	[tilespmem:v63+s20+$0x0] =	vst.idx.msk $0xffff, v38;
	v35 =	vld [tilespmem:s28+$0x3870]  }
0x209: {  	v48 =	vadd.s32 v19, v34;
	v38 =	vld [tilespmem:s28+$0x3850];
	_ =	sdelay $0x1  }
0x20a: {  	[tilespmem:v45+s20+$0x0] =	vst.idx.msk $0xffff, v40  }
0x20b: {  	v49 =	vadd.s32 v9, v33;
	v40 =	vld [tilespmem:s25+$0x1930];
	[tilespmem:v46+s20+$0x0] =	vst.idx.msk $0xffff, v42  }
0x20c: {  	v50 =	vadd.s32 v9, v32;
	v42 =	vld [tilespmem:s25+$0x1910];
	[tilespmem:v47+s20+$0x0] =	vst.idx.msk $0xffff, v35  }
0x20d: {  	v51 =	vadd.s32 v20, v37;
	[tilespmem:v48+s20+$0x0] =	vst.idx.msk $0xffff, v38;
	v35 =	vld [tilespmem:s28+$0x3EA0]  }
0x20e: {  	v52 =	vor.u32 v20, v34;
	v38 =	vld [tilespmem:s28+$0x3E80]  }
0x20f: {  	s1 =	simm.s32 $0x5  }
0x210: {  	s31 =	simm.s32 $0x4;
	v44 =	vmov s1;
	[tilespmem:v49+s20+$0x0] =	vst.idx.msk $0xffff, v40  }
0x211: {  	v56 =	vadd.s32 v10, v33;
	v53 =	vmov s31;
	v54 =	vmul.u32 $0x300, v44;
	v55 =	vld [tilespmem:s25+$0x1F60];
	[tilespmem:v50+s20+$0x0] =	vst.idx.msk $0xffff, v42  }
0x212: {  	v45 =	vor.u32 v10, v32;
	v40 =	vmul.u32 $0x300, v53;
	v57 =	vld [tilespmem:s25+$0x1F40];
	[tilespmem:v51+s20+$0x0] =	vst.idx.msk $0xffff, v35  }
0x213: {  	v59 =	vadd.s32 v21, v37;
	[tilespmem:v52+s20+$0x0] =	vst.idx.msk $0xffff, v38;
	v35 =	vbroadcast v54, $0x0;
	v58 =	vld [tilespmem:s28+$0x3EB0]  }
0x214: {  	s29 =	simm.s32 $0x6AC0;
	v36 =	vbroadcast v40, $0x0;
	v61 =	vadd.s32 v21, v34;
	v60 =	vld [tilespmem:s28+$0x3E90]  }
0x215: {  	v46 =	vld [tilespmem:s29+$0x20];
	v47 =	vadd.s32 v0, v35  }
0x216: {  	v49 =	vor.u32 v0, v36;
	[tilespmem:v56+s20+$0x0] =	vst.idx.msk $0xffff, v55;
	v48 =	vld [tilespmem:s29+$0x0]  }
0x217: {  	v62 =	vadd.s32 v11, v33;
	v42 =	vld [tilespmem:s25+$0x1F70];
	[tilespmem:v45+s20+$0x0] =	vst.idx.msk $0xffff, v57  }
0x218: {  	v63 =	vadd.s32 v11, v32;
	v44 =	vld [tilespmem:s25+$0x1F50];
	[tilespmem:v59+s20+$0x0] =	vst.idx.msk $0xffff, v58  }
0x219: {  	v52 =	vadd.s32 v22, v37;
	[tilespmem:v61+s20+$0x0] =	vst.idx.msk $0xffff, v60;
	v38 =	vld [tilespmem:s28+$0x44E0]  }
0x21a: {  	v53 =	vor.u32 v22, v34;
	v40 =	vld [tilespmem:s28+$0x44C0];
	[tilespmem:v47+s20+$0x0] =	vst.idx.msk $0xffff, v46  }
0x21b: {  	[tilespmem:v49+s20+$0x0] =	vst.idx.msk $0xffff, v48;
	v54 =	vadd.s32 v1, v35;
	v46 =	vld [tilespmem:s29+$0x30]  }
0x21c: {  	v55 =	vadd.s32 v1, v36;
	v48 =	vld [tilespmem:s29+$0x10];
	[tilespmem:v62+s20+$0x0] =	vst.idx.msk $0xffff, v42  }
0x21d: {  	v56 =	vadd.s32 v12, v33;
	v42 =	vld [tilespmem:s25+$0x25A0];
	[tilespmem:v63+s20+$0x0] =	vst.idx.msk $0xffff, v44  }
0x21e: {  	v57 =	vor.u32 v12, v32;
	v44 =	vld [tilespmem:s25+$0x2580];
	[tilespmem:v52+s20+$0x0] =	vst.idx.msk $0xffff, v38  }
0x21f: {  	v58 =	vadd.s32 v23, v37;
	[tilespmem:v53+s20+$0x0] =	vst.idx.msk $0xffff, v40;
	v38 =	vld [tilespmem:s28+$0x44F0]  }
0x220: {  	v59 =	vadd.s32 v23, v34;
	v40 =	vld [tilespmem:s28+$0x44D0];
	[tilespmem:v54+s20+$0x0] =	vst.idx.msk $0xffff, v46  }
0x221: {  	[tilespmem:v55+s20+$0x0] =	vst.idx.msk $0xffff, v48;
	v60 =	vadd.s32 v2, v35;
	v46 =	vld [tilespmem:s29+$0x660]  }
0x222: {  	v48 =	vld [tilespmem:s29+$0x640];
	v61 =	vor.u32 v2, v36;
	[tilespmem:v56+s20+$0x0] =	vst.idx.msk $0xffff, v42  }
0x223: {  	v62 =	vadd.s32 v13, v33;
	v42 =	vld [tilespmem:s25+$0x25B0];
	[tilespmem:v57+s20+$0x0] =	vst.idx.msk $0xffff, v44  }
0x224: {  	v63 =	vadd.s32 v13, v32;
	v44 =	vld [tilespmem:s25+$0x2590];
	[tilespmem:v58+s20+$0x0] =	vst.idx.msk $0xffff, v38  }
0x225: {  	v52 =	vadd.s32 v24, v37;
	[tilespmem:v59+s20+$0x0] =	vst.idx.msk $0xffff, v40;
	v38 =	vld [tilespmem:s28+$0x4B20]  }
0x226: {  	v53 =	vor.u32 v24, v34;
	v40 =	vld [tilespmem:s28+$0x4B00];
	[tilespmem:v60+s20+$0x0] =	vst.idx.msk $0xffff, v46  }
0x227: {  	[tilespmem:v61+s20+$0x0] =	vst.idx.msk $0xffff, v48;
	v54 =	vadd.s32 v3, v35;
	v46 =	vld [tilespmem:s29+$0x670]  }
0x228: {  	v55 =	vadd.s32 v3, v36;
	v48 =	vld [tilespmem:s29+$0x650];
	[tilespmem:v62+s20+$0x0] =	vst.idx.msk $0xffff, v42  }
0x229: {  	v56 =	vadd.s32 v14, v33;
	v42 =	vld [tilespmem:s25+$0x2BE0];
	[tilespmem:v63+s20+$0x0] =	vst.idx.msk $0xffff, v44  }
0x22a: {  	v57 =	vor.u32 v14, v32;
	v44 =	vld [tilespmem:s25+$0x2BC0];
	[tilespmem:v52+s20+$0x0] =	vst.idx.msk $0xffff, v38  }
0x22b: {  	v58 =	vadd.s32 v25, v37;
	[tilespmem:v53+s20+$0x0] =	vst.idx.msk $0xffff, v40;
	v38 =	vld [tilespmem:s28+$0x4B30]  }
0x22c: {  	v59 =	vadd.s32 v25, v34;
	v40 =	vld [tilespmem:s28+$0x4B10];
	[tilespmem:v54+s20+$0x0] =	vst.idx.msk $0xffff, v46  }
0x22d: {  	[tilespmem:v55+s20+$0x0] =	vst.idx.msk $0xffff, v48;
	v60 =	vadd.s32 v4, v35;
	v46 =	vld [tilespmem:s29+$0xCA0]  }
0x22e: {  	v61 =	vor.u32 v4, v36;
	v48 =	vld [tilespmem:s29+$0xC80];
	[tilespmem:v56+s20+$0x0] =	vst.idx.msk $0xffff, v42  }
0x22f: {  	v62 =	vadd.s32 v15, v33;
	v42 =	vld [tilespmem:s25+$0x2BF0];
	[tilespmem:v57+s20+$0x0] =	vst.idx.msk $0xffff, v44  }
0x230: {  	v63 =	vadd.s32 v15, v32;
	v44 =	vld [tilespmem:s25+$0x2BD0];
	[tilespmem:v58+s20+$0x0] =	vst.idx.msk $0xffff, v38  }
0x231: {  	v52 =	vadd.s32 v26, v37;
	[tilespmem:v59+s20+$0x0] =	vst.idx.msk $0xffff, v40;
	v38 =	vld [tilespmem:s28+$0x5160]  }
0x232: {  	v53 =	vor.u32 v26, v34;
	v40 =	vld [tilespmem:s28+$0x5140];
	[tilespmem:v60+s20+$0x0] =	vst.idx.msk $0xffff, v46  }
0x233: {  	[tilespmem:v61+s20+$0x0] =	vst.idx.msk $0xffff, v48;
	v54 =	vadd.s32 v5, v35;
	v46 =	vld [tilespmem:s29+$0xCB0]  }
0x234: {  	v55 =	vadd.s32 v5, v36;
	v48 =	vld [tilespmem:s29+$0xC90];
	[tilespmem:v62+s20+$0x0] =	vst.idx.msk $0xffff, v42  }
0x235: {  	v56 =	vadd.s32 v16, v33;
	v42 =	vld [tilespmem:s25+$0x3220];
	[tilespmem:v63+s20+$0x0] =	vst.idx.msk $0xffff, v44  }
0x236: {  	v57 =	vor.u32 v16, v32;
	v44 =	vld [tilespmem:s25+$0x3200];
	[tilespmem:v52+s20+$0x0] =	vst.idx.msk $0xffff, v38  }
0x237: {  	v58 =	vadd.s32 v27, v37;
	[tilespmem:v53+s20+$0x0] =	vst.idx.msk $0xffff, v40;
	v38 =	vld [tilespmem:s28+$0x5170]  }
0x238: {  	v59 =	vadd.s32 v27, v34;
	v40 =	vld [tilespmem:s28+$0x5150];
	[tilespmem:v54+s20+$0x0] =	vst.idx.msk $0xffff, v46  }
0x239: {  	[tilespmem:v55+s20+$0x0] =	vst.idx.msk $0xffff, v48;
	v60 =	vadd.s32 v6, v35;
	v46 =	vld [tilespmem:s29+$0x12E0]  }
0x23a: {  	v61 =	vor.u32 v6, v36;
	v48 =	vld [tilespmem:s29+$0x12C0];
	[tilespmem:v56+s20+$0x0] =	vst.idx.msk $0xffff, v42  }
0x23b: {  	v62 =	vadd.s32 v17, v33;
	v42 =	vld [tilespmem:s25+$0x3230];
	[tilespmem:v57+s20+$0x0] =	vst.idx.msk $0xffff, v44  }
0x23c: {  	v63 =	vadd.s32 v17, v32;
	v44 =	vld [tilespmem:s25+$0x3210];
	[tilespmem:v58+s20+$0x0] =	vst.idx.msk $0xffff, v38  }
0x23d: {  	v52 =	vadd.s32 v28, v37;
	[tilespmem:v59+s20+$0x0] =	vst.idx.msk $0xffff, v40;
	v38 =	vld [tilespmem:s28+$0x57A0]  }
0x23e: {  	v53 =	vor.u32 v28, v34;
	v40 =	vld [tilespmem:s28+$0x5780];
	[tilespmem:v60+s20+$0x0] =	vst.idx.msk $0xffff, v46  }
0x23f: {  	[tilespmem:v61+s20+$0x0] =	vst.idx.msk $0xffff, v48;
	v54 =	vadd.s32 v7, v35;
	v46 =	vld [tilespmem:s29+$0x12F0]  }
0x240: {  	v55 =	vadd.s32 v7, v36;
	v48 =	vld [tilespmem:s29+$0x12D0];
	[tilespmem:v62+s20+$0x0] =	vst.idx.msk $0xffff, v42  }
0x241: {  	v56 =	vadd.s32 v18, v33;
	v42 =	vld [tilespmem:s25+$0x3860];
	[tilespmem:v63+s20+$0x0] =	vst.idx.msk $0xffff, v44  }
0x242: {  	v57 =	vor.u32 v18, v32;
	v44 =	vld [tilespmem:s25+$0x3840];
	[tilespmem:v52+s20+$0x0] =	vst.idx.msk $0xffff, v38  }
0x243: {  	v58 =	vadd.s32 v29, v37;
	[tilespmem:v53+s20+$0x0] =	vst.idx.msk $0xffff, v40;
	v38 =	vld [tilespmem:s28+$0x57B0]  }
0x244: {  	v59 =	vadd.s32 v29, v34;
	v40 =	vld [tilespmem:s28+$0x5790];
	[tilespmem:v54+s20+$0x0] =	vst.idx.msk $0xffff, v46  }
0x245: {  	[tilespmem:v55+s20+$0x0] =	vst.idx.msk $0xffff, v48;
	v60 =	vadd.s32 v8, v35;
	v46 =	vld [tilespmem:s29+$0x1920]  }
0x246: {  	v61 =	vor.u32 v8, v36;
	v48 =	vld [tilespmem:s29+$0x1900];
	[tilespmem:v56+s20+$0x0] =	vst.idx.msk $0xffff, v42  }
0x247: {  	v62 =	vadd.s32 v19, v33;
	v42 =	vld [tilespmem:s25+$0x3870];
	[tilespmem:v57+s20+$0x0] =	vst.idx.msk $0xffff, v44  }
0x248: {  	v50 =	vadd.s32 v19, v32;
	v44 =	vld [tilespmem:s25+$0x3850];
	[tilespmem:v58+s20+$0x0] =	vst.idx.msk $0xffff, v38  }
0x249: {  	v63 =	vadd.s32 v30, v37;
	[tilespmem:v59+s20+$0x0] =	vst.idx.msk $0xffff, v40;
	v38 =	vld [tilespmem:s28+$0x5DE0]  }
0x24a: {  	v51 =	vor.u32 v30, v34;
	v40 =	vld [tilespmem:s28+$0x5DC0];
	[tilespmem:v60+s20+$0x0] =	vst.idx.msk $0xffff, v46  }
0x24b: {  	[tilespmem:v61+s20+$0x0] =	vst.idx.msk $0xffff, v48;
	v48 =	vadd.s32 v9, v35;
	v47 =	vld [tilespmem:s29+$0x1930]  }
0x24c: {  	v45 =	vld [tilespmem:s29+$0x1910];
	[tilespmem:v62+s20+$0x0] =	vst.idx.msk $0xffff, v42;
	v46 =	vadd.s32 v9, v36  }
0x24d: {  	v43 =	vadd.s32 v20, v33;
	v41 =	vld [tilespmem:s25+$0x3EA0];
	[tilespmem:v50+s20+$0x0] =	vst.idx.msk $0xffff, v44  }
0x24e: {  	v44 =	vor.u32 v20, v32;
	v42 =	vld [tilespmem:s25+$0x3E80];
	[tilespmem:v63+s20+$0x0] =	vst.idx.msk $0xffff, v38  }
0x24f: {  	s30 =	simm.s32 $0x6;
	s0 =	simm.s32 $0x7;
	s1 =	simm.s32 $0x8;
	[tilespmem:v51+s20+$0x0] =	vst.idx.msk $0xffff, v40;
	v40 =	vadd.s32 v31, v37;
	v39 =	vld [tilespmem:s28+$0x5DF0]  }
.LBB2_11:
0x250: {  	p1 =	slt.u32 s1, $0x30;
	v37 =	vmov s0;
	[tilespmem:v48+s20+$0x0] =	vst.idx.msk $0xffff, v47;
	v38 =	vld [tilespmem:s28+$0x5DD0];
	v47 =	vadd.s32 v31, v34;
	v34 =	vmovc v32;
	v32 =	vmov v36;
	s28 =	smov.u32 s25;
	s25 =	smov.u32 s29  }
0x251: {  	v36 =	vmov s30;
	s30 =	smov.u32 s1;
	v37 =	vmul.u32 $0x300, v37;
	[tilespmem:v46+s20+$0x0] =	vst.idx.msk $0xffff, v45;
	v45 =	vld [tilespmem:s29+$0x1F60];
	v46 =	vadd.s32 v10, v35  }
0x252: {  	v36 =	vmul.u32 $0x300, v36;
	v49 =	vor.u32 v10, v32;
	v48 =	vld [tilespmem:s29+$0x1F40];
	[tilespmem:v43+s20+$0x0] =	vst.idx.msk $0xffff, v41  }
0x253: {  	v37 =	vbroadcast v37, $0x0;
	[tilespmem:v44+s20+$0x0] =	vst.idx.msk $0xffff, v42;
	v41 =	vld [tilespmem:s28+$0x3EB0];
	v42 =	vadd.s32 v21, v33  }
0x254: {  	s29 =	sadd.s32 $0x40, s29;
	v36 =	vbroadcast v36, $0x0;
	v44 =	vadd.s32 v21, v34;
	v43 =	vld [tilespmem:s28+$0x3E90];
	[tilespmem:v40+s20+$0x0] =	vst.idx.msk $0xffff, v39  }
0x255: {  	v39 =	vld [tilespmem:s29+$0x20];
	v40 =	vadd.s32 v0, v37;
	[tilespmem:v47+s20+$0x0] =	vst.idx.msk $0xffff, v38  }
0x256: {  	v47 =	vor.u32 v0, v36;
	v38 =	vld [tilespmem:s29+$0x0];
	[tilespmem:v46+s20+$0x0] =	vst.idx.msk $0xffff, v45  }
0x257: {  	v46 =	vadd.s32 v11, v35;
	[tilespmem:v49+s20+$0x0] =	vst.idx.msk $0xffff, v48;
	v45 =	vld [tilespmem:s25+$0x1F70]  }
0x258: {  	v49 =	vadd.s32 v11, v32;
	v48 =	vld [tilespmem:s25+$0x1F50];
	[tilespmem:v42+s20+$0x0] =	vst.idx.msk $0xffff, v41  }
0x259: {  	v42 =	vadd.s32 v22, v33;
	[tilespmem:v44+s20+$0x0] =	vst.idx.msk $0xffff, v43;
	v41 =	vld [tilespmem:s28+$0x44E0]  }
0x25a: {  	[tilespmem:v40+s20+$0x0] =	vst.idx.msk $0xffff, v39;
	v39 =	vld [tilespmem:s28+$0x44C0];
	v40 =	vor.u32 v22, v34  }
0x25b: {  	v43 =	vadd.s32 v1, v37;
	[tilespmem:v47+s20+$0x0] =	vst.idx.msk $0xffff, v38;
	v38 =	vld [tilespmem:s29+$0x30]  }
0x25c: {  	v47 =	vadd.s32 v1, v36;
	v44 =	vld [tilespmem:s29+$0x10];
	[tilespmem:v46+s20+$0x0] =	vst.idx.msk $0xffff, v45  }
0x25d: {  	v46 =	vadd.s32 v12, v35;
	[tilespmem:v49+s20+$0x0] =	vst.idx.msk $0xffff, v48;
	v45 =	vld [tilespmem:s25+$0x25A0]  }
0x25e: {  	v49 =	vor.u32 v12, v32;
	v48 =	vld [tilespmem:s25+$0x2580];
	[tilespmem:v42+s20+$0x0] =	vst.idx.msk $0xffff, v41  }
0x25f: {  	[tilespmem:v40+s20+$0x0] =	vst.idx.msk $0xffff, v39;
	v39 =	vld [tilespmem:s28+$0x44F0];
	v40 =	vadd.s32 v23, v33  }
0x260: {  	v41 =	vadd.s32 v23, v34;
	[tilespmem:v43+s20+$0x0] =	vst.idx.msk $0xffff, v38;
	v38 =	vld [tilespmem:s28+$0x44D0]  }
0x261: {  	v43 =	vadd.s32 v2, v37;
	[tilespmem:v47+s20+$0x0] =	vst.idx.msk $0xffff, v44;
	v42 =	vld [tilespmem:s29+$0x660]  }
0x262: {  	v47 =	vor.u32 v2, v36;
	v44 =	vld [tilespmem:s29+$0x640];
	[tilespmem:v46+s20+$0x0] =	vst.idx.msk $0xffff, v45  }
0x263: {  	v46 =	vadd.s32 v13, v35;
	[tilespmem:v49+s20+$0x0] =	vst.idx.msk $0xffff, v48;
	v45 =	vld [tilespmem:s25+$0x25B0]  }
0x264: {  	v49 =	vadd.s32 v13, v32;
	v48 =	vld [tilespmem:s25+$0x2590];
	[tilespmem:v40+s20+$0x0] =	vst.idx.msk $0xffff, v39  }
0x265: {  	v39 =	vadd.s32 v24, v33;
	[tilespmem:v41+s20+$0x0] =	vst.idx.msk $0xffff, v38;
	v38 =	vld [tilespmem:s28+$0x4B20]  }
0x266: {  	v41 =	vor.u32 v24, v34;
	[tilespmem:v43+s20+$0x0] =	vst.idx.msk $0xffff, v42;
	v40 =	vld [tilespmem:s28+$0x4B00]  }
0x267: {  	v43 =	vadd.s32 v3, v37;
	[tilespmem:v47+s20+$0x0] =	vst.idx.msk $0xffff, v44;
	v42 =	vld [tilespmem:s29+$0x670]  }
0x268: {  	v47 =	vadd.s32 v3, v36;
	v44 =	vld [tilespmem:s29+$0x650];
	[tilespmem:v46+s20+$0x0] =	vst.idx.msk $0xffff, v45  }
0x269: {  	v46 =	vadd.s32 v14, v35;
	[tilespmem:v49+s20+$0x0] =	vst.idx.msk $0xffff, v48;
	v45 =	vld [tilespmem:s25+$0x2BE0]  }
0x26a: {  	v49 =	vor.u32 v14, v32;
	v48 =	vld [tilespmem:s25+$0x2BC0];
	[tilespmem:v39+s20+$0x0] =	vst.idx.msk $0xffff, v38  }
0x26b: {  	v39 =	vadd.s32 v25, v33;
	[tilespmem:v41+s20+$0x0] =	vst.idx.msk $0xffff, v40;
	v38 =	vld [tilespmem:s28+$0x4B30]  }
0x26c: {  	v41 =	vadd.s32 v25, v34;
	[tilespmem:v43+s20+$0x0] =	vst.idx.msk $0xffff, v42;
	v40 =	vld [tilespmem:s28+$0x4B10]  }
0x26d: {  	v43 =	vadd.s32 v4, v37;
	[tilespmem:v47+s20+$0x0] =	vst.idx.msk $0xffff, v44;
	v42 =	vld [tilespmem:s29+$0xCA0]  }
0x26e: {  	v47 =	vor.u32 v4, v36;
	v44 =	vld [tilespmem:s29+$0xC80];
	[tilespmem:v46+s20+$0x0] =	vst.idx.msk $0xffff, v45  }
0x26f: {  	v46 =	vadd.s32 v15, v35;
	[tilespmem:v49+s20+$0x0] =	vst.idx.msk $0xffff, v48;
	v45 =	vld [tilespmem:s25+$0x2BF0]  }
0x270: {  	v49 =	vadd.s32 v15, v32;
	v48 =	vld [tilespmem:s25+$0x2BD0];
	[tilespmem:v39+s20+$0x0] =	vst.idx.msk $0xffff, v38  }
0x271: {  	v39 =	vadd.s32 v26, v33;
	[tilespmem:v41+s20+$0x0] =	vst.idx.msk $0xffff, v40;
	v38 =	vld [tilespmem:s28+$0x5160]  }
0x272: {  	v41 =	vor.u32 v26, v34;
	[tilespmem:v43+s20+$0x0] =	vst.idx.msk $0xffff, v42;
	v40 =	vld [tilespmem:s28+$0x5140]  }
0x273: {  	v43 =	vadd.s32 v5, v37;
	[tilespmem:v47+s20+$0x0] =	vst.idx.msk $0xffff, v44;
	v42 =	vld [tilespmem:s29+$0xCB0]  }
0x274: {  	v47 =	vadd.s32 v5, v36;
	v44 =	vld [tilespmem:s29+$0xC90];
	[tilespmem:v46+s20+$0x0] =	vst.idx.msk $0xffff, v45  }
0x275: {  	v46 =	vadd.s32 v16, v35;
	[tilespmem:v49+s20+$0x0] =	vst.idx.msk $0xffff, v48;
	v45 =	vld [tilespmem:s25+$0x3220]  }
0x276: {  	v49 =	vor.u32 v16, v32;
	v48 =	vld [tilespmem:s25+$0x3200];
	[tilespmem:v39+s20+$0x0] =	vst.idx.msk $0xffff, v38  }
0x277: {  	v39 =	vadd.s32 v27, v33;
	[tilespmem:v41+s20+$0x0] =	vst.idx.msk $0xffff, v40;
	v38 =	vld [tilespmem:s28+$0x5170]  }
0x278: {  	v41 =	vadd.s32 v27, v34;
	[tilespmem:v43+s20+$0x0] =	vst.idx.msk $0xffff, v42;
	v40 =	vld [tilespmem:s28+$0x5150]  }
0x279: {  	v43 =	vadd.s32 v6, v37;
	[tilespmem:v47+s20+$0x0] =	vst.idx.msk $0xffff, v44;
	v42 =	vld [tilespmem:s29+$0x12E0]  }
0x27a: {  	v47 =	vor.u32 v6, v36;
	v44 =	vld [tilespmem:s29+$0x12C0];
	[tilespmem:v46+s20+$0x0] =	vst.idx.msk $0xffff, v45  }
0x27b: {  	v46 =	vadd.s32 v17, v35;
	[tilespmem:v49+s20+$0x0] =	vst.idx.msk $0xffff, v48;
	v45 =	vld [tilespmem:s25+$0x3230]  }
0x27c: {  	v49 =	vadd.s32 v17, v32;
	v48 =	vld [tilespmem:s25+$0x3210];
	[tilespmem:v39+s20+$0x0] =	vst.idx.msk $0xffff, v38  }
0x27d: {  	v39 =	vadd.s32 v28, v33;
	[tilespmem:v41+s20+$0x0] =	vst.idx.msk $0xffff, v40;
	v38 =	vld [tilespmem:s28+$0x57A0]  }
0x27e: {  	v41 =	vor.u32 v28, v34;
	[tilespmem:v43+s20+$0x0] =	vst.idx.msk $0xffff, v42;
	v40 =	vld [tilespmem:s28+$0x5780]  }
0x27f: {  	v43 =	vadd.s32 v7, v37;
	[tilespmem:v47+s20+$0x0] =	vst.idx.msk $0xffff, v44;
	v42 =	vld [tilespmem:s29+$0x12F0]  }
0x280: {  	v47 =	vadd.s32 v7, v36;
	v44 =	vld [tilespmem:s29+$0x12D0];
	[tilespmem:v46+s20+$0x0] =	vst.idx.msk $0xffff, v45  }
0x281: {  	v46 =	vadd.s32 v18, v35;
	[tilespmem:v49+s20+$0x0] =	vst.idx.msk $0xffff, v48;
	v45 =	vld [tilespmem:s25+$0x3860]  }
0x282: {  	v49 =	vor.u32 v18, v32;
	v48 =	vld [tilespmem:s25+$0x3840];
	[tilespmem:v39+s20+$0x0] =	vst.idx.msk $0xffff, v38  }
0x283: {  	v39 =	vadd.s32 v29, v33;
	[tilespmem:v41+s20+$0x0] =	vst.idx.msk $0xffff, v40;
	v38 =	vld [tilespmem:s28+$0x57B0]  }
0x284: {  	v41 =	vadd.s32 v29, v34;
	[tilespmem:v43+s20+$0x0] =	vst.idx.msk $0xffff, v42;
	v40 =	vld [tilespmem:s28+$0x5790]  }
0x285: {  	v43 =	vadd.s32 v8, v37;
	[tilespmem:v47+s20+$0x0] =	vst.idx.msk $0xffff, v44;
	v42 =	vld [tilespmem:s29+$0x1920]  }
0x286: {  	v47 =	vor.u32 v8, v36;
	v44 =	vld [tilespmem:s29+$0x1900];
	[tilespmem:v46+s20+$0x0] =	vst.idx.msk $0xffff, v45  }
0x287: {  	v50 =	vadd.s32 v19, v35;
	[tilespmem:v49+s20+$0x0] =	vst.idx.msk $0xffff, v48;
	v49 =	vld [tilespmem:s25+$0x3870]  }
0x288: {  	v52 =	vadd.s32 v19, v32;
	v51 =	vld [tilespmem:s25+$0x3850];
	[tilespmem:v39+s20+$0x0] =	vst.idx.msk $0xffff, v38  }
0x289: {  	v39 =	vadd.s32 v30, v33;
	[tilespmem:v41+s20+$0x0] =	vst.idx.msk $0xffff, v40;
	v38 =	vld [tilespmem:s28+$0x5DE0]  }
0x28a: {  	v53 =	vor.u32 v30, v34;
	[tilespmem:v43+s20+$0x0] =	vst.idx.msk $0xffff, v42;
	v40 =	vld [tilespmem:s28+$0x5DC0]  }
.Ltmp4:
0x28b: {  	v48 =	vadd.s32 v9, v37;
	[tilespmem:v47+s20+$0x0] =	vst.idx.msk $0xffff, v44;
	v47 =	vld [tilespmem:s29+$0x1930];
	(pc) =	sbr.rel @p1 .LBB2_11-.Ltmp4, $4  }
0x28c: {  	v46 =	vadd.s32 v9, v36;
	v45 =	vld [tilespmem:s29+$0x1910];
	[tilespmem:v50+s20+$0x0] =	vst.idx.msk $0xffff, v49  }
0x28d: {  	v43 =	vadd.s32 v20, v35;
	[tilespmem:v52+s20+$0x0] =	vst.idx.msk $0xffff, v51;
	v41 =	vld [tilespmem:s25+$0x3EA0]  }
0x28e: {  	v44 =	vor.u32 v20, v32;
	v42 =	vld [tilespmem:s25+$0x3E80];
	[tilespmem:v39+s20+$0x0] =	vst.idx.msk $0xffff, v38  }
0x28f: {  	s1 =	sadd.s32 $0x2, s1;
	s0 =	sadd.s32 $0x1, s30;
	[tilespmem:v53+s20+$0x0] =	vst.idx.msk $0xffff, v40;
	v39 =	vld [tilespmem:s28+$0x5DF0];
	v40 =	vadd.s32 v31, v33;
	v33 =	vmov v35;
	v35 =	vmov v37  }
0x290: {  	v37 =	vmov s0  }
0x291: {  	v38 =	vmov s30;
	v37 =	vmul.u32 $0x300, v37  }
0x292: {  	v49 =	vmul.u32 $0x300, v38  }
0x293: {  	v38 =	vbroadcast v37, $0x0  }
0x294: {  	s1 =	sadd.s32 $0x40, s29;
	v37 =	vbroadcast v49, $0x0  }
0x295: {  	v60 =	vld [tilespmem:s1+$0x20];
	v50 =	vadd.s32 v0, v38  }
0x296: {  	v51 =	vld [tilespmem:s1+$0x0];
	v52 =	vor.u32 v0, v37;
	_ =	sdelay $0x3  }
0x297: {  	[tilespmem:v50+s20+$0x0] =	vst.idx.msk $0xffff, v60  }
0x298: {  	v61 =	vadd.s32 v1, v38;
	[tilespmem:v52+s20+$0x0] =	vst.idx.msk $0xffff, v51;
	v49 =	vld [tilespmem:s1+$0x30]  }
0x299: {  	v62 =	vadd.s32 v1, v37;
	v51 =	vld [tilespmem:s1+$0x10];
	_ =	sdelay $0x3  }
0x29a: {  	[tilespmem:v61+s20+$0x0] =	vst.idx.msk $0xffff, v49  }
0x29b: {  	v63 =	vadd.s32 v2, v38;
	[tilespmem:v62+s20+$0x0] =	vst.idx.msk $0xffff, v51;
	v49 =	vld [tilespmem:s1+$0x660]  }
0x29c: {  	v56 =	vor.u32 v2, v37;
	v51 =	vld [tilespmem:s1+$0x640];
	_ =	sdelay $0x3  }
0x29d: {  	[tilespmem:v63+s20+$0x0] =	vst.idx.msk $0xffff, v49  }
0x29e: {  	v57 =	vadd.s32 v3, v38;
	[tilespmem:v56+s20+$0x0] =	vst.idx.msk $0xffff, v51;
	v49 =	vld [tilespmem:s1+$0x670]  }
0x29f: {  	v58 =	vadd.s32 v3, v37;
	v51 =	vld [tilespmem:s1+$0x650];
	_ =	sdelay $0x3  }
0x2a0: {  	[tilespmem:v57+s20+$0x0] =	vst.idx.msk $0xffff, v49  }
0x2a1: {  	v59 =	vadd.s32 v4, v38;
	[tilespmem:v58+s20+$0x0] =	vst.idx.msk $0xffff, v51;
	v49 =	vld [tilespmem:s1+$0xCA0]  }
0x2a2: {  	v60 =	vor.u32 v4, v37;
	v51 =	vld [tilespmem:s1+$0xC80];
	_ =	sdelay $0x3  }
0x2a3: {  	[tilespmem:v59+s20+$0x0] =	vst.idx.msk $0xffff, v49  }
0x2a4: {  	v61 =	vadd.s32 v5, v38;
	[tilespmem:v60+s20+$0x0] =	vst.idx.msk $0xffff, v51;
	v49 =	vld [tilespmem:s1+$0xCB0]  }
0x2a5: {  	v62 =	vadd.s32 v5, v37;
	v51 =	vld [tilespmem:s1+$0xC90];
	_ =	sdelay $0x3  }
0x2a6: {  	[tilespmem:v61+s20+$0x0] =	vst.idx.msk $0xffff, v49  }
0x2a7: {  	v63 =	vadd.s32 v6, v38;
	[tilespmem:v62+s20+$0x0] =	vst.idx.msk $0xffff, v51;
	v49 =	vld [tilespmem:s1+$0x12E0]  }
0x2a8: {  	v56 =	vor.u32 v6, v37;
	v51 =	vld [tilespmem:s1+$0x12C0];
	_ =	sdelay $0x3  }
0x2a9: {  	[tilespmem:v63+s20+$0x0] =	vst.idx.msk $0xffff, v49  }
0x2aa: {  	v57 =	vadd.s32 v7, v38;
	[tilespmem:v56+s20+$0x0] =	vst.idx.msk $0xffff, v51;
	v49 =	vld [tilespmem:s1+$0x12F0]  }
0x2ab: {  	v58 =	vadd.s32 v7, v37;
	v51 =	vld [tilespmem:s1+$0x12D0];
	_ =	sdelay $0x3  }
0x2ac: {  	[tilespmem:v57+s20+$0x0] =	vst.idx.msk $0xffff, v49  }
0x2ad: {  	v59 =	vadd.s32 v8, v38;
	[tilespmem:v58+s20+$0x0] =	vst.idx.msk $0xffff, v51;
	v49 =	vld [tilespmem:s1+$0x1920]  }
0x2ae: {  	v60 =	vor.u32 v8, v37;
	v51 =	vld [tilespmem:s1+$0x1900];
	_ =	sdelay $0x3  }
0x2af: {  	[tilespmem:v59+s20+$0x0] =	vst.idx.msk $0xffff, v49  }
0x2b0: {  	v61 =	vadd.s32 v9, v38;
	[tilespmem:v60+s20+$0x0] =	vst.idx.msk $0xffff, v51;
	v49 =	vld [tilespmem:s1+$0x1930]  }
0x2b1: {  	v62 =	vadd.s32 v9, v37;
	v51 =	vld [tilespmem:s1+$0x1910];
	_ =	sdelay $0x1  }
0x2b2: {  	[tilespmem:v48+s20+$0x0] =	vst.idx.msk $0xffff, v47  }
0x2b3: {  	[tilespmem:v46+s20+$0x0] =	vst.idx.msk $0xffff, v45;
	v63 =	vld [tilespmem:s29+$0x1F60];
	v56 =	vadd.s32 v10, v35  }
0x2b4: {  	v57 =	vld [tilespmem:s29+$0x1F40];
	v58 =	vor.u32 v10, v36;
	[tilespmem:v61+s20+$0x0] =	vst.idx.msk $0xffff, v49  }
0x2b5: {  	v59 =	vadd.s32 v10, v38;
	[tilespmem:v62+s20+$0x0] =	vst.idx.msk $0xffff, v51;
	v49 =	vld [tilespmem:s1+$0x1F60]  }
0x2b6: {  	v60 =	vor.u32 v10, v37;
	v51 =	vld [tilespmem:s1+$0x1F40];
	_ =	sdelay $0x1  }
0x2b7: {  	[tilespmem:v56+s20+$0x0] =	vst.idx.msk $0xffff, v63  }
0x2b8: {  	v45 =	vld [tilespmem:s29+$0x1F70];
	[tilespmem:v58+s20+$0x0] =	vst.idx.msk $0xffff, v57;
	v61 =	vadd.s32 v11, v35  }
0x2b9: {  	v47 =	vld [tilespmem:s29+$0x1F50];
	v62 =	vadd.s32 v11, v36;
	[tilespmem:v59+s20+$0x0] =	vst.idx.msk $0xffff, v49  }
0x2ba: {  	v63 =	vadd.s32 v11, v38;
	[tilespmem:v60+s20+$0x0] =	vst.idx.msk $0xffff, v51;
	v49 =	vld [tilespmem:s1+$0x1F70]  }
0x2bb: {  	v56 =	vadd.s32 v11, v37;
	v51 =	vld [tilespmem:s1+$0x1F50];
	_ =	sdelay $0x1  }
0x2bc: {  	[tilespmem:v61+s20+$0x0] =	vst.idx.msk $0xffff, v45  }
0x2bd: {  	v57 =	vadd.s32 v12, v35;
	[tilespmem:v62+s20+$0x0] =	vst.idx.msk $0xffff, v47;
	v45 =	vld [tilespmem:s29+$0x25A0]  }
0x2be: {  	v58 =	vor.u32 v12, v36;
	v47 =	vld [tilespmem:s29+$0x2580];
	[tilespmem:v63+s20+$0x0] =	vst.idx.msk $0xffff, v49  }
0x2bf: {  	v59 =	vadd.s32 v12, v38;
	[tilespmem:v56+s20+$0x0] =	vst.idx.msk $0xffff, v51;
	v49 =	vld [tilespmem:s1+$0x25A0]  }
0x2c0: {  	v60 =	vor.u32 v12, v37;
	v51 =	vld [tilespmem:s1+$0x2580];
	_ =	sdelay $0x1  }
0x2c1: {  	[tilespmem:v57+s20+$0x0] =	vst.idx.msk $0xffff, v45  }
0x2c2: {  	v61 =	vadd.s32 v13, v35;
	[tilespmem:v58+s20+$0x0] =	vst.idx.msk $0xffff, v47;
	v45 =	vld [tilespmem:s29+$0x25B0]  }
0x2c3: {  	v62 =	vadd.s32 v13, v36;
	v47 =	vld [tilespmem:s29+$0x2590];
	[tilespmem:v59+s20+$0x0] =	vst.idx.msk $0xffff, v49  }
0x2c4: {  	v63 =	vadd.s32 v13, v38;
	[tilespmem:v60+s20+$0x0] =	vst.idx.msk $0xffff, v51;
	v49 =	vld [tilespmem:s1+$0x25B0]  }
0x2c5: {  	v56 =	vadd.s32 v13, v37;
	v51 =	vld [tilespmem:s1+$0x2590];
	_ =	sdelay $0x1  }
0x2c6: {  	[tilespmem:v61+s20+$0x0] =	vst.idx.msk $0xffff, v45  }
0x2c7: {  	v57 =	vadd.s32 v14, v35;
	[tilespmem:v62+s20+$0x0] =	vst.idx.msk $0xffff, v47;
	v45 =	vld [tilespmem:s29+$0x2BE0]  }
0x2c8: {  	v58 =	vor.u32 v14, v36;
	v47 =	vld [tilespmem:s29+$0x2BC0];
	[tilespmem:v63+s20+$0x0] =	vst.idx.msk $0xffff, v49  }
0x2c9: {  	v59 =	vadd.s32 v14, v38;
	[tilespmem:v56+s20+$0x0] =	vst.idx.msk $0xffff, v51;
	v49 =	vld [tilespmem:s1+$0x2BE0]  }
0x2ca: {  	v60 =	vor.u32 v14, v37;
	v51 =	vld [tilespmem:s1+$0x2BC0];
	_ =	sdelay $0x1  }
0x2cb: {  	[tilespmem:v57+s20+$0x0] =	vst.idx.msk $0xffff, v45  }
0x2cc: {  	v61 =	vadd.s32 v15, v35;
	[tilespmem:v58+s20+$0x0] =	vst.idx.msk $0xffff, v47;
	v45 =	vld [tilespmem:s29+$0x2BF0]  }
0x2cd: {  	v62 =	vadd.s32 v15, v36;
	v47 =	vld [tilespmem:s29+$0x2BD0];
	[tilespmem:v59+s20+$0x0] =	vst.idx.msk $0xffff, v49  }
0x2ce: {  	v63 =	vadd.s32 v15, v38;
	[tilespmem:v60+s20+$0x0] =	vst.idx.msk $0xffff, v51;
	v49 =	vld [tilespmem:s1+$0x2BF0]  }
0x2cf: {  	v56 =	vadd.s32 v15, v37;
	v51 =	vld [tilespmem:s1+$0x2BD0];
	_ =	sdelay $0x1  }
0x2d0: {  	[tilespmem:v61+s20+$0x0] =	vst.idx.msk $0xffff, v45  }
0x2d1: {  	v57 =	vadd.s32 v16, v35;
	[tilespmem:v62+s20+$0x0] =	vst.idx.msk $0xffff, v47;
	v45 =	vld [tilespmem:s29+$0x3220]  }
0x2d2: {  	v58 =	vor.u32 v16, v36;
	v47 =	vld [tilespmem:s29+$0x3200];
	[tilespmem:v63+s20+$0x0] =	vst.idx.msk $0xffff, v49  }
0x2d3: {  	v59 =	vadd.s32 v16, v38;
	[tilespmem:v56+s20+$0x0] =	vst.idx.msk $0xffff, v51;
	v49 =	vld [tilespmem:s1+$0x3220]  }
0x2d4: {  	v60 =	vor.u32 v16, v37;
	v51 =	vld [tilespmem:s1+$0x3200];
	_ =	sdelay $0x1  }
0x2d5: {  	[tilespmem:v57+s20+$0x0] =	vst.idx.msk $0xffff, v45  }
0x2d6: {  	v61 =	vadd.s32 v17, v35;
	[tilespmem:v58+s20+$0x0] =	vst.idx.msk $0xffff, v47;
	v45 =	vld [tilespmem:s29+$0x3230]  }
0x2d7: {  	v62 =	vadd.s32 v17, v36;
	v47 =	vld [tilespmem:s29+$0x3210];
	[tilespmem:v59+s20+$0x0] =	vst.idx.msk $0xffff, v49  }
0x2d8: {  	v63 =	vadd.s32 v17, v38;
	[tilespmem:v60+s20+$0x0] =	vst.idx.msk $0xffff, v51;
	v49 =	vld [tilespmem:s1+$0x3230]  }
0x2d9: {  	v56 =	vadd.s32 v17, v37;
	v51 =	vld [tilespmem:s1+$0x3210];
	_ =	sdelay $0x1  }
0x2da: {  	[tilespmem:v61+s20+$0x0] =	vst.idx.msk $0xffff, v45  }
0x2db: {  	v57 =	vadd.s32 v18, v35;
	[tilespmem:v62+s20+$0x0] =	vst.idx.msk $0xffff, v47;
	v45 =	vld [tilespmem:s29+$0x3860]  }
0x2dc: {  	v58 =	vor.u32 v18, v36;
	v47 =	vld [tilespmem:s29+$0x3840];
	[tilespmem:v63+s20+$0x0] =	vst.idx.msk $0xffff, v49  }
0x2dd: {  	v59 =	vadd.s32 v18, v38;
	[tilespmem:v56+s20+$0x0] =	vst.idx.msk $0xffff, v51;
	v49 =	vld [tilespmem:s1+$0x3860]  }
0x2de: {  	v60 =	vor.u32 v18, v37;
	v51 =	vld [tilespmem:s1+$0x3840];
	_ =	sdelay $0x1  }
0x2df: {  	[tilespmem:v57+s20+$0x0] =	vst.idx.msk $0xffff, v45  }
0x2e0: {  	v61 =	vadd.s32 v19, v35;
	[tilespmem:v58+s20+$0x0] =	vst.idx.msk $0xffff, v47;
	v45 =	vld [tilespmem:s29+$0x3870]  }
0x2e1: {  	v62 =	vadd.s32 v19, v36;
	v47 =	vld [tilespmem:s29+$0x3850];
	[tilespmem:v59+s20+$0x0] =	vst.idx.msk $0xffff, v49  }
0x2e2: {  	v63 =	vadd.s32 v19, v38;
	[tilespmem:v60+s20+$0x0] =	vst.idx.msk $0xffff, v51;
	v49 =	vld [tilespmem:s1+$0x3870]  }
0x2e3: {  	[tilespmem:v43+s20+$0x0] =	vst.idx.msk $0xffff, v41;
	v52 =	vadd.s32 v19, v37;
	v51 =	vld [tilespmem:s1+$0x3850]  }
0x2e4: {  	[tilespmem:v44+s20+$0x0] =	vst.idx.msk $0xffff, v42  }
0x2e5: {  	v53 =	vld [tilespmem:s28+$0x5DD0];
	v34 =	vadd.s32 v31, v34;
	[tilespmem:v61+s20+$0x0] =	vst.idx.msk $0xffff, v45  }
0x2e6: {  	v55 =	vadd.s32 v20, v35;
	[tilespmem:v62+s20+$0x0] =	vst.idx.msk $0xffff, v47;
	v54 =	vld [tilespmem:s29+$0x3EA0]  }
0x2e7: {  	v57 =	vor.u32 v20, v36;
	v56 =	vld [tilespmem:s29+$0x3E80];
	[tilespmem:v63+s20+$0x0] =	vst.idx.msk $0xffff, v49  }
0x2e8: {  	v59 =	vadd.s32 v20, v38;
	[tilespmem:v52+s20+$0x0] =	vst.idx.msk $0xffff, v51;
	v58 =	vld [tilespmem:s1+$0x3EA0]  }
0x2e9: {  	[tilespmem:v40+s20+$0x0] =	vst.idx.msk $0xffff, v39;
	v61 =	vor.u32 v20, v37;
	v60 =	vld [tilespmem:s1+$0x3E80]  }
0x2ea: {  	[tilespmem:v34+s20+$0x0] =	vst.idx.msk $0xffff, v53;
	v62 =	vld [tilespmem:s25+$0x3EB0];
	v63 =	vadd.s32 v21, v33  }
0x2eb: {  	v50 =	vld [tilespmem:s25+$0x3E90];
	[tilespmem:v55+s20+$0x0] =	vst.idx.msk $0xffff, v54;
	v51 =	vadd.s32 v21, v32  }
0x2ec: {  	[tilespmem:v57+s20+$0x0] =	vst.idx.msk $0xffff, v56;
	v44 =	vld [tilespmem:s29+$0x3EB0];
	v52 =	vadd.s32 v21, v35  }
0x2ed: {  	v53 =	vadd.s32 v21, v36;
	v46 =	vld [tilespmem:s29+$0x3E90];
	[tilespmem:v59+s20+$0x0] =	vst.idx.msk $0xffff, v58  }
0x2ee: {  	v55 =	vadd.s32 v21, v38;
	[tilespmem:v61+s20+$0x0] =	vst.idx.msk $0xffff, v60;
	v54 =	vld [tilespmem:s1+$0x3EB0]  }
0x2ef: {  	v57 =	vadd.s32 v21, v37;
	[tilespmem:v63+s20+$0x0] =	vst.idx.msk $0xffff, v62;
	v56 =	vld [tilespmem:s1+$0x3E90]  }
0x2f0: {  	[tilespmem:v51+s20+$0x0] =	vst.idx.msk $0xffff, v50;
	v58 =	vld [tilespmem:s25+$0x44E0];
	v59 =	vadd.s32 v22, v33  }
0x2f1: {  	[tilespmem:v52+s20+$0x0] =	vst.idx.msk $0xffff, v44;
	v60 =	vld [tilespmem:s25+$0x44C0];
	v61 =	vor.u32 v22, v32  }
0x2f2: {  	[tilespmem:v53+s20+$0x0] =	vst.idx.msk $0xffff, v46;
	v62 =	vadd.s32 v22, v35;
	v44 =	vld [tilespmem:s29+$0x44E0]  }
0x2f3: {  	v63 =	vor.u32 v22, v36;
	v46 =	vld [tilespmem:s29+$0x44C0];
	[tilespmem:v55+s20+$0x0] =	vst.idx.msk $0xffff, v54  }
0x2f4: {  	v52 =	vadd.s32 v22, v38;
	[tilespmem:v57+s20+$0x0] =	vst.idx.msk $0xffff, v56;
	v39 =	vld [tilespmem:s1+$0x44E0]  }
0x2f5: {  	[tilespmem:v59+s20+$0x0] =	vst.idx.msk $0xffff, v58;
	v54 =	vor.u32 v22, v37;
	v53 =	vld [tilespmem:s1+$0x44C0]  }
0x2f6: {  	[tilespmem:v61+s20+$0x0] =	vst.idx.msk $0xffff, v60;
	v42 =	vld [tilespmem:s25+$0x44F0];
	v55 =	vadd.s32 v23, v33  }
0x2f7: {  	[tilespmem:v62+s20+$0x0] =	vst.idx.msk $0xffff, v44;
	v48 =	vld [tilespmem:s25+$0x44D0];
	v56 =	vadd.s32 v23, v32  }
0x2f8: {  	[tilespmem:v63+s20+$0x0] =	vst.idx.msk $0xffff, v46;
	v44 =	vld [tilespmem:s29+$0x44F0];
	v57 =	vadd.s32 v23, v35  }
0x2f9: {  	v58 =	vadd.s32 v23, v36;
	v46 =	vld [tilespmem:s29+$0x44D0];
	[tilespmem:v52+s20+$0x0] =	vst.idx.msk $0xffff, v39  }
0x2fa: {  	v60 =	vadd.s32 v23, v38;
	[tilespmem:v54+s20+$0x0] =	vst.idx.msk $0xffff, v53;
	v59 =	vld [tilespmem:s1+$0x44F0]  }
0x2fb: {  	v62 =	vadd.s32 v23, v37;
	[tilespmem:v55+s20+$0x0] =	vst.idx.msk $0xffff, v42;
	v61 =	vld [tilespmem:s1+$0x44D0]  }
0x2fc: {  	v63 =	vadd.s32 v24, v33;
	[tilespmem:v56+s20+$0x0] =	vst.idx.msk $0xffff, v48;
	v42 =	vld [tilespmem:s25+$0x4B20]  }
0x2fd: {  	[tilespmem:v57+s20+$0x0] =	vst.idx.msk $0xffff, v44;
	v48 =	vld [tilespmem:s25+$0x4B00];
	v52 =	vor.u32 v24, v32  }
0x2fe: {  	[tilespmem:v58+s20+$0x0] =	vst.idx.msk $0xffff, v46;
	v44 =	vld [tilespmem:s29+$0x4B20];
	v53 =	vadd.s32 v24, v35  }
0x2ff: {  	v46 =	vld [tilespmem:s29+$0x4B00];
	v54 =	vor.u32 v24, v36;
	[tilespmem:v60+s20+$0x0] =	vst.idx.msk $0xffff, v59  }
0x300: {  	v55 =	vadd.s32 v24, v38;
	[tilespmem:v62+s20+$0x0] =	vst.idx.msk $0xffff, v61;
	v34 =	vld [tilespmem:s1+$0x4B20]  }
0x301: {  	v56 =	vor.u32 v24, v37;
	[tilespmem:v63+s20+$0x0] =	vst.idx.msk $0xffff, v42;
	v40 =	vld [tilespmem:s1+$0x4B00]  }
0x302: {  	v57 =	vadd.s32 v25, v33;
	[tilespmem:v52+s20+$0x0] =	vst.idx.msk $0xffff, v48;
	v42 =	vld [tilespmem:s25+$0x4B30]  }
0x303: {  	v58 =	vadd.s32 v25, v32;
	[tilespmem:v53+s20+$0x0] =	vst.idx.msk $0xffff, v44;
	v48 =	vld [tilespmem:s25+$0x4B10]  }
0x304: {  	[tilespmem:v54+s20+$0x0] =	vst.idx.msk $0xffff, v46;
	v44 =	vld [tilespmem:s29+$0x4B30];
	v59 =	vadd.s32 v25, v35  }
0x305: {  	v46 =	vld [tilespmem:s29+$0x4B10];
	v60 =	vadd.s32 v25, v36;
	[tilespmem:v55+s20+$0x0] =	vst.idx.msk $0xffff, v34  }
0x306: {  	v61 =	vadd.s32 v25, v38;
	[tilespmem:v56+s20+$0x0] =	vst.idx.msk $0xffff, v40;
	v34 =	vld [tilespmem:s1+$0x4B30]  }
0x307: {  	v62 =	vadd.s32 v25, v37;
	[tilespmem:v57+s20+$0x0] =	vst.idx.msk $0xffff, v42;
	v40 =	vld [tilespmem:s1+$0x4B10]  }
0x308: {  	v63 =	vadd.s32 v26, v33;
	[tilespmem:v58+s20+$0x0] =	vst.idx.msk $0xffff, v48;
	v42 =	vld [tilespmem:s25+$0x5160]  }
0x309: {  	v52 =	vor.u32 v26, v32;
	[tilespmem:v59+s20+$0x0] =	vst.idx.msk $0xffff, v44;
	v48 =	vld [tilespmem:s25+$0x5140]  }
0x30a: {  	v53 =	vadd.s32 v26, v35;
	[tilespmem:v60+s20+$0x0] =	vst.idx.msk $0xffff, v46;
	v44 =	vld [tilespmem:s29+$0x5160]  }
0x30b: {  	v54 =	vor.u32 v26, v36;
	v46 =	vld [tilespmem:s29+$0x5140];
	[tilespmem:v61+s20+$0x0] =	vst.idx.msk $0xffff, v34  }
0x30c: {  	v55 =	vadd.s32 v26, v38;
	[tilespmem:v62+s20+$0x0] =	vst.idx.msk $0xffff, v40;
	v34 =	vld [tilespmem:s1+$0x5160]  }
0x30d: {  	v56 =	vor.u32 v26, v37;
	[tilespmem:v63+s20+$0x0] =	vst.idx.msk $0xffff, v42;
	v40 =	vld [tilespmem:s1+$0x5140]  }
0x30e: {  	v57 =	vadd.s32 v27, v33;
	[tilespmem:v52+s20+$0x0] =	vst.idx.msk $0xffff, v48;
	v42 =	vld [tilespmem:s25+$0x5170]  }
0x30f: {  	v58 =	vadd.s32 v27, v32;
	[tilespmem:v53+s20+$0x0] =	vst.idx.msk $0xffff, v44;
	v48 =	vld [tilespmem:s25+$0x5150]  }
0x310: {  	v59 =	vadd.s32 v27, v35;
	[tilespmem:v54+s20+$0x0] =	vst.idx.msk $0xffff, v46;
	v44 =	vld [tilespmem:s29+$0x5170]  }
0x311: {  	v60 =	vadd.s32 v27, v36;
	v46 =	vld [tilespmem:s29+$0x5150];
	[tilespmem:v55+s20+$0x0] =	vst.idx.msk $0xffff, v34  }
0x312: {  	v61 =	vadd.s32 v27, v38;
	[tilespmem:v56+s20+$0x0] =	vst.idx.msk $0xffff, v40;
	v34 =	vld [tilespmem:s1+$0x5170]  }
0x313: {  	v62 =	vadd.s32 v27, v37;
	[tilespmem:v57+s20+$0x0] =	vst.idx.msk $0xffff, v42;
	v40 =	vld [tilespmem:s1+$0x5150]  }
0x314: {  	v63 =	vadd.s32 v28, v33;
	[tilespmem:v58+s20+$0x0] =	vst.idx.msk $0xffff, v48;
	v42 =	vld [tilespmem:s25+$0x57A0]  }
0x315: {  	v52 =	vor.u32 v28, v32;
	[tilespmem:v59+s20+$0x0] =	vst.idx.msk $0xffff, v44;
	v48 =	vld [tilespmem:s25+$0x5780]  }
0x316: {  	v53 =	vadd.s32 v28, v35;
	[tilespmem:v60+s20+$0x0] =	vst.idx.msk $0xffff, v46;
	v44 =	vld [tilespmem:s29+$0x57A0]  }
0x317: {  	v54 =	vor.u32 v28, v36;
	v46 =	vld [tilespmem:s29+$0x5780];
	[tilespmem:v61+s20+$0x0] =	vst.idx.msk $0xffff, v34  }
0x318: {  	v55 =	vadd.s32 v28, v38;
	[tilespmem:v62+s20+$0x0] =	vst.idx.msk $0xffff, v40;
	v34 =	vld [tilespmem:s1+$0x57A0]  }
0x319: {  	v56 =	vor.u32 v28, v37;
	[tilespmem:v63+s20+$0x0] =	vst.idx.msk $0xffff, v42;
	v40 =	vld [tilespmem:s1+$0x5780]  }
0x31a: {  	v57 =	vadd.s32 v29, v33;
	[tilespmem:v52+s20+$0x0] =	vst.idx.msk $0xffff, v48;
	v42 =	vld [tilespmem:s25+$0x57B0]  }
0x31b: {  	v58 =	vadd.s32 v29, v32;
	[tilespmem:v53+s20+$0x0] =	vst.idx.msk $0xffff, v44;
	v48 =	vld [tilespmem:s25+$0x5790]  }
0x31c: {  	v59 =	vadd.s32 v29, v35;
	[tilespmem:v54+s20+$0x0] =	vst.idx.msk $0xffff, v46;
	v44 =	vld [tilespmem:s29+$0x57B0]  }
0x31d: {  	v60 =	vadd.s32 v29, v36;
	v46 =	vld [tilespmem:s29+$0x5790];
	[tilespmem:v55+s20+$0x0] =	vst.idx.msk $0xffff, v34  }
0x31e: {  	v61 =	vadd.s32 v29, v38;
	[tilespmem:v56+s20+$0x0] =	vst.idx.msk $0xffff, v40;
	v34 =	vld [tilespmem:s1+$0x57B0]  }
0x31f: {  	v62 =	vadd.s32 v29, v37;
	[tilespmem:v57+s20+$0x0] =	vst.idx.msk $0xffff, v42;
	v40 =	vld [tilespmem:s1+$0x5790]  }
0x320: {  	v63 =	vadd.s32 v30, v33;
	[tilespmem:v58+s20+$0x0] =	vst.idx.msk $0xffff, v48;
	v42 =	vld [tilespmem:s25+$0x5DE0]  }
0x321: {  	v52 =	vor.u32 v30, v32;
	[tilespmem:v59+s20+$0x0] =	vst.idx.msk $0xffff, v44;
	v48 =	vld [tilespmem:s25+$0x5DC0]  }
0x322: {  	v53 =	vadd.s32 v30, v35;
	[tilespmem:v60+s20+$0x0] =	vst.idx.msk $0xffff, v46;
	v44 =	vld [tilespmem:s29+$0x5DE0]  }
0x323: {  	v54 =	vor.u32 v30, v36;
	v46 =	vld [tilespmem:s29+$0x5DC0];
	[tilespmem:v61+s20+$0x0] =	vst.idx.msk $0xffff, v34  }
0x324: {  	v55 =	vadd.s32 v30, v38;
	[tilespmem:v62+s20+$0x0] =	vst.idx.msk $0xffff, v40;
	v34 =	vld [tilespmem:s1+$0x5DE0]  }
0x325: {  	v56 =	vor.u32 v30, v37;
	[tilespmem:v63+s20+$0x0] =	vst.idx.msk $0xffff, v42;
	v40 =	vld [tilespmem:s1+$0x5DC0]  }
0x326: {  	v57 =	vadd.s32 v31, v33;
	[tilespmem:v52+s20+$0x0] =	vst.idx.msk $0xffff, v48;
	v42 =	vld [tilespmem:s25+$0x5DF0]  }
0x327: {  	v59 =	vadd.s32 v31, v32;
	[tilespmem:v53+s20+$0x0] =	vst.idx.msk $0xffff, v44;
	v58 =	vld [tilespmem:s25+$0x5DD0]  }
0x328: {  	v60 =	vadd.s32 v31, v35;
	[tilespmem:v54+s20+$0x0] =	vst.idx.msk $0xffff, v46;
	v44 =	vld [tilespmem:s29+$0x5DF0]  }
0x329: {  	v61 =	vld [tilespmem:s29+$0x5DD0];
	v62 =	vadd.s32 v31, v36;
	[tilespmem:v55+s20+$0x0] =	vst.idx.msk $0xffff, v34  }
0x32a: {  	v38 =	vadd.s32 v31, v38;
	[tilespmem:v56+s20+$0x0] =	vst.idx.msk $0xffff, v40;
	v34 =	vld [tilespmem:s1+$0x5DF0]  }
0x32b: {  	v37 =	vadd.s32 v31, v37;
	[tilespmem:v57+s20+$0x0] =	vst.idx.msk $0xffff, v42;
	v63 =	vld [tilespmem:s1+$0x5DD0]  }
0x32c: {  	[tilespmem:v59+s20+$0x0] =	vst.idx.msk $0xffff, v58  }
0x32d: {  	[tilespmem:v60+s20+$0x0] =	vst.idx.msk $0xffff, v44  }
0x32e: {  	[tilespmem:v62+s20+$0x0] =	vst.idx.msk $0xffff, v61  }
0x32f: {  	[tilespmem:v38+s20+$0x0] =	vst.idx.msk $0xffff, v34  }
0x330: {  	s0 =	simm.s32 @!p0 $0x2;
	[tilespmem:v37+s20+$0x0] =	vst.idx.msk $0xffff, v63  }
0x331: {  	_ =	swait.ge @!p0 [sflag:s0], $0x320  }
0x332: {  	s30 =	sadd.s32 s26, s5;
	[sflag:s0] =	ssyncset.done @!p0 $0x0  }
0x333: {  	s1 =	simm.s32 @!p0 $0x6A40;
	[sflag:s0] =	ssyncadd.s32 @!p0 $0xFFFFFCE0;
	s0 =	simm.s32 @!p0 $0x320  }
0x334: {  	[tilespmem:s1], [sflag:$0x4] =	stream.indirect.gather @!p0 [hbm4b:s4+s0], $0x20, s0, s0, $0xb8;
	[tilespmem:$0x1FA40] =	vst v63  }
0x335: {  	s31 =	simm.s32 $0x16440;
	s0 =	sadd.s32 $0x2, s30;
	s1 =	simm.s32 $0x60  }
0x336: {  	[hbm4b:s0+s3] =	stream.linear.scatter [tilespmem:s31], [sflag:$0x6], $0x10, $0x38;
	[tilespmem:$0x1FA40] =	vst v63  }
.LBB2_13:
0x337: {  	p0 =	seq.s32 s1, $0x257A0  }
.Ltmp5:
0x338: {  	_ = 	snop;
	(pc) =	sbr.rel @!p0 .LBB2_13-.Ltmp5, $4  }
0x339: {  	_ = 	snop  }
0x33a: {  	s25 =	sshra.s32 s1, $0x2;
	s1 =	sadd.s32 $0x60, s1  }
0x33b: {  	s0 =	sadd.s32 $0x800, s0;
	s25 =	sadd.s32 $0x16440, s25  }
0x33c: {  	[hbm4b:s0+s3] =	stream.linear.scatter [tilespmem:s25], [sflag:$0x6], $0x10, $0x38;
	[tilespmem:$0x1FA40] =	vst v63  }
0x33d: {  	p0 =	seq.s32 s24, $0x10  }
.Ltmp6:
0x33e: {  	_ = 	snop;
	(pc) =	sbr.rel @!p0 .LBB2_3-.Ltmp6, $1  }
0x33f: {  	_ =	sdelay $0x3  }
0x340: {  	s23 =	sadd.s32 $0x1, s23  }
0x341: {  	_ =	swait.ge [sflag:s21], $0x6400;
	p0 =	sne.s32 s23, s11  }
.Ltmp7:
0x342: {  	[sflag:s21] =	ssyncset.done $0x0;
	(pc) =	sbr.rel @p0 .LBB2_1-.Ltmp7, $4  }
0x343: {  	[sflag:s21] =	ssyncadd.s32 $0xFFFF9C00  }
0x344: {  	_ =	swait.ge [sflag:s22], $0x6400  }
0x345: {  	[sflag:s22] =	ssyncset.done $0x0  }
0x346: {  	[sflag:s22] =	ssyncadd.s32 $0xFFFF9C00  }
0x347: {  	_ =	sfence.sel $0x180000  }
0x348: {  	[bflag:$0x0] =	sbarrier.arrive $0xFFFF  }
0x349: {  	_ =	strace $0x90000047  }
0x34a: {  	s0 =	stileid.u32;
	[bflag:$0x2] =	sbarrier.arrive $0xFFFF  }
0x34b: {  	p0 =	sne.s32 s0, $0x0;
	s0 =	rddreg [dreg:$0x2]  }
0x34c: {  	s0 =	sadd.s32 @!p0 $0x100000, s0  }
0x34d: {  	[sflag:s0] =	ssyncadd.tile.s32 @!p0 $0x1;
	_ =	shalt  }
.Lfunc_end2:
_tile_overlayer_lowered:
.L_overlay_start_2:
0x34e: {  	(tag) =	ssettag $0x2  }
0x34f: {  	s0 =	rddreg [dreg:$0x0];
	s2 =	stileid.u32  }
0x350: {  	s1 =	rddreg [dreg:$0x1];
	p0 =	sne.s32 s2, $0x0  }
0x351: {  	s3 =	rddreg [dreg:$0x2];
	[bflag:$0x3] =	sbarrier.arrive $0xFFFF;
	s2 =	simm.s32 @!p0 $0x1C07  }
0x352: {  	[timem:s3], [sflag:s2] =	dma.local @!p0 [hbm:s0], s1  }
0x353: {  	s0 =	simm.s32 @!p0 $0x7  }
0x354: {  	_ =	swait.ge @!p0 [sflag:s0], s1  }
0x355: {  	s1 =	ssub.s32 @!p0 $0x0, s1;
	[sflag:s0] =	ssyncset.done @!p0 $0x0  }
0x356: {  	[sflag:s0] =	ssyncadd.s32 @!p0 s1  }
0x357: {  	[bflag:$0x3] =	sbarrier.arrive $0xFFFF  }
0x358: {  	_ =	shalt  }

</sc_bundles>
